<compile_context>
chip_gen: v7x
topology: tpu7x:2x2x1
jax: 0.10.2.dev20260603
libtpu: 0.0.44.dev20260713+nightly
codegen_flags: <defaults>
</compile_context>

<pallas_src>
import jax
import jax.numpy as jnp
from jax import lax
from jax.experimental import pallas as pl
from jax.experimental.pallas import tpu as pltpu
from jax.experimental.pallas import tpu_sc as plsc

_NC = 2
_NS = 16
_NW = _NC * _NS
_C = 128
_NPAD = 10112
_R = 632


def _zero_rows(rows_v, width):
    z16 = jnp.zeros((16,), jnp.float32)
    nsub = width // 16

    def zrow(i, c):
        for j in range(nsub):
            rows_v[i, pl.ds(j * 16, 16)] = z16
        return c
    lax.fori_loop(0, _C, zrow, 0)


def _zero_acc_slice(rows_v, acc_sh, r0):
    rpt = _NPAD // _NS
    nfull = rpt // _C
    rem = rpt - nfull * _C

    def zcopy(k, c):
        pltpu.sync_copy(rows_v, acc_sh.at[pl.ds(r0 + k * _C, _C)])
        return c
    lax.fori_loop(0, nfull, zcopy, 0)
    if rem:
        pltpu.sync_copy(rows_v.at[pl.ds(0, rem)],
                        acc_sh.at[pl.ds(r0 + nfull * _C, rem)])


def _make_agg(width, n_chunks):
    epw = n_chunks * _C
    rpt = _NPAD // _NS

    def body(table_r, src_r, dst_r, out_r, sidx_v, didx_v, rows_v,
             acc_sh, sem):
        cid = lax.axis_index("c")
        sid = lax.axis_index("s")
        wid = sid * _NC + cid
        r0 = sid * rpt

        _zero_rows(rows_v, width)
        _zero_acc_slice(rows_v, acc_sh, r0)
        plsc.subcore_barrier()

        base = wid * epw

        def chunk(j, c):
            off = pl.multiple_of(base + j * _C, _C)
            pltpu.sync_copy(src_r.at[pl.ds(off, _C)], sidx_v)
            pltpu.sync_copy(dst_r.at[pl.ds(off, _C)], didx_v)
            pltpu.async_copy(table_r.at[sidx_v], rows_v, sem).wait()
            pltpu.sync_copy(rows_v, acc_sh.at[didx_v], add=True)
            return c
        lax.fori_loop(0, n_chunks, chunk, 0)

        plsc.subcore_barrier()
        pltpu.sync_copy(acc_sh.at[pl.ds(r0, rpt)],
                        out_r.at[pl.ds(cid * _NPAD + r0, rpt)])

    mesh = plsc.VectorSubcoreMesh(
        core_axis_name="c", subcore_axis_name="s",
        num_cores=_NC, num_subcores=_NS)
    return pl.kernel(
        body,
        out_type=jax.ShapeDtypeStruct((2 * _NPAD, width), jnp.float32),
        mesh=mesh,
        scratch_types=[
            pltpu.VMEM((_C,), jnp.int32),
            pltpu.VMEM((_C,), jnp.int32),
            pltpu.VMEM((_C, width), jnp.float32),
            pltpu.VMEM_SHARED((_NPAD, width), jnp.float32),
            pltpu.SemaphoreType.DMA,
        ])


_NROW = 80


def _make_degv(n_blocks):
    def body(dst_r, out_r, didx_v, acc_v, sem):
        cid = lax.axis_index("c")
        sid = lax.axis_index("s")
        wid = sid * _NC + cid
        z16 = jnp.zeros((16,), jnp.float32)
        o16 = z16 + 1.0

        def zrow(i, c):
            for j in range(8):
                acc_v[i, pl.ds(j * 16, 16)] = z16
            return c
        lax.fori_loop(0, _NROW, zrow, 0)

        base = wid * n_blocks * 8

        def blk(b, c):
            boff = pl.multiple_of(base + b * 8, 8)
            pltpu.sync_copy(dst_r.at[pl.ds(boff, 8)], didx_v)
            for m in range(8):
                for l in range(8):
                    d = didx_v[m, pl.ds(l * 16, 16)]
                    row = jax.lax.shift_right_logical(d, 7)
                    col = jax.lax.bitwise_and(d, 127)
                    plsc.addupdate_scatter(acc_v, [row, col], o16)
            return c
        lax.fori_loop(0, n_blocks, blk, 0)

        pltpu.sync_copy(acc_v, out_r.at[pl.ds(wid * _NROW, _NROW)])

    mesh = plsc.VectorSubcoreMesh(
        core_axis_name="c", subcore_axis_name="s",
        num_cores=_NC, num_subcores=_NS)
    return pl.kernel(
        body,
        out_type=jax.ShapeDtypeStruct((_NW * _NROW, 128), jnp.float32),
        mesh=mesh,
        compiler_params=pltpu.CompilerParams(needs_layout_passes=False),
        scratch_types=[
            pltpu.VMEM((8, _C), jnp.int32),
            pltpu.VMEM((_NROW, 128), jnp.float32),
            pltpu.SemaphoreType.DMA,
        ])


def _reduce_deg(parts):
    def body(p, o):
        @pl.when(pl.program_id(0) == 0)
        def _():
            o[...] = jnp.zeros_like(o)
        o[...] += p[...]

    return pl.pallas_call(
        body,
        grid=(_NW,),
        in_specs=[pl.BlockSpec((_NROW, 128), lambda i: (i, 0))],
        out_specs=pl.BlockSpec((_NROW, 128), lambda i: (0, 0)),
        out_shape=jax.ShapeDtypeStruct((_NROW, 128), jnp.float32),
    )(parts)


def _layer0(feat, deg, w0t, b0r):
    g = _NPAD // _R

    def body(fa, fb, dd, w, b, o):
        s = fa[...] + fb[...]
        inv = 1.0 / jnp.maximum(dd[...], 1.0)
        h = jnp.dot(s * inv, w[...], preferred_element_type=jnp.float32)
        o[...] = jnp.maximum(h + b[...], 0.0)

    return pl.pallas_call(
        body,
        grid=(g,),
        in_specs=[
            pl.BlockSpec((_R, 128), lambda i: (i, 0)),
            pl.BlockSpec((_R, 128), lambda i, g=g: (i + g, 0)),
            pl.BlockSpec((_R, 1), lambda i: (i, 0)),
            pl.BlockSpec((128, 128), lambda i: (0, 0)),
            pl.BlockSpec((1, 128), lambda i: (0, 0)),
        ],
        out_specs=pl.BlockSpec((_R, 128), lambda i: (i, 0)),
        out_shape=jax.ShapeDtypeStruct((_NPAD, 128), jnp.float32),
    )(feat, feat, deg, w0t, b0r)


def _layer1(feat, deg, w1t, b1r, w2at, w2bt):
    g = _NPAD // _R

    def body(fa, fb, dd, w1, b1, wa, wb, o):
        s = fa[...] + fb[...]
        inv = 1.0 / jnp.maximum(dd[...], 1.0)
        t = jnp.dot(s * inv, w1[...], preferred_element_type=jnp.float32)
        t = t + b1[...]
        z = (jnp.dot(t, wa[...], preferred_element_type=jnp.float32)
             + jnp.dot(jnp.maximum(t, 0.0), wb[...],
                       preferred_element_type=jnp.float32))
        o[...] = z

    return pl.pallas_call(
        body,
        grid=(g,),
        in_specs=[
            pl.BlockSpec((_R, 128), lambda i: (i, 0)),
            pl.BlockSpec((_R, 128), lambda i, g=g: (i + g, 0)),
            pl.BlockSpec((_R, 1), lambda i: (i, 0)),
            pl.BlockSpec((128, 128), lambda i: (0, 0)),
            pl.BlockSpec((1, 128), lambda i: (0, 0)),
            pl.BlockSpec((128, 128), lambda i: (0, 0)),
            pl.BlockSpec((128, 128), lambda i: (0, 0)),
        ],
        out_specs=pl.BlockSpec((_R, 128), lambda i: (i, 0)),
        out_shape=jax.ShapeDtypeStruct((_NPAD, 128), jnp.float32),
    )(feat, feat, deg, w1t, b1r, w2at, w2bt)


def _layer2(feat, deg, b2r):
    g = _NPAD // _R

    def body(fa, fb, dd, b, o):
        s = fa[...] + fb[...]
        inv = 1.0 / jnp.maximum(dd[...], 1.0)
        o[...] = s * inv + b[...]

    return pl.pallas_call(
        body,
        grid=(g,),
        in_specs=[
            pl.BlockSpec((_R, 128), lambda i: (i, 0)),
            pl.BlockSpec((_R, 128), lambda i, g=g: (i + g, 0)),
            pl.BlockSpec((_R, 1), lambda i: (i, 0)),
            pl.BlockSpec((1, 128), lambda i: (0, 0)),
        ],
        out_specs=pl.BlockSpec((_R, 128), lambda i: (i, 0)),
        out_shape=jax.ShapeDtypeStruct((_NPAD, 128), jnp.float32),
    )(feat, feat, deg, b2r)


def kernel(x, edge_index, W0, b0, W1, b1, W2, b2):
    n, d_in = x.shape
    e = edge_index.shape[1]
    n_classes = W2.shape[0]

    n_chunks = (e + _NW * _C - 1) // (_NW * _C)
    n_chunks = ((n_chunks + 15) // 16) * 16
    e_pad = n_chunks * _C * _NW

    src = edge_index[0]
    dst = edge_index[1]
    pad_e = e_pad - e
    srcp = jnp.concatenate([src, jnp.zeros((pad_e,), jnp.int32)])
    dstp = jnp.concatenate([dst, jnp.full((pad_e,), n, jnp.int32)])
    xp = jnp.concatenate([x, jnp.zeros((_NPAD - n, d_in), jnp.float32)])

    b0r = b0.reshape(1, -1)
    b1r = b1.reshape(1, -1)
    w2t = W2.T
    w2at = jnp.zeros((128, 128), jnp.float32).at[:, :n_classes].set(w2t[:128])
    w2bt = jnp.zeros((128, 128), jnp.float32).at[:, :n_classes].set(w2t[128:])
    b2r = jnp.zeros((1, 128), jnp.float32).at[0, :n_classes].set(b2)

    agg128 = _make_agg(128, n_chunks)
    degv = _make_degv(n_chunks // 8)

    deg_parts = degv(dstp.reshape(e_pad // 128, 128))
    deg = _reduce_deg(deg_parts).reshape(_NROW * 128, 1)[:_NPAD]
    feat0 = agg128(xp, srcp, dstp)
    h0 = _layer0(feat0, deg, W0.T, b0r)
    feat1 = agg128(h0, srcp, dstp)
    z = _layer1(feat1, deg, W1.T, b1r, w2at, w2bt)
    feat2 = agg128(z, srcp, dstp)
    out = _layer2(feat2, deg, b2r)
    return out[:n, :n_classes]

# --- scband reference (transcript-rebuilt; emitter-appended) ---
"""Pipeline reference for scband-gcnsampling-18141941859028 (READ-ONLY COPY).

The authoritative reference and input builder live on the scoring server;
editing this copy changes nothing except your own understanding.
"""

import jax, jax.numpy as jnp
import numpy as np

N = 10000
E = 320000
D_IN = 128
D_HID = 128
N_CLASSES = 41


def setup_inputs(seed: int = 0) -> dict:
    key = jax.random.key(seed)
    ks = jax.random.split(key, 10)
    x = jax.random.normal(ks[0], (N, D_IN), dtype=jnp.float32)
    edge_index = jax.random.randint(ks[1], (2, E), 0, N, dtype=jnp.int32)
    s0 = 1.0 / np.sqrt(D_IN)
    s1 = 1.0 / np.sqrt(D_HID)
    s2 = 1.0 / np.sqrt(2 * D_HID)
    W0 = jax.random.uniform(ks[2], (D_HID, D_IN), jnp.float32, -s0, s0)
    b0 = jax.random.uniform(ks[3], (D_HID,), jnp.float32, -s0, s0)
    W1 = jax.random.uniform(ks[4], (D_HID, D_HID), jnp.float32, -s1, s1)
    b1 = jax.random.uniform(ks[5], (D_HID,), jnp.float32, -s1, s1)
    W2 = jax.random.uniform(ks[6], (N_CLASSES, 2 * D_HID), jnp.float32, -s2, s2)
    b2 = jax.random.uniform(ks[7], (N_CLASSES,), jnp.float32, -s2, s2)
    return {"x": x, "edge_index": edge_index, "W0": W0, "b0": b0, "W1": W1, "b1": b1, "W2": W2, "b2": b2}


def reference(x, edge_index, W0, b0, W1, b1, W2, b2):
    src = edge_index[0]
    dst = edge_index[1]
    deg = jax.ops.segment_sum(jnp.ones((E,), dtype=jnp.float32), dst, num_segments=N)
    deg = jnp.maximum(deg, 1.0)[:, None]

    def mean_agg(h):
        m = jnp.take(h, src, axis=0)
        return jax.ops.segment_sum(m, dst, num_segments=N) / deg

    # Block 0: NodeUpdate(in_feats, n_hidden, relu, concat=False)
    h = mean_agg(x)
    h = h @ W0.T + b0
    h = jax.nn.relu(h)
    # Block 1: NodeUpdate(n_hidden, n_hidden, relu, concat=True)  (skip_start)
    h = mean_agg(h)
    h = h @ W1.T + b1
    h = jnp.concatenate([h, jax.nn.relu(h)], axis=1)
    # Block 2: NodeUpdate(2*n_hidden, n_classes, activation=None)
    h = mean_agg(h)
    h = h @ W2.T + b2
    return h

if __name__ == "__main__":
    import jax
    _d = setup_inputs()
    print(jax.jit(kernel)(*tuple(_d.values())))

</pallas_src>

<mosaic_0001>
#map = affine_map<(d0, d1) -> (0, 0)>
module attributes {stable_mosaic.version = 14 : i64} {
  func.func @body(%arg0: i32, %arg1: i32, %arg2: memref<2560x128xi32, #tpu.memory_space<hbm>>, %arg3: memref<2560x128xf32, #tpu.memory_space<hbm>>, %arg4: memref<8x128xi32, #tpu.memory_space<vmem>>, %arg5: memref<80x128xf32, #tpu.memory_space<vmem>>, %arg6: memref<!tpu.dma_semaphore, #tpu.memory_space<semaphore_mem>>) attributes {dimension_semantics = [#tpu.dimension_semantics<core_parallel>, #tpu.dimension_semantics<subcore_parallel>], iteration_bounds = array<i64: 2, 16>, scalar_prefetch = 0 : i64, scratch_operands = 3 : i64, tpu.core_type = #tpu.core_type<sc_vector_subcore>, window_params = [{transform_indices = #map}, {transform_indices = #map}]} {
    %mul3A = arith.constant 2 : i32
    %mul3A_0 = arith.muli %arg1, %mul3A : i32
    %add3A = arith.addi %mul3A_0, %arg0 : i32
    %broadcast_in_dim3A = arith.constant 0.000000e+00 : f32
    %broadcast_in_dim3A_1 = vector.broadcast %broadcast_in_dim3A : f32 to vector<16xf32>
    %add3A_2 = arith.constant 1.000000e+00 : f32
    %add3A_3 = vector.broadcast %add3A_2 : f32 to vector<16xf32>
    %add3A_4 = arith.addf %broadcast_in_dim3A_1, %add3A_3 : vector<16xf32>
    %scan3A = arith.constant 0 : i32
    %scan3A_5 = arith.constant 0 : i32
    %scan3A_6 = arith.constant 80 : i32
    %scan3A_7 = arith.addi %scan3A_5, %scan3A_6 : i32
    %scan3A_8 = arith.constant 1 : i32
    scf.for %scan3A_22 = %scan3A_5 to %scan3A_7 step %scan3A_8  : i32 {
      %swap3A = arith.index_cast %scan3A_22 : i32 to index
      %swap3A_23 = arith.constant 0 : index
      %swap3A_24 = tpu.vector_load %arg5[%swap3A, %swap3A_23] {strides = array<i32>} : memref<80x128xf32, #tpu.memory_space<vmem>>, vector<16xf32>,
      tpu.vector_store %arg5[%swap3A, %swap3A_23], %broadcast_in_dim3A_1 {strides = array<i32>} : memref<80x128xf32, #tpu.memory_space<vmem>>, vector<16xf32>,
      %swap3A_25 = arith.index_cast %scan3A_22 : i32 to index
      %swap3A_26 = arith.constant 16 : index
      %swap3A_27 = tpu.vector_load %arg5[%swap3A_25, %swap3A_26] {strides = array<i32>} : memref<80x128xf32, #tpu.memory_space<vmem>>, vector<16xf32>,
      tpu.vector_store %arg5[%swap3A_25, %swap3A_26], %broadcast_in_dim3A_1 {strides = array<i32>} : memref<80x128xf32, #tpu.memory_space<vmem>>, vector<16xf32>,
      %swap3A_28 = arith.index_cast %scan3A_22 : i32 to index
      %swap3A_29 = arith.constant 32 : index
      %swap3A_30 = tpu.vector_load %arg5[%swap3A_28, %swap3A_29] {strides = array<i32>} : memref<80x128xf32, #tpu.memory_space<vmem>>, vector<16xf32>,
      tpu.vector_store %arg5[%swap3A_28, %swap3A_29], %broadcast_in_dim3A_1 {strides = array<i32>} : memref<80x128xf32, #tpu.memory_space<vmem>>, vector<16xf32>,
      %swap3A_31 = arith.index_cast %scan3A_22 : i32 to index
      %swap3A_32 = arith.constant 48 : index
      %swap3A_33 = tpu.vector_load %arg5[%swap3A_31, %swap3A_32] {strides = array<i32>} : memref<80x128xf32, #tpu.memory_space<vmem>>, vector<16xf32>,
      tpu.vector_store %arg5[%swap3A_31, %swap3A_32], %broadcast_in_dim3A_1 {strides = array<i32>} : memref<80x128xf32, #tpu.memory_space<vmem>>, vector<16xf32>,
      %swap3A_34 = arith.index_cast %scan3A_22 : i32 to index
      %swap3A_35 = arith.constant 64 : index
      %swap3A_36 = tpu.vector_load %arg5[%swap3A_34, %swap3A_35] {strides = array<i32>} : memref<80x128xf32, #tpu.memory_space<vmem>>, vector<16xf32>,
      tpu.vector_store %arg5[%swap3A_34, %swap3A_35], %broadcast_in_dim3A_1 {strides = array<i32>} : memref<80x128xf32, #tpu.memory_space<vmem>>, vector<16xf32>,
      %swap3A_37 = arith.index_cast %scan3A_22 : i32 to index
      %swap3A_38 = arith.constant 80 : index
      %swap3A_39 = tpu.vector_load %arg5[%swap3A_37, %swap3A_38] {strides = array<i32>} : memref<80x128xf32, #tpu.memory_space<vmem>>, vector<16xf32>,
      tpu.vector_store %arg5[%swap3A_37, %swap3A_38], %broadcast_in_dim3A_1 {strides = array<i32>} : memref<80x128xf32, #tpu.memory_space<vmem>>, vector<16xf32>,
      %swap3A_40 = arith.index_cast %scan3A_22 : i32 to index
      %swap3A_41 = arith.constant 96 : index
      %swap3A_42 = tpu.vector_load %arg5[%swap3A_40, %swap3A_41] {strides = array<i32>} : memref<80x128xf32, #tpu.memory_space<vmem>>, vector<16xf32>,
      tpu.vector_store %arg5[%swap3A_40, %swap3A_41], %broadcast_in_dim3A_1 {strides = array<i32>} : memref<80x128xf32, #tpu.memory_space<vmem>>, vector<16xf32>,
      %swap3A_43 = arith.index_cast %scan3A_22 : i32 to index
      %swap3A_44 = arith.constant 112 : index
      %swap3A_45 = tpu.vector_load %arg5[%swap3A_43, %swap3A_44] {strides = array<i32>} : memref<80x128xf32, #tpu.memory_space<vmem>>, vector<16xf32>,
      tpu.vector_store %arg5[%swap3A_43, %swap3A_44], %broadcast_in_dim3A_1 {strides = array<i32>} : memref<80x128xf32, #tpu.memory_space<vmem>>, vector<16xf32>,
    }
    %scan3A_9 = arith.constant 80 : i32
    %mul3A_10 = arith.constant 10 : i32
    %mul3A_11 = arith.muli %add3A, %mul3A_10 : i32
    %mul3A_12 = arith.constant 8 : i32
    %mul3A_13 = arith.muli %mul3A_11, %mul3A_12 : i32
    %scan3A_14 = arith.constant 0 : i32
    %scan3A_15 = arith.constant 0 : i32
    %scan3A_16 = arith.constant 10 : i32
    %scan3A_17 = arith.addi %scan3A_15, %scan3A_16 : i32
    %scan3A_18 = arith.constant 1 : i32
    scf.for %scan3A_22 = %scan3A_15 to %scan3A_17 step %scan3A_18  : i32 {
      %mul3A_23 = arith.constant 8 : i32
      %mul3A_24 = arith.muli %scan3A_22, %mul3A_23 : i32
      %add3A_25 = arith.addi %mul3A_13, %mul3A_24 : i32
      %multiple_of3A = tpu.assume_multiple %add3A_25, 8 : i32
      "tpu.region"() ({
        %run_scoped3A = tpu.sem_alloc : memref<!tpu.dma_semaphore, #tpu.memory_space<semaphore_mem>>
        %dma_start3A = arith.constant 0 : i32
        %dma_start3A_663 = tpu.memref_slice %arg2[%multiple_of3A, %dma_start3A] : memref<2560x128xi32, #tpu.memory_space<hbm>> -> memref<8x128xi32, #tpu.memory_space<hbm>>
        %dma_start3A_664 = arith.constant 0 : i32
        %dma_start3A_665 = tpu.memref_slice %arg2[%multiple_of3A, %dma_start3A_664] : memref<2560x128xi32, #tpu.memory_space<hbm>> -> memref<8x128xi32, #tpu.memory_space<hbm>>
        tpu.enqueue_dma source(%dma_start3A_665 : memref<8x128xi32, #tpu.memory_space<hbm>>) target(%arg4 : memref<8x128xi32, #tpu.memory_space<vmem>>) target_semaphore(%run_scoped3A : memref<!tpu.dma_semaphore, #tpu.memory_space<semaphore_mem>>)
        %dma_wait3A = arith.constant 0 : i32
        %dma_wait3A_666 = tpu.memref_slice %arg2[%multiple_of3A, %dma_wait3A] : memref<2560x128xi32, #tpu.memory_space<hbm>> -> memref<8x128xi32, #tpu.memory_space<hbm>>
        %dma_wait3A_667 = arith.constant 0 : i32
        %dma_wait3A_668 = tpu.memref_slice %arg2[%multiple_of3A, %dma_wait3A_667] : memref<2560x128xi32, #tpu.memory_space<hbm>> -> memref<8x128xi32, #tpu.memory_space<hbm>>
        tpu.wait_dma2 semaphore(%run_scoped3A : memref<!tpu.dma_semaphore, #tpu.memory_space<semaphore_mem>>) src(%dma_wait3A_668 : memref<8x128xi32, #tpu.memory_space<hbm>>) dst(%arg4 : memref<8x128xi32, #tpu.memory_space<vmem>>)
        tpu.yield
      }) : () -> ()
      %get3A = arith.constant 0 : i32
      %get3A_26 = arith.index_cast %get3A : i32 to index
      %get3A_27 = arith.constant 0 : index
      %get3A_28 = tpu.vector_load %arg4[%get3A_26, %get3A_27] {strides = array<i32>} : memref<8x128xi32, #tpu.memory_space<vmem>>, vector<16xi32>,
      %shift_right_logical3A = arith.constant 7 : i32
      %shift_right_logical3A_29 = vector.broadcast %shift_right_logical3A : i32 to vector<16xi32>
      %shift_right_logical3A_30 = arith.shrui %get3A_28, %shift_right_logical3A_29 : vector<16xi32>
      %and3A = arith.constant 127 : i32
      %and3A_31 = vector.broadcast %and3A : i32 to vector<16xi32>
      %and3A_32 = arith.andi %get3A_28, %and3A_31 : vector<16xi32>
      tpu.vector_store_idx %arg5[%shift_right_logical3A_30, %and3A_32], %add3A_4 {add = true} : memref<80x128xf32, #tpu.memory_space<vmem>>[vector<16xi32>, vector<16xi32>], vector<16xf32>,
      %get3A_33 = arith.constant 0 : i32
      %get3A_34 = arith.index_cast %get3A_33 : i32 to index
      %get3A_35 = arith.constant 16 : index
      %get3A_36 = tpu.vector_load %arg4[%get3A_34, %get3A_35] {strides = array<i32>} : memref<8x128xi32, #tpu.memory_space<vmem>>, vector<16xi32>,
      %shift_right_logical3A_37 = arith.constant 7 : i32
      %shift_right_logical3A_38 = vector.broadcast %shift_right_logical3A_37 : i32 to vector<16xi32>
      %shift_right_logical3A_39 = arith.shrui %get3A_36, %shift_right_logical3A_38 : vector<16xi32>
      %and3A_40 = arith.constant 127 : i32
      %and3A_41 = vector.broadcast %and3A_40 : i32 to vector<16xi32>
      %and3A_42 = arith.andi %get3A_36, %and3A_41 : vector<16xi32>
      tpu.vector_store_idx %arg5[%shift_right_logical3A_39, %and3A_42], %add3A_4 {add = true} : memref<80x128xf32, #tpu.memory_space<vmem>>[vector<16xi32>, vector<16xi32>], vector<16xf32>,
      %get3A_43 = arith.constant 0 : i32
      %get3A_44 = arith.index_cast %get3A_43 : i32 to index
      %get3A_45 = arith.constant 32 : index
      %get3A_46 = tpu.vector_load %arg4[%get3A_44, %get3A_45] {strides = array<i32>} : memref<8x128xi32, #tpu.memory_space<vmem>>, vector<16xi32>,
      %shift_right_logical3A_47 = arith.constant 7 : i32
      %shift_right_logical3A_48 = vector.broadcast %shift_right_logical3A_47 : i32 to vector<16xi32>
      %shift_right_logical3A_49 = arith.shrui %get3A_46, %shift_right_logical3A_48 : vector<16xi32>
      %and3A_50 = arith.constant 127 : i32
      %and3A_51 = vector.broadcast %and3A_50 : i32 to vector<16xi32>
      %and3A_52 = arith.andi %get3A_46, %and3A_51 : vector<16xi32>
      tpu.vector_store_idx %arg5[%shift_right_logical3A_49, %and3A_52], %add3A_4 {add = true} : memref<80x128xf32, #tpu.memory_space<vmem>>[vector<16xi32>, vector<16xi32>], vector<16xf32>,
      %get3A_53 = arith.constant 0 : i32
      %get3A_54 = arith.index_cast %get3A_53 : i32 to index
      %get3A_55 = arith.constant 48 : index
      %get3A_56 = tpu.vector_load %arg4[%get3A_54, %get3A_55] {strides = array<i32>} : memref<8x128xi32, #tpu.memory_space<vmem>>, vector<16xi32>,
      %shift_right_logical3A_57 = arith.constant 7 : i32
      %shift_right_logical3A_58 = vector.broadcast %shift_right_logical3A_57 : i32 to vector<16xi32>
      %shift_right_logical3A_59 = arith.shrui %get3A_56, %shift_right_logical3A_58 : vector<16xi32>
      %and3A_60 = arith.constant 127 : i32
      %and3A_61 = vector.broadcast %and3A_60 : i32 to vector<16xi32>
      %and3A_62 = arith.andi %get3A_56, %and3A_61 : vector<16xi32>
      tpu.vector_store_idx %arg5[%shift_right_logical3A_59, %and3A_62], %add3A_4 {add = true} : memref<80x128xf32, #tpu.memory_space<vmem>>[vector<16xi32>, vector<16xi32>], vector<16xf32>,
      %get3A_63 = arith.constant 0 : i32
      %get3A_64 = arith.index_cast %get3A_63 : i32 to index
      %get3A_65 = arith.constant 64 : index
      %get3A_66 = tpu.vector_load %arg4[%get3A_64, %get3A_65] {strides = array<i32>} : memref<8x128xi32, #tpu.memory_space<vmem>>, vector<16xi32>,
      %shift_right_logical3A_67 = arith.constant 7 : i32
      %shift_right_logical3A_68 = vector.broadcast %shift_right_logical3A_67 : i32 to vector<16xi32>
      %shift_right_logical3A_69 = arith.shrui %get3A_66, %shift_right_logical3A_68 : vector<16xi32>
      %and3A_70 = arith.constant 127 : i32
      %and3A_71 = vector.broadcast %and3A_70 : i32 to vector<16xi32>
      %and3A_72 = arith.andi %get3A_66, %and3A_71 : vector<16xi32>
      tpu.vector_store_idx %arg5[%shift_right_logical3A_69, %and3A_72], %add3A_4 {add = true} : memref<80x128xf32, #tpu.memory_space<vmem>>[vector<16xi32>, vector<16xi32>], vector<16xf32>,
      %get3A_73 = arith.constant 0 : i32
      %get3A_74 = arith.index_cast %get3A_73 : i32 to index
      %get3A_75 = arith.constant 80 : index
      %get3A_76 = tpu.vector_load %arg4[%get3A_74, %get3A_75] {strides = array<i32>} : memref<8x128xi32, #tpu.memory_space<vmem>>, vector<16xi32>,
      %shift_right_logical3A_77 = arith.constant 7 : i32
      %shift_right_logical3A_78 = vector.broadcast %shift_right_logical3A_77 : i32 to vector<16xi32>
      %shift_right_logical3A_79 = arith.shrui %get3A_76, %shift_right_logical3A_78 : vector<16xi32>
      %and3A_80 = arith.constant 127 : i32
      %and3A_81 = vector.broadcast %and3A_80 : i32 to vector<16xi32>
      %and3A_82 = arith.andi %get3A_76, %and3A_81 : vector<16xi32>
      tpu.vector_store_idx %arg5[%shift_right_logical3A_79, %and3A_82], %add3A_4 {add = true} : memref<80x128xf32, #tpu.memory_space<vmem>>[vector<16xi32>, vector<16xi32>], vector<16xf32>,
      %get3A_83 = arith.constant 0 : i32
      %get3A_84 = arith.index_cast %get3A_83 : i32 to index
      %get3A_85 = arith.constant 96 : index
      %get3A_86 = tpu.vector_load %arg4[%get3A_84, %get3A_85] {strides = array<i32>} : memref<8x128xi32, #tpu.memory_space<vmem>>, vector<16xi32>,
      %shift_right_logical3A_87 = arith.constant 7 : i32
      %shift_right_logical3A_88 = vector.broadcast %shift_right_logical3A_87 : i32 to vector<16xi32>
      %shift_right_logical3A_89 = arith.shrui %get3A_86, %shift_right_logical3A_88 : vector<16xi32>
      %and3A_90 = arith.constant 127 : i32
      %and3A_91 = vector.broadcast %and3A_90 : i32 to vector<16xi32>
      %and3A_92 = arith.andi %get3A_86, %and3A_91 : vector<16xi32>
      tpu.vector_store_idx %arg5[%shift_right_logical3A_89, %and3A_92], %add3A_4 {add = true} : memref<80x128xf32, #tpu.memory_space<vmem>>[vector<16xi32>, vector<16xi32>], vector<16xf32>,
      %get3A_93 = arith.constant 0 : i32
      %get3A_94 = arith.index_cast %get3A_93 : i32 to index
      %get3A_95 = arith.constant 112 : index
      %get3A_96 = tpu.vector_load %arg4[%get3A_94, %get3A_95] {strides = array<i32>} : memref<8x128xi32, #tpu.memory_space<vmem>>, vector<16xi32>,
      %shift_right_logical3A_97 = arith.constant 7 : i32
      %shift_right_logical3A_98 = vector.broadcast %shift_right_logical3A_97 : i32 to vector<16xi32>
      %shift_right_logical3A_99 = arith.shrui %get3A_96, %shift_right_logical3A_98 : vector<16xi32>
      %and3A_100 = arith.constant 127 : i32
      %and3A_101 = vector.broadcast %and3A_100 : i32 to vector<16xi32>
      %and3A_102 = arith.andi %get3A_96, %and3A_101 : vector<16xi32>
      tpu.vector_store_idx %arg5[%shift_right_logical3A_99, %and3A_102], %add3A_4 {add = true} : memref<80x128xf32, #tpu.memory_space<vmem>>[vector<16xi32>, vector<16xi32>], vector<16xf32>,
      %get3A_103 = arith.constant 1 : i32
      %get3A_104 = arith.index_cast %get3A_103 : i32 to index
      %get3A_105 = arith.constant 0 : index
      %get3A_106 = tpu.vector_load %arg4[%get3A_104, %get3A_105] {strides = array<i32>} : memref<8x128xi32, #tpu.memory_space<vmem>>, vector<16xi32>,
      %shift_right_logical3A_107 = arith.constant 7 : i32
      %shift_right_logical3A_108 = vector.broadcast %shift_right_logical3A_107 : i32 to vector<16xi32>
      %shift_right_logical3A_109 = arith.shrui %get3A_106, %shift_right_logical3A_108 : vector<16xi32>
      %and3A_110 = arith.constant 127 : i32
      %and3A_111 = vector.broadcast %and3A_110 : i32 to vector<16xi32>
      %and3A_112 = arith.andi %get3A_106, %and3A_111 : vector<16xi32>
      tpu.vector_store_idx %arg5[%shift_right_logical3A_109, %and3A_112], %add3A_4 {add = true} : memref<80x128xf32, #tpu.memory_space<vmem>>[vector<16xi32>, vector<16xi32>], vector<16xf32>,
      %get3A_113 = arith.constant 1 : i32
      %get3A_114 = arith.index_cast %get3A_113 : i32 to index
      %get3A_115 = arith.constant 16 : index
      %get3A_116 = tpu.vector_load %arg4[%get3A_114, %get3A_115] {strides = array<i32>} : memref<8x128xi32, #tpu.memory_space<vmem>>, vector<16xi32>,
      %shift_right_logical3A_117 = arith.constant 7 : i32
      %shift_right_logical3A_118 = vector.broadcast %shift_right_logical3A_117 : i32 to vector<16xi32>
      %shift_right_logical3A_119 = arith.shrui %get3A_116, %shift_right_logical3A_118 : vector<16xi32>
      %and3A_120 = arith.constant 127 : i32
      %and3A_121 = vector.broadcast %and3A_120 : i32 to vector<16xi32>
      %and3A_122 = arith.andi %get3A_116, %and3A_121 : vector<16xi32>
      tpu.vector_store_idx %arg5[%shift_right_logical3A_119, %and3A_122], %add3A_4 {add = true} : memref<80x128xf32, #tpu.memory_space<vmem>>[vector<16xi32>, vector<16xi32>], vector<16xf32>,
      %get3A_123 = arith.constant 1 : i32
      %get3A_124 = arith.index_cast %get3A_123 : i32 to index
      %get3A_125 = arith.constant 32 : index
      %get3A_126 = tpu.vector_load %arg4[%get3A_124, %get3A_125] {strides = array<i32>} : memref<8x128xi32, #tpu.memory_space<vmem>>, vector<16xi32>,
      %shift_right_logical3A_127 = arith.constant 7 : i32
      %shift_right_logical3A_128 = vector.broadcast %shift_right_logical3A_127 : i32 to vector<16xi32>
      %shift_right_logical3A_129 = arith.shrui %get3A_126, %shift_right_logical3A_128 : vector<16xi32>
      %and3A_130 = arith.constant 127 : i32
      %and3A_131 = vector.broadcast %and3A_130 : i32 to vector<16xi32>
      %and3A_132 = arith.andi %get3A_126, %and3A_131 : vector<16xi32>
      tpu.vector_store_idx %arg5[%shift_right_logical3A_129, %and3A_132], %add3A_4 {add = true} : memref<80x128xf32, #tpu.memory_space<vmem>>[vector<16xi32>, vector<16xi32>], vector<16xf32>,
      %get3A_133 = arith.constant 1 : i32
      %get3A_134 = arith.index_cast %get3A_133 : i32 to index
      %get3A_135 = arith.constant 48 : index
      %get3A_136 = tpu.vector_load %arg4[%get3A_134, %get3A_135] {strides = array<i32>} : memref<8x128xi32, #tpu.memory_space<vmem>>, vector<16xi32>,
      %shift_right_logical3A_137 = arith.constant 7 : i32
      %shift_right_logical3A_138 = vector.broadcast %shift_right_logical3A_137 : i32 to vector<16xi32>
      %shift_right_logical3A_139 = arith.shrui %get3A_136, %shift_right_logical3A_138 : vector<16xi32>
      %and3A_140 = arith.constant 127 : i32
      %and3A_141 = vector.broadcast %and3A_140 : i32 to vector<16xi32>
      %and3A_142 = arith.andi %get3A_136, %and3A_141 : vector<16xi32>
      tpu.vector_store_idx %arg5[%shift_right_logical3A_139, %and3A_142], %add3A_4 {add = true} : memref<80x128xf32, #tpu.memory_space<vmem>>[vector<16xi32>, vector<16xi32>], vector<16xf32>,
      %get3A_143 = arith.constant 1 : i32
      %get3A_144 = arith.index_cast %get3A_143 : i32 to index
      %get3A_145 = arith.constant 64 : index
      %get3A_146 = tpu.vector_load %arg4[%get3A_144, %get3A_145] {strides = array<i32>} : memref<8x128xi32, #tpu.memory_space<vmem>>, vector<16xi32>,
      %shift_right_logical3A_147 = arith.constant 7 : i32
      %shift_right_logical3A_148 = vector.broadcast %shift_right_logical3A_147 : i32 to vector<16xi32>
      %shift_right_logical3A_149 = arith.shrui %get3A_146, %shift_right_logical3A_148 : vector<16xi32>
      %and3A_150 = arith.constant 127 : i32
      %and3A_151 = vector.broadcast %and3A_150 : i32 to vector<16xi32>
      %and3A_152 = arith.andi %get3A_146, %and3A_151 : vector<16xi32>
      tpu.vector_store_idx %arg5[%shift_right_logical3A_149, %and3A_152], %add3A_4 {add = true} : memref<80x128xf32, #tpu.memory_space<vmem>>[vector<16xi32>, vector<16xi32>], vector<16xf32>,
      %get3A_153 = arith.constant 1 : i32
      %get3A_154 = arith.index_cast %get3A_153 : i32 to index
      %get3A_155 = arith.constant 80 : index
      %get3A_156 = tpu.vector_load %arg4[%get3A_154, %get3A_155] {strides = array<i32>} : memref<8x128xi32, #tpu.memory_space<vmem>>, vector<16xi32>,
      %shift_right_logical3A_157 = arith.constant 7 : i32
      %shift_right_logical3A_158 = vector.broadcast %shift_right_logical3A_157 : i32 to vector<16xi32>
      %shift_right_logical3A_159 = arith.shrui %get3A_156, %shift_right_logical3A_158 : vector<16xi32>
      %and3A_160 = arith.constant 127 : i32
      %and3A_161 = vector.broadcast %and3A_160 : i32 to vector<16xi32>
      %and3A_162 = arith.andi %get3A_156, %and3A_161 : vector<16xi32>
      tpu.vector_store_idx %arg5[%shift_right_logical3A_159, %and3A_162], %add3A_4 {add = true} : memref<80x128xf32, #tpu.memory_space<vmem>>[vector<16xi32>, vector<16xi32>], vector<16xf32>,
      %get3A_163 = arith.constant 1 : i32
      %get3A_164 = arith.index_cast %get3A_163 : i32 to index
      %get3A_165 = arith.constant 96 : index
      %get3A_166 = tpu.vector_load %arg4[%get3A_164, %get3A_165] {strides = array<i32>} : memref<8x128xi32, #tpu.memory_space<vmem>>, vector<16xi32>,
      %shift_right_logical3A_167 = arith.constant 7 : i32
      %shift_right_logical3A_168 = vector.broadcast %shift_right_logical3A_167 : i32 to vector<16xi32>
      %shift_right_logical3A_169 = arith.shrui %get3A_166, %shift_right_logical3A_168 : vector<16xi32>
      %and3A_170 = arith.constant 127 : i32
      %and3A_171 = vector.broadcast %and3A_170 : i32 to vector<16xi32>
      %and3A_172 = arith.andi %get3A_166, %and3A_171 : vector<16xi32>
      tpu.vector_store_idx %arg5[%shift_right_logical3A_169, %and3A_172], %add3A_4 {add = true} : memref<80x128xf32, #tpu.memory_space<vmem>>[vector<16xi32>, vector<16xi32>], vector<16xf32>,
      %get3A_173 = arith.constant 1 : i32
      %get3A_174 = arith.index_cast %get3A_173 : i32 to index
      %get3A_175 = arith.constant 112 : index
      %get3A_176 = tpu.vector_load %arg4[%get3A_174, %get3A_175] {strides = array<i32>} : memref<8x128xi32, #tpu.memory_space<vmem>>, vector<16xi32>,
      %shift_right_logical3A_177 = arith.constant 7 : i32
      %shift_right_logical3A_178 = vector.broadcast %shift_right_logical3A_177 : i32 to vector<16xi32>
      %shift_right_logical3A_179 = arith.shrui %get3A_176, %shift_right_logical3A_178 : vector<16xi32>
      %and3A_180 = arith.constant 127 : i32
      %and3A_181 = vector.broadcast %and3A_180 : i32 to vector<16xi32>
      %and3A_182 = arith.andi %get3A_176, %and3A_181 : vector<16xi32>
      tpu.vector_store_idx %arg5[%shift_right_logical3A_179, %and3A_182], %add3A_4 {add = true} : memref<80x128xf32, #tpu.memory_space<vmem>>[vector<16xi32>, vector<16xi32>], vector<16xf32>,
      %get3A_183 = arith.constant 2 : i32
      %get3A_184 = arith.index_cast %get3A_183 : i32 to index
      %get3A_185 = arith.constant 0 : index
      %get3A_186 = tpu.vector_load %arg4[%get3A_184, %get3A_185] {strides = array<i32>} : memref<8x128xi32, #tpu.memory_space<vmem>>, vector<16xi32>,
      %shift_right_logical3A_187 = arith.constant 7 : i32
      %shift_right_logical3A_188 = vector.broadcast %shift_right_logical3A_187 : i32 to vector<16xi32>
      %shift_right_logical3A_189 = arith.shrui %get3A_186, %shift_right_logical3A_188 : vector<16xi32>
      %and3A_190 = arith.constant 127 : i32
      %and3A_191 = vector.broadcast %and3A_190 : i32 to vector<16xi32>
      %and3A_192 = arith.andi %get3A_186, %and3A_191 : vector<16xi32>
      tpu.vector_store_idx %arg5[%shift_right_logical3A_189, %and3A_192], %add3A_4 {add = true} : memref<80x128xf32, #tpu.memory_space<vmem>>[vector<16xi32>, vector<16xi32>], vector<16xf32>,
      %get3A_193 = arith.constant 2 : i32
      %get3A_194 = arith.index_cast %get3A_193 : i32 to index
      %get3A_195 = arith.constant 16 : index
      %get3A_196 = tpu.vector_load %arg4[%get3A_194, %get3A_195] {strides = array<i32>} : memref<8x128xi32, #tpu.memory_space<vmem>>, vector<16xi32>,
      %shift_right_logical3A_197 = arith.constant 7 : i32
      %shift_right_logical3A_198 = vector.broadcast %shift_right_logical3A_197 : i32 to vector<16xi32>
      %shift_right_logical3A_199 = arith.shrui %get3A_196, %shift_right_logical3A_198 : vector<16xi32>
      %and3A_200 = arith.constant 127 : i32
      %and3A_201 = vector.broadcast %and3A_200 : i32 to vector<16xi32>
      %and3A_202 = arith.andi %get3A_196, %and3A_201 : vector<16xi32>
      tpu.vector_store_idx %arg5[%shift_right_logical3A_199, %and3A_202], %add3A_4 {add = true} : memref<80x128xf32, #tpu.memory_space<vmem>>[vector<16xi32>, vector<16xi32>], vector<16xf32>,
      %get3A_203 = arith.constant 2 : i32
      %get3A_204 = arith.index_cast %get3A_203 : i32 to index
      %get3A_205 = arith.constant 32 : index
      %get3A_206 = tpu.vector_load %arg4[%get3A_204, %get3A_205] {strides = array<i32>} : memref<8x128xi32, #tpu.memory_space<vmem>>, vector<16xi32>,
      %shift_right_logical3A_207 = arith.constant 7 : i32
      %shift_right_logical3A_208 = vector.broadcast %shift_right_logical3A_207 : i32 to vector<16xi32>
      %shift_right_logical3A_209 = arith.shrui %get3A_206, %shift_right_logical3A_208 : vector<16xi32>
      %and3A_210 = arith.constant 127 : i32
      %and3A_211 = vector.broadcast %and3A_210 : i32 to vector<16xi32>
      %and3A_212 = arith.andi %get3A_206, %and3A_211 : vector<16xi32>
      tpu.vector_store_idx %arg5[%shift_right_logical3A_209, %and3A_212], %add3A_4 {add = true} : memref<80x128xf32, #tpu.memory_space<vmem>>[vector<16xi32>, vector<16xi32>], vector<16xf32>,
      %get3A_213 = arith.constant 2 : i32
      %get3A_214 = arith.index_cast %get3A_213 : i32 to index
      %get3A_215 = arith.constant 48 : index
      %get3A_216 = tpu.vector_load %arg4[%get3A_214, %get3A_215] {strides = array<i32>} : memref<8x128xi32, #tpu.memory_space<vmem>>, vector<16xi32>,
      %shift_right_logical3A_217 = arith.constant 7 : i32
      %shift_right_logical3A_218 = vector.broadcast %shift_right_logical3A_217 : i32 to vector<16xi32>
      %shift_right_logical3A_219 = arith.shrui %get3A_216, %shift_right_logical3A_218 : vector<16xi32>
      %and3A_220 = arith.constant 127 : i32
      %and3A_221 = vector.broadcast %and3A_220 : i32 to vector<16xi32>
      %and3A_222 = arith.andi %get3A_216, %and3A_221 : vector<16xi32>
      tpu.vector_store_idx %arg5[%shift_right_logical3A_219, %and3A_222], %add3A_4 {add = true} : memref<80x128xf32, #tpu.memory_space<vmem>>[vector<16xi32>, vector<16xi32>], vector<16xf32>,
      %get3A_223 = arith.constant 2 : i32
      %get3A_224 = arith.index_cast %get3A_223 : i32 to index
      %get3A_225 = arith.constant 64 : index
      %get3A_226 = tpu.vector_load %arg4[%get3A_224, %get3A_225] {strides = array<i32>} : memref<8x128xi32, #tpu.memory_space<vmem>>, vector<16xi32>,
      %shift_right_logical3A_227 = arith.constant 7 : i32
      %shift_right_logical3A_228 = vector.broadcast %shift_right_logical3A_227 : i32 to vector<16xi32>
      %shift_right_logical3A_229 = arith.shrui %get3A_226, %shift_right_logical3A_228 : vector<16xi32>
      %and3A_230 = arith.constant 127 : i32
      %and3A_231 = vector.broadcast %and3A_230 : i32 to vector<16xi32>
      %and3A_232 = arith.andi %get3A_226, %and3A_231 : vector<16xi32>
      tpu.vector_store_idx %arg5[%shift_right_logical3A_229, %and3A_232], %add3A_4 {add = true} : memref<80x128xf32, #tpu.memory_space<vmem>>[vector<16xi32>, vector<16xi32>], vector<16xf32>,
      %get3A_233 = arith.constant 2 : i32
      %get3A_234 = arith.index_cast %get3A_233 : i32 to index
      %get3A_235 = arith.constant 80 : index
      %get3A_236 = tpu.vector_load %arg4[%get3A_234, %get3A_235] {strides = array<i32>} : memref<8x128xi32, #tpu.memory_space<vmem>>, vector<16xi32>,
      %shift_right_logical3A_237 = arith.constant 7 : i32
      %shift_right_logical3A_238 = vector.broadcast %shift_right_logical3A_237 : i32 to vector<16xi32>
      %shift_right_logical3A_239 = arith.shrui %get3A_236, %shift_right_logical3A_238 : vector<16xi32>
      %and3A_240 = arith.constant 127 : i32
      %and3A_241 = vector.broadcast %and3A_240 : i32 to vector<16xi32>
      %and3A_242 = arith.andi %get3A_236, %and3A_241 : vector<16xi32>
      tpu.vector_store_idx %arg5[%shift_right_logical3A_239, %and3A_242], %add3A_4 {add = true} : memref<80x128xf32, #tpu.memory_space<vmem>>[vector<16xi32>, vector<16xi32>], vector<16xf32>,
      %get3A_243 = arith.constant 2 : i32
      %get3A_244 = arith.index_cast %get3A_243 : i32 to index
      %get3A_245 = arith.constant 96 : index
      %get3A_246 = tpu.vector_load %arg4[%get3A_244, %get3A_245] {strides = array<i32>} : memref<8x128xi32, #tpu.memory_space<vmem>>, vector<16xi32>,
      %shift_right_logical3A_247 = arith.constant 7 : i32
      %shift_right_logical3A_248 = vector.broadcast %shift_right_logical3A_247 : i32 to vector<16xi32>
      %shift_right_logical3A_249 = arith.shrui %get3A_246, %shift_right_logical3A_248 : vector<16xi32>
      %and3A_250 = arith.constant 127 : i32
      %and3A_251 = vector.broadcast %and3A_250 : i32 to vector<16xi32>
      %and3A_252 = arith.andi %get3A_246, %and3A_251 : vector<16xi32>
      tpu.vector_store_idx %arg5[%shift_right_logical3A_249, %and3A_252], %add3A_4 {add = true} : memref<80x128xf32, #tpu.memory_space<vmem>>[vector<16xi32>, vector<16xi32>], vector<16xf32>,
      %get3A_253 = arith.constant 2 : i32
      %get3A_254 = arith.index_cast %get3A_253 : i32 to index
      %get3A_255 = arith.constant 112 : index
      %get3A_256 = tpu.vector_load %arg4[%get3A_254, %get3A_255] {strides = array<i32>} : memref<8x128xi32, #tpu.memory_space<vmem>>, vector<16xi32>,
      %shift_right_logical3A_257 = arith.constant 7 : i32
      %shift_right_logical3A_258 = vector.broadcast %shift_right_logical3A_257 : i32 to vector<16xi32>
      %shift_right_logical3A_259 = arith.shrui %get3A_256, %shift_right_logical3A_258 : vector<16xi32>
      %and3A_260 = arith.constant 127 : i32
      %and3A_261 = vector.broadcast %and3A_260 : i32 to vector<16xi32>
      %and3A_262 = arith.andi %get3A_256, %and3A_261 : vector<16xi32>
      tpu.vector_store_idx %arg5[%shift_right_logical3A_259, %and3A_262], %add3A_4 {add = true} : memref<80x128xf32, #tpu.memory_space<vmem>>[vector<16xi32>, vector<16xi32>], vector<16xf32>,
      %get3A_263 = arith.constant 3 : i32
      %get3A_264 = arith.index_cast %get3A_263 : i32 to index
      %get3A_265 = arith.constant 0 : index
      %get3A_266 = tpu.vector_load %arg4[%get3A_264, %get3A_265] {strides = array<i32>} : memref<8x128xi32, #tpu.memory_space<vmem>>, vector<16xi32>,
      %shift_right_logical3A_267 = arith.constant 7 : i32
      %shift_right_logical3A_268 = vector.broadcast %shift_right_logical3A_267 : i32 to vector<16xi32>
      %shift_right_logical3A_269 = arith.shrui %get3A_266, %shift_right_logical3A_268 : vector<16xi32>
      %and3A_270 = arith.constant 127 : i32
      %and3A_271 = vector.broadcast %and3A_270 : i32 to vector<16xi32>
      %and3A_272 = arith.andi %get3A_266, %and3A_271 : vector<16xi32>
      tpu.vector_store_idx %arg5[%shift_right_logical3A_269, %and3A_272], %add3A_4 {add = true} : memref<80x128xf32, #tpu.memory_space<vmem>>[vector<16xi32>, vector<16xi32>], vector<16xf32>,
      %get3A_273 = arith.constant 3 : i32
      %get3A_274 = arith.index_cast %get3A_273 : i32 to index
      %get3A_275 = arith.constant 16 : index
      %get3A_276 = tpu.vector_load %arg4[%get3A_274, %get3A_275] {strides = array<i32>} : memref<8x128xi32, #tpu.memory_space<vmem>>, vector<16xi32>,
      %shift_right_logical3A_277 = arith.constant 7 : i32
      %shift_right_logical3A_278 = vector.broadcast %shift_right_logical3A_277 : i32 to vector<16xi32>
      %shift_right_logical3A_279 = arith.shrui %get3A_276, %shift_right_logical3A_278 : vector<16xi32>
      %and3A_280 = arith.constant 127 : i32
      %and3A_281 = vector.broadcast %and3A_280 : i32 to vector<16xi32>
      %and3A_282 = arith.andi %get3A_276, %and3A_281 : vector<16xi32>
      tpu.vector_store_idx %arg5[%shift_right_logical3A_279, %and3A_282], %add3A_4 {add = true} : memref<80x128xf32, #tpu.memory_space<vmem>>[vector<16xi32>, vector<16xi32>], vector<16xf32>,
      %get3A_283 = arith.constant 3 : i32
      %get3A_284 = arith.index_cast %get3A_283 : i32 to index
      %get3A_285 = arith.constant 32 : index
      %get3A_286 = tpu.vector_load %arg4[%get3A_284, %get3A_285] {strides = array<i32>} : memref<8x128xi32, #tpu.memory_space<vmem>>, vector<16xi32>,
      %shift_right_logical3A_287 = arith.constant 7 : i32
      %shift_right_logical3A_288 = vector.broadcast %shift_right_logical3A_287 : i32 to vector<16xi32>
      %shift_right_logical3A_289 = arith.shrui %get3A_286, %shift_right_logical3A_288 : vector<16xi32>
      %and3A_290 = arith.constant 127 : i32
      %and3A_291 = vector.broadcast %and3A_290 : i32 to vector<16xi32>
      %and3A_292 = arith.andi %get3A_286, %and3A_291 : vector<16xi32>
      tpu.vector_store_idx %arg5[%shift_right_logical3A_289, %and3A_292], %add3A_4 {add = true} : memref<80x128xf32, #tpu.memory_space<vmem>>[vector<16xi32>, vector<16xi32>], vector<16xf32>,
      %get3A_293 = arith.constant 3 : i32
      %get3A_294 = arith.index_cast %get3A_293 : i32 to index
      %get3A_295 = arith.constant 48 : index
      %get3A_296 = tpu.vector_load %arg4[%get3A_294, %get3A_295] {strides = array<i32>} : memref<8x128xi32, #tpu.memory_space<vmem>>, vector<16xi32>,
      %shift_right_logical3A_297 = arith.constant 7 : i32
      %shift_right_logical3A_298 = vector.broadcast %shift_right_logical3A_297 : i32 to vector<16xi32>
      %shift_right_logical3A_299 = arith.shrui %get3A_296, %shift_right_logical3A_298 : vector<16xi32>
      %and3A_300 = arith.constant 127 : i32
      %and3A_301 = vector.broadcast %and3A_300 : i32 to vector<16xi32>
      %and3A_302 = arith.andi %get3A_296, %and3A_301 : vector<16xi32>
      tpu.vector_store_idx %arg5[%shift_right_logical3A_299, %and3A_302], %add3A_4 {add = true} : memref<80x128xf32, #tpu.memory_space<vmem>>[vector<16xi32>, vector<16xi32>], vector<16xf32>,
      %get3A_303 = arith.constant 3 : i32
      %get3A_304 = arith.index_cast %get3A_303 : i32 to index
      %get3A_305 = arith.constant 64 : index
      %get3A_306 = tpu.vector_load %arg4[%get3A_304, %get3A_305] {strides = array<i32>} : memref<8x128xi32, #tpu.memory_space<vmem>>, vector<16xi32>,
      %shift_right_logical3A_307 = arith.constant 7 : i32
      %shift_right_logical3A_308 = vector.broadcast %shift_right_logical3A_307 : i32 to vector<16xi32>
      %shift_right_logical3A_309 = arith.shrui %get3A_306, %shift_right_logical3A_308 : vector<16xi32>
      %and3A_310 = arith.constant 127 : i32
      %and3A_311 = vector.broadcast %and3A_310 : i32 to vector<16xi32>
      %and3A_312 = arith.andi %get3A_306, %and3A_311 : vector<16xi32>
      tpu.vector_store_idx %arg5[%shift_right_logical3A_309, %and3A_312], %add3A_4 {add = true} : memref<80x128xf32, #tpu.memory_space<vmem>>[vector<16xi32>, vector<16xi32>], vector<16xf32>,
      %get3A_313 = arith.constant 3 : i32
      %get3A_314 = arith.index_cast %get3A_313 : i32 to index
      %get3A_315 = arith.constant 80 : index
      %get3A_316 = tpu.vector_load %arg4[%get3A_314, %get3A_315] {strides = array<i32>} : memref<8x128xi32, #tpu.memory_space<vmem>>, vector<16xi32>,
      %shift_right_logical3A_317 = arith.constant 7 : i32
      %shift_right_logical3A_318 = vector.broadcast %shift_right_logical3A_317 : i32 to vector<16xi32>
      %shift_right_logical3A_319 = arith.shrui %get3A_316, %shift_right_logical3A_318 : vector<16xi32>
      %and3A_320 = arith.constant 127 : i32
      %and3A_321 = vector.broadcast %and3A_320 : i32 to vector<16xi32>
      %and3A_322 = arith.andi %get3A_316, %and3A_321 : vector<16xi32>
      tpu.vector_store_idx %arg5[%shift_right_logical3A_319, %and3A_322], %add3A_4 {add = true} : memref<80x128xf32, #tpu.memory_space<vmem>>[vector<16xi32>, vector<16xi32>], vector<16xf32>,
      %get3A_323 = arith.constant 3 : i32
      %get3A_324 = arith.index_cast %get3A_323 : i32 to index
      %get3A_325 = arith.constant 96 : index
      %get3A_326 = tpu.vector_load %arg4[%get3A_324, %get3A_325] {strides = array<i32>} : memref<8x128xi32, #tpu.memory_space<vmem>>, vector<16xi32>,
      %shift_right_logical3A_327 = arith.constant 7 : i32
      %shift_right_logical3A_328 = vector.broadcast %shift_right_logical3A_327 : i32 to vector<16xi32>
      %shift_right_logical3A_329 = arith.shrui %get3A_326, %shift_right_logical3A_328 : vector<16xi32>
      %and3A_330 = arith.constant 127 : i32
      %and3A_331 = vector.broadcast %and3A_330 : i32 to vector<16xi32>
      %and3A_332 = arith.andi %get3A_326, %and3A_331 : vector<16xi32>
      tpu.vector_store_idx %arg5[%shift_right_logical3A_329, %and3A_332], %add3A_4 {add = true} : memref<80x128xf32, #tpu.memory_space<vmem>>[vector<16xi32>, vector<16xi32>], vector<16xf32>,
      %get3A_333 = arith.constant 3 : i32
      %get3A_334 = arith.index_cast %get3A_333 : i32 to index
      %get3A_335 = arith.constant 112 : index
      %get3A_336 = tpu.vector_load %arg4[%get3A_334, %get3A_335] {strides = array<i32>} : memref<8x128xi32, #tpu.memory_space<vmem>>, vector<16xi32>,
      %shift_right_logical3A_337 = arith.constant 7 : i32
      %shift_right_logical3A_338 = vector.broadcast %shift_right_logical3A_337 : i32 to vector<16xi32>
      %shift_right_logical3A_339 = arith.shrui %get3A_336, %shift_right_logical3A_338 : vector<16xi32>
      %and3A_340 = arith.constant 127 : i32
      %and3A_341 = vector.broadcast %and3A_340 : i32 to vector<16xi32>
      %and3A_342 = arith.andi %get3A_336, %and3A_341 : vector<16xi32>
      tpu.vector_store_idx %arg5[%shift_right_logical3A_339, %and3A_342], %add3A_4 {add = true} : memref<80x128xf32, #tpu.memory_space<vmem>>[vector<16xi32>, vector<16xi32>], vector<16xf32>,
      %get3A_343 = arith.constant 4 : i32
      %get3A_344 = arith.index_cast %get3A_343 : i32 to index
      %get3A_345 = arith.constant 0 : index
      %get3A_346 = tpu.vector_load %arg4[%get3A_344, %get3A_345] {strides = array<i32>} : memref<8x128xi32, #tpu.memory_space<vmem>>, vector<16xi32>,
      %shift_right_logical3A_347 = arith.constant 7 : i32
      %shift_right_logical3A_348 = vector.broadcast %shift_right_logical3A_347 : i32 to vector<16xi32>
      %shift_right_logical3A_349 = arith.shrui %get3A_346, %shift_right_logical3A_348 : vector<16xi32>
      %and3A_350 = arith.constant 127 : i32
      %and3A_351 = vector.broadcast %and3A_350 : i32 to vector<16xi32>
      %and3A_352 = arith.andi %get3A_346, %and3A_351 : vector<16xi32>
      tpu.vector_store_idx %arg5[%shift_right_logical3A_349, %and3A_352], %add3A_4 {add = true} : memref<80x128xf32, #tpu.memory_space<vmem>>[vector<16xi32>, vector<16xi32>], vector<16xf32>,
      %get3A_353 = arith.constant 4 : i32
      %get3A_354 = arith.index_cast %get3A_353 : i32 to index
      %get3A_355 = arith.constant 16 : index
      %get3A_356 = tpu.vector_load %arg4[%get3A_354, %get3A_355] {strides = array<i32>} : memref<8x128xi32, #tpu.memory_space<vmem>>, vector<16xi32>,
      %shift_right_logical3A_357 = arith.constant 7 : i32
      %shift_right_logical3A_358 = vector.broadcast %shift_right_logical3A_357 : i32 to vector<16xi32>
      %shift_right_logical3A_359 = arith.shrui %get3A_356, %shift_right_logical3A_358 : vector<16xi32>
      %and3A_360 = arith.constant 127 : i32
      %and3A_361 = vector.broadcast %and3A_360 : i32 to vector<16xi32>
      %and3A_362 = arith.andi %get3A_356, %and3A_361 : vector<16xi32>
      tpu.vector_store_idx %arg5[%shift_right_logical3A_359, %and3A_362], %add3A_4 {add = true} : memref<80x128xf32, #tpu.memory_space<vmem>>[vector<16xi32>, vector<16xi32>], vector<16xf32>,
      %get3A_363 = arith.constant 4 : i32
      %get3A_364 = arith.index_cast %get3A_363 : i32 to index
      %get3A_365 = arith.constant 32 : index
      %get3A_366 = tpu.vector_load %arg4[%get3A_364, %get3A_365] {strides = array<i32>} : memref<8x128xi32, #tpu.memory_space<vmem>>, vector<16xi32>,
      %shift_right_logical3A_367 = arith.constant 7 : i32
      %shift_right_logical3A_368 = vector.broadcast %shift_right_logical3A_367 : i32 to vector<16xi32>
      %shift_right_logical3A_369 = arith.shrui %get3A_366, %shift_right_logical3A_368 : vector<16xi32>
      %and3A_370 = arith.constant 127 : i32
      %and3A_371 = vector.broadcast %and3A_370 : i32 to vector<16xi32>
      %and3A_372 = arith.andi %get3A_366, %and3A_371 : vector<16xi32>
      tpu.vector_store_idx %arg5[%shift_right_logical3A_369, %and3A_372], %add3A_4 {add = true} : memref<80x128xf32, #tpu.memory_space<vmem>>[vector<16xi32>, vector<16xi32>], vector<16xf32>,
      %get3A_373 = arith.constant 4 : i32
      %get3A_374 = arith.index_cast %get3A_373 : i32 to index
      %get3A_375 = arith.constant 48 : index
      %get3A_376 = tpu.vector_load %arg4[%get3A_374, %get3A_375] {strides = array<i32>} : memref<8x128xi32, #tpu.memory_space<vmem>>, vector<16xi32>,
      %shift_right_logical3A_377 = arith.constant 7 : i32
      %shift_right_logical3A_378 = vector.broadcast %shift_right_logical3A_377 : i32 to vector<16xi32>
      %shift_right_logical3A_379 = arith.shrui %get3A_376, %shift_right_logical3A_378 : vector<16xi32>
      %and3A_380 = arith.constant 127 : i32
      %and3A_381 = vector.broadcast %and3A_380 : i32 to vector<16xi32>
      %and3A_382 = arith.andi %get3A_376, %and3A_381 : vector<16xi32>
      tpu.vector_store_idx %arg5[%shift_right_logical3A_379, %and3A_382], %add3A_4 {add = true} : memref<80x128xf32, #tpu.memory_space<vmem>>[vector<16xi32>, vector<16xi32>], vector<16xf32>,
      %get3A_383 = arith.constant 4 : i32
      %get3A_384 = arith.index_cast %get3A_383 : i32 to index
      %get3A_385 = arith.constant 64 : index
      %get3A_386 = tpu.vector_load %arg4[%get3A_384, %get3A_385] {strides = array<i32>} : memref<8x128xi32, #tpu.memory_space<vmem>>, vector<16xi32>,
      %shift_right_logical3A_387 = arith.constant 7 : i32
      %shift_right_logical3A_388 = vector.broadcast %shift_right_logical3A_387 : i32 to vector<16xi32>
      %shift_right_logical3A_389 = arith.shrui %get3A_386, %shift_right_logical3A_388 : vector<16xi32>
      %and3A_390 = arith.constant 127 : i32
      %and3A_391 = vector.broadcast %and3A_390 : i32 to vector<16xi32>
      %and3A_392 = arith.andi %get3A_386, %and3A_391 : vector<16xi32>
      tpu.vector_store_idx %arg5[%shift_right_logical3A_389, %and3A_392], %add3A_4 {add = true} : memref<80x128xf32, #tpu.memory_space<vmem>>[vector<16xi32>, vector<16xi32>], vector<16xf32>,
      %get3A_393 = arith.constant 4 : i32
      %get3A_394 = arith.index_cast %get3A_393 : i32 to index
      %get3A_395 = arith.constant 80 : index
      %get3A_396 = tpu.vector_load %arg4[%get3A_394, %get3A_395] {strides = array<i32>} : memref<8x128xi32, #tpu.memory_space<vmem>>, vector<16xi32>,
      %shift_right_logical3A_397 = arith.constant 7 : i32
      %shift_right_logical3A_398 = vector.broadcast %shift_right_logical3A_397 : i32 to vector<16xi32>
      %shift_right_logical3A_399 = arith.shrui %get3A_396, %shift_right_logical3A_398 : vector<16xi32>
      %and3A_400 = arith.constant 127 : i32
      %and3A_401 = vector.broadcast %and3A_400 : i32 to vector<16xi32>
      %and3A_402 = arith.andi %get3A_396, %and3A_401 : vector<16xi32>
      tpu.vector_store_idx %arg5[%shift_right_logical3A_399, %and3A_402], %add3A_4 {add = true} : memref<80x128xf32, #tpu.memory_space<vmem>>[vector<16xi32>, vector<16xi32>], vector<16xf32>,
      %get3A_403 = arith.constant 4 : i32
      %get3A_404 = arith.index_cast %get3A_403 : i32 to index
      %get3A_405 = arith.constant 96 : index
      %get3A_406 = tpu.vector_load %arg4[%get3A_404, %get3A_405] {strides = array<i32>} : memref<8x128xi32, #tpu.memory_space<vmem>>, vector<16xi32>,
      %shift_right_logical3A_407 = arith.constant 7 : i32
      %shift_right_logical3A_408 = vector.broadcast %shift_right_logical3A_407 : i32 to vector<16xi32>
      %shift_right_logical3A_409 = arith.shrui %get3A_406, %shift_right_logical3A_408 : vector<16xi32>
      %and3A_410 = arith.constant 127 : i32
      %and3A_411 = vector.broadcast %and3A_410 : i32 to vector<16xi32>
      %and3A_412 = arith.andi %get3A_406, %and3A_411 : vector<16xi32>
      tpu.vector_store_idx %arg5[%shift_right_logical3A_409, %and3A_412], %add3A_4 {add = true} : memref<80x128xf32, #tpu.memory_space<vmem>>[vector<16xi32>, vector<16xi32>], vector<16xf32>,
      %get3A_413 = arith.constant 4 : i32
      %get3A_414 = arith.index_cast %get3A_413 : i32 to index
      %get3A_415 = arith.constant 112 : index
      %get3A_416 = tpu.vector_load %arg4[%get3A_414, %get3A_415] {strides = array<i32>} : memref<8x128xi32, #tpu.memory_space<vmem>>, vector<16xi32>,
      %shift_right_logical3A_417 = arith.constant 7 : i32
      %shift_right_logical3A_418 = vector.broadcast %shift_right_logical3A_417 : i32 to vector<16xi32>
      %shift_right_logical3A_419 = arith.shrui %get3A_416, %shift_right_logical3A_418 : vector<16xi32>
      %and3A_420 = arith.constant 127 : i32
      %and3A_421 = vector.broadcast %and3A_420 : i32 to vector<16xi32>
      %and3A_422 = arith.andi %get3A_416, %and3A_421 : vector<16xi32>
      tpu.vector_store_idx %arg5[%shift_right_logical3A_419, %and3A_422], %add3A_4 {add = true} : memref<80x128xf32, #tpu.memory_space<vmem>>[vector<16xi32>, vector<16xi32>], vector<16xf32>,
      %get3A_423 = arith.constant 5 : i32
      %get3A_424 = arith.index_cast %get3A_423 : i32 to index
      %get3A_425 = arith.constant 0 : index
      %get3A_426 = tpu.vector_load %arg4[%get3A_424, %get3A_425] {strides = array<i32>} : memref<8x128xi32, #tpu.memory_space<vmem>>, vector<16xi32>,
      %shift_right_logical3A_427 = arith.constant 7 : i32
      %shift_right_logical3A_428 = vector.broadcast %shift_right_logical3A_427 : i32 to vector<16xi32>
      %shift_right_logical3A_429 = arith.shrui %get3A_426, %shift_right_logical3A_428 : vector<16xi32>
      %and3A_430 = arith.constant 127 : i32
      %and3A_431 = vector.broadcast %and3A_430 : i32 to vector<16xi32>
      %and3A_432 = arith.andi %get3A_426, %and3A_431 : vector<16xi32>
      tpu.vector_store_idx %arg5[%shift_right_logical3A_429, %and3A_432], %add3A_4 {add = true} : memref<80x128xf32, #tpu.memory_space<vmem>>[vector<16xi32>, vector<16xi32>], vector<16xf32>,
      %get3A_433 = arith.constant 5 : i32
      %get3A_434 = arith.index_cast %get3A_433 : i32 to index
      %get3A_435 = arith.constant 16 : index
      %get3A_436 = tpu.vector_load %arg4[%get3A_434, %get3A_435] {strides = array<i32>} : memref<8x128xi32, #tpu.memory_space<vmem>>, vector<16xi32>,
      %shift_right_logical3A_437 = arith.constant 7 : i32
      %shift_right_logical3A_438 = vector.broadcast %shift_right_logical3A_437 : i32 to vector<16xi32>
      %shift_right_logical3A_439 = arith.shrui %get3A_436, %shift_right_logical3A_438 : vector<16xi32>
      %and3A_440 = arith.constant 127 : i32
      %and3A_441 = vector.broadcast %and3A_440 : i32 to vector<16xi32>
      %and3A_442 = arith.andi %get3A_436, %and3A_441 : vector<16xi32>
      tpu.vector_store_idx %arg5[%shift_right_logical3A_439, %and3A_442], %add3A_4 {add = true} : memref<80x128xf32, #tpu.memory_space<vmem>>[vector<16xi32>, vector<16xi32>], vector<16xf32>,
      %get3A_443 = arith.constant 5 : i32
      %get3A_444 = arith.index_cast %get3A_443 : i32 to index
      %get3A_445 = arith.constant 32 : index
      %get3A_446 = tpu.vector_load %arg4[%get3A_444, %get3A_445] {strides = array<i32>} : memref<8x128xi32, #tpu.memory_space<vmem>>, vector<16xi32>,
      %shift_right_logical3A_447 = arith.constant 7 : i32
      %shift_right_logical3A_448 = vector.broadcast %shift_right_logical3A_447 : i32 to vector<16xi32>
      %shift_right_logical3A_449 = arith.shrui %get3A_446, %shift_right_logical3A_448 : vector<16xi32>
      %and3A_450 = arith.constant 127 : i32
      %and3A_451 = vector.broadcast %and3A_450 : i32 to vector<16xi32>
      %and3A_452 = arith.andi %get3A_446, %and3A_451 : vector<16xi32>
      tpu.vector_store_idx %arg5[%shift_right_logical3A_449, %and3A_452], %add3A_4 {add = true} : memref<80x128xf32, #tpu.memory_space<vmem>>[vector<16xi32>, vector<16xi32>], vector<16xf32>,
      %get3A_453 = arith.constant 5 : i32
      %get3A_454 = arith.index_cast %get3A_453 : i32 to index
      %get3A_455 = arith.constant 48 : index
      %get3A_456 = tpu.vector_load %arg4[%get3A_454, %get3A_455] {strides = array<i32>} : memref<8x128xi32, #tpu.memory_space<vmem>>, vector<16xi32>,
      %shift_right_logical3A_457 = arith.constant 7 : i32
      %shift_right_logical3A_458 = vector.broadcast %shift_right_logical3A_457 : i32 to vector<16xi32>
      %shift_right_logical3A_459 = arith.shrui %get3A_456, %shift_right_logical3A_458 : vector<16xi32>
      %and3A_460 = arith.constant 127 : i32
      %and3A_461 = vector.broadcast %and3A_460 : i32 to vector<16xi32>
      %and3A_462 = arith.andi %get3A_456, %and3A_461 : vector<16xi32>
      tpu.vector_store_idx %arg5[%shift_right_logical3A_459, %and3A_462], %add3A_4 {add = true} : memref<80x128xf32, #tpu.memory_space<vmem>>[vector<16xi32>, vector<16xi32>], vector<16xf32>,
      %get3A_463 = arith.constant 5 : i32
      %get3A_464 = arith.index_cast %get3A_463 : i32 to index
      %get3A_465 = arith.constant 64 : index
      %get3A_466 = tpu.vector_load %arg4[%get3A_464, %get3A_465] {strides = array<i32>} : memref<8x128xi32, #tpu.memory_space<vmem>>, vector<16xi32>,
      %shift_right_logical3A_467 = arith.constant 7 : i32
      %shift_right_logical3A_468 = vector.broadcast %shift_right_logical3A_467 : i32 to vector<16xi32>
      %shift_right_logical3A_469 = arith.shrui %get3A_466, %shift_right_logical3A_468 : vector<16xi32>
      %and3A_470 = arith.constant 127 : i32
      %and3A_471 = vector.broadcast %and3A_470 : i32 to vector<16xi32>
      %and3A_472 = arith.andi %get3A_466, %and3A_471 : vector<16xi32>
      tpu.vector_store_idx %arg5[%shift_right_logical3A_469, %and3A_472], %add3A_4 {add = true} : memref<80x128xf32, #tpu.memory_space<vmem>>[vector<16xi32>, vector<16xi32>], vector<16xf32>,
      %get3A_473 = arith.constant 5 : i32
      %get3A_474 = arith.index_cast %get3A_473 : i32 to index
      %get3A_475 = arith.constant 80 : index
      %get3A_476 = tpu.vector_load %arg4[%get3A_474, %get3A_475] {strides = array<i32>} : memref<8x128xi32, #tpu.memory_space<vmem>>, vector<16xi32>,
      %shift_right_logical3A_477 = arith.constant 7 : i32
      %shift_right_logical3A_478 = vector.broadcast %shift_right_logical3A_477 : i32 to vector<16xi32>
      %shift_right_logical3A_479 = arith.shrui %get3A_476, %shift_right_logical3A_478 : vector<16xi32>
      %and3A_480 = arith.constant 127 : i32
      %and3A_481 = vector.broadcast %and3A_480 : i32 to vector<16xi32>
      %and3A_482 = arith.andi %get3A_476, %and3A_481 : vector<16xi32>
      tpu.vector_store_idx %arg5[%shift_right_logical3A_479, %and3A_482], %add3A_4 {add = true} : memref<80x128xf32, #tpu.memory_space<vmem>>[vector<16xi32>, vector<16xi32>], vector<16xf32>,
      %get3A_483 = arith.constant 5 : i32
      %get3A_484 = arith.index_cast %get3A_483 : i32 to index
      %get3A_485 = arith.constant 96 : index
      %get3A_486 = tpu.vector_load %arg4[%get3A_484, %get3A_485] {strides = array<i32>} : memref<8x128xi32, #tpu.memory_space<vmem>>, vector<16xi32>,
      %shift_right_logical3A_487 = arith.constant 7 : i32
      %shift_right_logical3A_488 = vector.broadcast %shift_right_logical3A_487 : i32 to vector<16xi32>
      %shift_right_logical3A_489 = arith.shrui %get3A_486, %shift_right_logical3A_488 : vector<16xi32>
      %and3A_490 = arith.constant 127 : i32
      %and3A_491 = vector.broadcast %and3A_490 : i32 to vector<16xi32>
      %and3A_492 = arith.andi %get3A_486, %and3A_491 : vector<16xi32>
      tpu.vector_store_idx %arg5[%shift_right_logical3A_489, %and3A_492], %add3A_4 {add = true} : memref<80x128xf32, #tpu.memory_space<vmem>>[vector<16xi32>, vector<16xi32>], vector<16xf32>,
      %get3A_493 = arith.constant 5 : i32
      %get3A_494 = arith.index_cast %get3A_493 : i32 to index
      %get3A_495 = arith.constant 112 : index
      %get3A_496 = tpu.vector_load %arg4[%get3A_494, %get3A_495] {strides = array<i32>} : memref<8x128xi32, #tpu.memory_space<vmem>>, vector<16xi32>,
      %shift_right_logical3A_497 = arith.constant 7 : i32
      %shift_right_logical3A_498 = vector.broadcast %shift_right_logical3A_497 : i32 to vector<16xi32>
      %shift_right_logical3A_499 = arith.shrui %get3A_496, %shift_right_logical3A_498 : vector<16xi32>
      %and3A_500 = arith.constant 127 : i32
      %and3A_501 = vector.broadcast %and3A_500 : i32 to vector<16xi32>
      %and3A_502 = arith.andi %get3A_496, %and3A_501 : vector<16xi32>
      tpu.vector_store_idx %arg5[%shift_right_logical3A_499, %and3A_502], %add3A_4 {add = true} : memref<80x128xf32, #tpu.memory_space<vmem>>[vector<16xi32>, vector<16xi32>], vector<16xf32>,
      %get3A_503 = arith.constant 6 : i32
      %get3A_504 = arith.index_cast %get3A_503 : i32 to index
      %get3A_505 = arith.constant 0 : index
      %get3A_506 = tpu.vector_load %arg4[%get3A_504, %get3A_505] {strides = array<i32>} : memref<8x128xi32, #tpu.memory_space<vmem>>, vector<16xi32>,
      %shift_right_logical3A_507 = arith.constant 7 : i32
      %shift_right_logical3A_508 = vector.broadcast %shift_right_logical3A_507 : i32 to vector<16xi32>
      %shift_right_logical3A_509 = arith.shrui %get3A_506, %shift_right_logical3A_508 : vector<16xi32>
      %and3A_510 = arith.constant 127 : i32
      %and3A_511 = vector.broadcast %and3A_510 : i32 to vector<16xi32>
      %and3A_512 = arith.andi %get3A_506, %and3A_511 : vector<16xi32>
      tpu.vector_store_idx %arg5[%shift_right_logical3A_509, %and3A_512], %add3A_4 {add = true} : memref<80x128xf32, #tpu.memory_space<vmem>>[vector<16xi32>, vector<16xi32>], vector<16xf32>,
      %get3A_513 = arith.constant 6 : i32
      %get3A_514 = arith.index_cast %get3A_513 : i32 to index
      %get3A_515 = arith.constant 16 : index
      %get3A_516 = tpu.vector_load %arg4[%get3A_514, %get3A_515] {strides = array<i32>} : memref<8x128xi32, #tpu.memory_space<vmem>>, vector<16xi32>,
      %shift_right_logical3A_517 = arith.constant 7 : i32
      %shift_right_logical3A_518 = vector.broadcast %shift_right_logical3A_517 : i32 to vector<16xi32>
      %shift_right_logical3A_519 = arith.shrui %get3A_516, %shift_right_logical3A_518 : vector<16xi32>
      %and3A_520 = arith.constant 127 : i32
      %and3A_521 = vector.broadcast %and3A_520 : i32 to vector<16xi32>
      %and3A_522 = arith.andi %get3A_516, %and3A_521 : vector<16xi32>
      tpu.vector_store_idx %arg5[%shift_right_logical3A_519, %and3A_522], %add3A_4 {add = true} : memref<80x128xf32, #tpu.memory_space<vmem>>[vector<16xi32>, vector<16xi32>], vector<16xf32>,
      %get3A_523 = arith.constant 6 : i32
      %get3A_524 = arith.index_cast %get3A_523 : i32 to index
      %get3A_525 = arith.constant 32 : index
      %get3A_526 = tpu.vector_load %arg4[%get3A_524, %get3A_525] {strides = array<i32>} : memref<8x128xi32, #tpu.memory_space<vmem>>, vector<16xi32>,
      %shift_right_logical3A_527 = arith.constant 7 : i32
      %shift_right_logical3A_528 = vector.broadcast %shift_right_logical3A_527 : i32 to vector<16xi32>
      %shift_right_logical3A_529 = arith.shrui %get3A_526, %shift_right_logical3A_528 : vector<16xi32>
      %and3A_530 = arith.constant 127 : i32
      %and3A_531 = vector.broadcast %and3A_530 : i32 to vector<16xi32>
      %and3A_532 = arith.andi %get3A_526, %and3A_531 : vector<16xi32>
      tpu.vector_store_idx %arg5[%shift_right_logical3A_529, %and3A_532], %add3A_4 {add = true} : memref<80x128xf32, #tpu.memory_space<vmem>>[vector<16xi32>, vector<16xi32>], vector<16xf32>,
      %get3A_533 = arith.constant 6 : i32
      %get3A_534 = arith.index_cast %get3A_533 : i32 to index
      %get3A_535 = arith.constant 48 : index
      %get3A_536 = tpu.vector_load %arg4[%get3A_534, %get3A_535] {strides = array<i32>} : memref<8x128xi32, #tpu.memory_space<vmem>>, vector<16xi32>,
      %shift_right_logical3A_537 = arith.constant 7 : i32
      %shift_right_logical3A_538 = vector.broadcast %shift_right_logical3A_537 : i32 to vector<16xi32>
      %shift_right_logical3A_539 = arith.shrui %get3A_536, %shift_right_logical3A_538 : vector<16xi32>
      %and3A_540 = arith.constant 127 : i32
      %and3A_541 = vector.broadcast %and3A_540 : i32 to vector<16xi32>
      %and3A_542 = arith.andi %get3A_536, %and3A_541 : vector<16xi32>
      tpu.vector_store_idx %arg5[%shift_right_logical3A_539, %and3A_542], %add3A_4 {add = true} : memref<80x128xf32, #tpu.memory_space<vmem>>[vector<16xi32>, vector<16xi32>], vector<16xf32>,
      %get3A_543 = arith.constant 6 : i32
      %get3A_544 = arith.index_cast %get3A_543 : i32 to index
      %get3A_545 = arith.constant 64 : index
      %get3A_546 = tpu.vector_load %arg4[%get3A_544, %get3A_545] {strides = array<i32>} : memref<8x128xi32, #tpu.memory_space<vmem>>, vector<16xi32>,
      %shift_right_logical3A_547 = arith.constant 7 : i32
      %shift_right_logical3A_548 = vector.broadcast %shift_right_logical3A_547 : i32 to vector<16xi32>
      %shift_right_logical3A_549 = arith.shrui %get3A_546, %shift_right_logical3A_548 : vector<16xi32>
      %and3A_550 = arith.constant 127 : i32
      %and3A_551 = vector.broadcast %and3A_550 : i32 to vector<16xi32>
      %and3A_552 = arith.andi %get3A_546, %and3A_551 : vector<16xi32>
      tpu.vector_store_idx %arg5[%shift_right_logical3A_549, %and3A_552], %add3A_4 {add = true} : memref<80x128xf32, #tpu.memory_space<vmem>>[vector<16xi32>, vector<16xi32>], vector<16xf32>,
      %get3A_553 = arith.constant 6 : i32
      %get3A_554 = arith.index_cast %get3A_553 : i32 to index
      %get3A_555 = arith.constant 80 : index
      %get3A_556 = tpu.vector_load %arg4[%get3A_554, %get3A_555] {strides = array<i32>} : memref<8x128xi32, #tpu.memory_space<vmem>>, vector<16xi32>,
      %shift_right_logical3A_557 = arith.constant 7 : i32
      %shift_right_logical3A_558 = vector.broadcast %shift_right_logical3A_557 : i32 to vector<16xi32>
      %shift_right_logical3A_559 = arith.shrui %get3A_556, %shift_right_logical3A_558 : vector<16xi32>
      %and3A_560 = arith.constant 127 : i32
      %and3A_561 = vector.broadcast %and3A_560 : i32 to vector<16xi32>
      %and3A_562 = arith.andi %get3A_556, %and3A_561 : vector<16xi32>
      tpu.vector_store_idx %arg5[%shift_right_logical3A_559, %and3A_562], %add3A_4 {add = true} : memref<80x128xf32, #tpu.memory_space<vmem>>[vector<16xi32>, vector<16xi32>], vector<16xf32>,
      %get3A_563 = arith.constant 6 : i32
      %get3A_564 = arith.index_cast %get3A_563 : i32 to index
      %get3A_565 = arith.constant 96 : index
      %get3A_566 = tpu.vector_load %arg4[%get3A_564, %get3A_565] {strides = array<i32>} : memref<8x128xi32, #tpu.memory_space<vmem>>, vector<16xi32>,
      %shift_right_logical3A_567 = arith.constant 7 : i32
      %shift_right_logical3A_568 = vector.broadcast %shift_right_logical3A_567 : i32 to vector<16xi32>
      %shift_right_logical3A_569 = arith.shrui %get3A_566, %shift_right_logical3A_568 : vector<16xi32>
      %and3A_570 = arith.constant 127 : i32
      %and3A_571 = vector.broadcast %and3A_570 : i32 to vector<16xi32>
      %and3A_572 = arith.andi %get3A_566, %and3A_571 : vector<16xi32>
      tpu.vector_store_idx %arg5[%shift_right_logical3A_569, %and3A_572], %add3A_4 {add = true} : memref<80x128xf32, #tpu.memory_space<vmem>>[vector<16xi32>, vector<16xi32>], vector<16xf32>,
      %get3A_573 = arith.constant 6 : i32
      %get3A_574 = arith.index_cast %get3A_573 : i32 to index
      %get3A_575 = arith.constant 112 : index
      %get3A_576 = tpu.vector_load %arg4[%get3A_574, %get3A_575] {strides = array<i32>} : memref<8x128xi32, #tpu.memory_space<vmem>>, vector<16xi32>,
      %shift_right_logical3A_577 = arith.constant 7 : i32
      %shift_right_logical3A_578 = vector.broadcast %shift_right_logical3A_577 : i32 to vector<16xi32>
      %shift_right_logical3A_579 = arith.shrui %get3A_576, %shift_right_logical3A_578 : vector<16xi32>
      %and3A_580 = arith.constant 127 : i32
      %and3A_581 = vector.broadcast %and3A_580 : i32 to vector<16xi32>
      %and3A_582 = arith.andi %get3A_576, %and3A_581 : vector<16xi32>
      tpu.vector_store_idx %arg5[%shift_right_logical3A_579, %and3A_582], %add3A_4 {add = true} : memref<80x128xf32, #tpu.memory_space<vmem>>[vector<16xi32>, vector<16xi32>], vector<16xf32>,
      %get3A_583 = arith.constant 7 : i32
      %get3A_584 = arith.index_cast %get3A_583 : i32 to index
      %get3A_585 = arith.constant 0 : index
      %get3A_586 = tpu.vector_load %arg4[%get3A_584, %get3A_585] {strides = array<i32>} : memref<8x128xi32, #tpu.memory_space<vmem>>, vector<16xi32>,
      %shift_right_logical3A_587 = arith.constant 7 : i32
      %shift_right_logical3A_588 = vector.broadcast %shift_right_logical3A_587 : i32 to vector<16xi32>
      %shift_right_logical3A_589 = arith.shrui %get3A_586, %shift_right_logical3A_588 : vector<16xi32>
      %and3A_590 = arith.constant 127 : i32
      %and3A_591 = vector.broadcast %and3A_590 : i32 to vector<16xi32>
      %and3A_592 = arith.andi %get3A_586, %and3A_591 : vector<16xi32>
      tpu.vector_store_idx %arg5[%shift_right_logical3A_589, %and3A_592], %add3A_4 {add = true} : memref<80x128xf32, #tpu.memory_space<vmem>>[vector<16xi32>, vector<16xi32>], vector<16xf32>,
      %get3A_593 = arith.constant 7 : i32
      %get3A_594 = arith.index_cast %get3A_593 : i32 to index
      %get3A_595 = arith.constant 16 : index
      %get3A_596 = tpu.vector_load %arg4[%get3A_594, %get3A_595] {strides = array<i32>} : memref<8x128xi32, #tpu.memory_space<vmem>>, vector<16xi32>,
      %shift_right_logical3A_597 = arith.constant 7 : i32
      %shift_right_logical3A_598 = vector.broadcast %shift_right_logical3A_597 : i32 to vector<16xi32>
      %shift_right_logical3A_599 = arith.shrui %get3A_596, %shift_right_logical3A_598 : vector<16xi32>
      %and3A_600 = arith.constant 127 : i32
      %and3A_601 = vector.broadcast %and3A_600 : i32 to vector<16xi32>
      %and3A_602 = arith.andi %get3A_596, %and3A_601 : vector<16xi32>
      tpu.vector_store_idx %arg5[%shift_right_logical3A_599, %and3A_602], %add3A_4 {add = true} : memref<80x128xf32, #tpu.memory_space<vmem>>[vector<16xi32>, vector<16xi32>], vector<16xf32>,
      %get3A_603 = arith.constant 7 : i32
      %get3A_604 = arith.index_cast %get3A_603 : i32 to index
      %get3A_605 = arith.constant 32 : index
      %get3A_606 = tpu.vector_load %arg4[%get3A_604, %get3A_605] {strides = array<i32>} : memref<8x128xi32, #tpu.memory_space<vmem>>, vector<16xi32>,
      %shift_right_logical3A_607 = arith.constant 7 : i32
      %shift_right_logical3A_608 = vector.broadcast %shift_right_logical3A_607 : i32 to vector<16xi32>
      %shift_right_logical3A_609 = arith.shrui %get3A_606, %shift_right_logical3A_608 : vector<16xi32>
      %and3A_610 = arith.constant 127 : i32
      %and3A_611 = vector.broadcast %and3A_610 : i32 to vector<16xi32>
      %and3A_612 = arith.andi %get3A_606, %and3A_611 : vector<16xi32>
      tpu.vector_store_idx %arg5[%shift_right_logical3A_609, %and3A_612], %add3A_4 {add = true} : memref<80x128xf32, #tpu.memory_space<vmem>>[vector<16xi32>, vector<16xi32>], vector<16xf32>,
      %get3A_613 = arith.constant 7 : i32
      %get3A_614 = arith.index_cast %get3A_613 : i32 to index
      %get3A_615 = arith.constant 48 : index
      %get3A_616 = tpu.vector_load %arg4[%get3A_614, %get3A_615] {strides = array<i32>} : memref<8x128xi32, #tpu.memory_space<vmem>>, vector<16xi32>,
      %shift_right_logical3A_617 = arith.constant 7 : i32
      %shift_right_logical3A_618 = vector.broadcast %shift_right_logical3A_617 : i32 to vector<16xi32>
      %shift_right_logical3A_619 = arith.shrui %get3A_616, %shift_right_logical3A_618 : vector<16xi32>
      %and3A_620 = arith.constant 127 : i32
      %and3A_621 = vector.broadcast %and3A_620 : i32 to vector<16xi32>
      %and3A_622 = arith.andi %get3A_616, %and3A_621 : vector<16xi32>
      tpu.vector_store_idx %arg5[%shift_right_logical3A_619, %and3A_622], %add3A_4 {add = true} : memref<80x128xf32, #tpu.memory_space<vmem>>[vector<16xi32>, vector<16xi32>], vector<16xf32>,
      %get3A_623 = arith.constant 7 : i32
      %get3A_624 = arith.index_cast %get3A_623 : i32 to index
      %get3A_625 = arith.constant 64 : index
      %get3A_626 = tpu.vector_load %arg4[%get3A_624, %get3A_625] {strides = array<i32>} : memref<8x128xi32, #tpu.memory_space<vmem>>, vector<16xi32>,
      %shift_right_logical3A_627 = arith.constant 7 : i32
      %shift_right_logical3A_628 = vector.broadcast %shift_right_logical3A_627 : i32 to vector<16xi32>
      %shift_right_logical3A_629 = arith.shrui %get3A_626, %shift_right_logical3A_628 : vector<16xi32>
      %and3A_630 = arith.constant 127 : i32
      %and3A_631 = vector.broadcast %and3A_630 : i32 to vector<16xi32>
      %and3A_632 = arith.andi %get3A_626, %and3A_631 : vector<16xi32>
      tpu.vector_store_idx %arg5[%shift_right_logical3A_629, %and3A_632], %add3A_4 {add = true} : memref<80x128xf32, #tpu.memory_space<vmem>>[vector<16xi32>, vector<16xi32>], vector<16xf32>,
      %get3A_633 = arith.constant 7 : i32
      %get3A_634 = arith.index_cast %get3A_633 : i32 to index
      %get3A_635 = arith.constant 80 : index
      %get3A_636 = tpu.vector_load %arg4[%get3A_634, %get3A_635] {strides = array<i32>} : memref<8x128xi32, #tpu.memory_space<vmem>>, vector<16xi32>,
      %shift_right_logical3A_637 = arith.constant 7 : i32
      %shift_right_logical3A_638 = vector.broadcast %shift_right_logical3A_637 : i32 to vector<16xi32>
      %shift_right_logical3A_639 = arith.shrui %get3A_636, %shift_right_logical3A_638 : vector<16xi32>
      %and3A_640 = arith.constant 127 : i32
      %and3A_641 = vector.broadcast %and3A_640 : i32 to vector<16xi32>
      %and3A_642 = arith.andi %get3A_636, %and3A_641 : vector<16xi32>
      tpu.vector_store_idx %arg5[%shift_right_logical3A_639, %and3A_642], %add3A_4 {add = true} : memref<80x128xf32, #tpu.memory_space<vmem>>[vector<16xi32>, vector<16xi32>], vector<16xf32>,
      %get3A_643 = arith.constant 7 : i32
      %get3A_644 = arith.index_cast %get3A_643 : i32 to index
      %get3A_645 = arith.constant 96 : index
      %get3A_646 = tpu.vector_load %arg4[%get3A_644, %get3A_645] {strides = array<i32>} : memref<8x128xi32, #tpu.memory_space<vmem>>, vector<16xi32>,
      %shift_right_logical3A_647 = arith.constant 7 : i32
      %shift_right_logical3A_648 = vector.broadcast %shift_right_logical3A_647 : i32 to vector<16xi32>
      %shift_right_logical3A_649 = arith.shrui %get3A_646, %shift_right_logical3A_648 : vector<16xi32>
      %and3A_650 = arith.constant 127 : i32
      %and3A_651 = vector.broadcast %and3A_650 : i32 to vector<16xi32>
      %and3A_652 = arith.andi %get3A_646, %and3A_651 : vector<16xi32>
      tpu.vector_store_idx %arg5[%shift_right_logical3A_649, %and3A_652], %add3A_4 {add = true} : memref<80x128xf32, #tpu.memory_space<vmem>>[vector<16xi32>, vector<16xi32>], vector<16xf32>,
      %get3A_653 = arith.constant 7 : i32
      %get3A_654 = arith.index_cast %get3A_653 : i32 to index
      %get3A_655 = arith.constant 112 : index
      %get3A_656 = tpu.vector_load %arg4[%get3A_654, %get3A_655] {strides = array<i32>} : memref<8x128xi32, #tpu.memory_space<vmem>>, vector<16xi32>,
      %shift_right_logical3A_657 = arith.constant 7 : i32
      %shift_right_logical3A_658 = vector.broadcast %shift_right_logical3A_657 : i32 to vector<16xi32>
      %shift_right_logical3A_659 = arith.shrui %get3A_656, %shift_right_logical3A_658 : vector<16xi32>
      %and3A_660 = arith.constant 127 : i32
      %and3A_661 = vector.broadcast %and3A_660 : i32 to vector<16xi32>
      %and3A_662 = arith.andi %get3A_656, %and3A_661 : vector<16xi32>
      tpu.vector_store_idx %arg5[%shift_right_logical3A_659, %and3A_662], %add3A_4 {add = true} : memref<80x128xf32, #tpu.memory_space<vmem>>[vector<16xi32>, vector<16xi32>], vector<16xf32>,
    }
    %scan3A_19 = arith.constant 10 : i32
    %mul3A_20 = arith.constant 80 : i32
    %mul3A_21 = arith.muli %add3A, %mul3A_20 : i32
    "tpu.region"() ({
      %run_scoped3A = tpu.sem_alloc : memref<!tpu.dma_semaphore, #tpu.memory_space<semaphore_mem>>
      %dma_start3A = arith.constant 0 : i32
      %dma_start3A_22 = tpu.memref_slice %arg3[%mul3A_21, %dma_start3A] : memref<2560x128xf32, #tpu.memory_space<hbm>> -> memref<80x128xf32, #tpu.memory_space<hbm>>
      %dma_start3A_23 = arith.constant 0 : i32
      %dma_start3A_24 = tpu.memref_slice %arg3[%mul3A_21, %dma_start3A_23] : memref<2560x128xf32, #tpu.memory_space<hbm>> -> memref<80x128xf32, #tpu.memory_space<hbm>>
      tpu.enqueue_dma source(%arg5 : memref<80x128xf32, #tpu.memory_space<vmem>>) target(%dma_start3A_24 : memref<80x128xf32, #tpu.memory_space<hbm>>) target_semaphore(%run_scoped3A : memref<!tpu.dma_semaphore, #tpu.memory_space<semaphore_mem>>)
      %dma_wait3A = arith.constant 0 : i32
      %dma_wait3A_25 = tpu.memref_slice %arg3[%mul3A_21, %dma_wait3A] : memref<2560x128xf32, #tpu.memory_space<hbm>> -> memref<80x128xf32, #tpu.memory_space<hbm>>
      %dma_wait3A_26 = arith.constant 0 : i32
      %dma_wait3A_27 = tpu.memref_slice %arg3[%mul3A_21, %dma_wait3A_26] : memref<2560x128xf32, #tpu.memory_space<hbm>> -> memref<80x128xf32, #tpu.memory_space<hbm>>
      tpu.wait_dma2 semaphore(%run_scoped3A : memref<!tpu.dma_semaphore, #tpu.memory_space<semaphore_mem>>) src(%arg5 : memref<80x128xf32, #tpu.memory_space<vmem>>) dst(%dma_wait3A_27 : memref<80x128xf32, #tpu.memory_space<hbm>>)
      tpu.yield
    }) : () -> ()
    return
  }
}

#map = affine_map<(d0, d1) -> (0, 0)>
#map1 = affine_map<(d0, d1) -> (0)>
module attributes {stable_mosaic.version = 14 : i64} {
  func.func @body(%arg0: i32, %arg1: i32, %arg2: memref<10112x128xf32, #tpu.memory_space<hbm>>, %arg3: memref<327680xi32, #tpu.memory_space<hbm>>, %arg4: memref<327680xi32, #tpu.memory_space<hbm>>, %arg5: memref<20224x128xf32, #tpu.memory_space<hbm>>, %arg6: memref<128xi32, #tpu.memory_space<vmem>>, %arg7: memref<128xi32, #tpu.memory_space<vmem>>, %arg8: memref<128x128xf32, #tpu.memory_space<vmem>>, %arg9: memref<10112x128xf32, #tpu.memory_space<vmem_shared>>, %arg10: memref<!tpu.dma_semaphore, #tpu.memory_space<semaphore_mem>>) attributes {dimension_semantics = [#tpu.dimension_semantics<core_parallel>, #tpu.dimension_semantics<subcore_parallel>], iteration_bounds = array<i64: 2, 16>, scalar_prefetch = 0 : i64, scratch_operands = 5 : i64, tpu.core_type = #tpu.core_type<sc_vector_subcore>, window_params = [{transform_indices = #map}, {transform_indices = #map1}, {transform_indices = #map1}, {transform_indices = #map}]} {
    %mul3A = arith.constant 2 : i32
    %mul3A_0 = arith.muli %arg1, %mul3A : i32
    %add3A = arith.addi %mul3A_0, %arg0 : i32
    %mul3A_1 = arith.constant 632 : i32
    %mul3A_2 = arith.muli %arg1, %mul3A_1 : i32
    %broadcast_in_dim3A = arith.constant 0.000000e+00 : f32
    %broadcast_in_dim3A_3 = vector.broadcast %broadcast_in_dim3A : f32 to vector<16xf32>
    %scan3A = arith.constant 0 : i32
    %scan3A_4 = arith.constant 0 : i32
    %scan3A_5 = arith.constant 128 : i32
    %scan3A_6 = arith.addi %scan3A_4, %scan3A_5 : i32
    %scan3A_7 = arith.constant 1 : i32
    scf.for %scan3A_29 = %scan3A_4 to %scan3A_6 step %scan3A_7  : i32 {
      %swap3A = arith.index_cast %scan3A_29 : i32 to index
      %swap3A_30 = arith.constant 0 : index
      %swap3A_31 = tpu.vector_load %arg8[%swap3A, %swap3A_30] {strides = array<i32>} : memref<128x128xf32, #tpu.memory_space<vmem>>, vector<1x16xf32>,
      %swap3A_32 = vector.shape_cast %swap3A_31 : vector<1x16xf32> to vector<16xf32>
      %swap3A_33 = vector.shape_cast %broadcast_in_dim3A_3 : vector<16xf32> to vector<1x16xf32>
      tpu.vector_store %arg8[%swap3A, %swap3A_30], %swap3A_33 {strides = array<i32>} : memref<128x128xf32, #tpu.memory_space<vmem>>, vector<1x16xf32>,
      %swap3A_34 = arith.index_cast %scan3A_29 : i32 to index
      %swap3A_35 = arith.constant 16 : index
      %swap3A_36 = tpu.vector_load %arg8[%swap3A_34, %swap3A_35] {strides = array<i32>} : memref<128x128xf32, #tpu.memory_space<vmem>>, vector<1x16xf32>,
      %swap3A_37 = vector.shape_cast %swap3A_36 : vector<1x16xf32> to vector<16xf32>
      %swap3A_38 = vector.shape_cast %broadcast_in_dim3A_3 : vector<16xf32> to vector<1x16xf32>
      tpu.vector_store %arg8[%swap3A_34, %swap3A_35], %swap3A_38 {strides = array<i32>} : memref<128x128xf32, #tpu.memory_space<vmem>>, vector<1x16xf32>,
      %swap3A_39 = arith.index_cast %scan3A_29 : i32 to index
      %swap3A_40 = arith.constant 32 : index
      %swap3A_41 = tpu.vector_load %arg8[%swap3A_39, %swap3A_40] {strides = array<i32>} : memref<128x128xf32, #tpu.memory_space<vmem>>, vector<1x16xf32>,
      %swap3A_42 = vector.shape_cast %swap3A_41 : vector<1x16xf32> to vector<16xf32>
      %swap3A_43 = vector.shape_cast %broadcast_in_dim3A_3 : vector<16xf32> to vector<1x16xf32>
      tpu.vector_store %arg8[%swap3A_39, %swap3A_40], %swap3A_43 {strides = array<i32>} : memref<128x128xf32, #tpu.memory_space<vmem>>, vector<1x16xf32>,
      %swap3A_44 = arith.index_cast %scan3A_29 : i32 to index
      %swap3A_45 = arith.constant 48 : index
      %swap3A_46 = tpu.vector_load %arg8[%swap3A_44, %swap3A_45] {strides = array<i32>} : memref<128x128xf32, #tpu.memory_space<vmem>>, vector<1x16xf32>,
      %swap3A_47 = vector.shape_cast %swap3A_46 : vector<1x16xf32> to vector<16xf32>
      %swap3A_48 = vector.shape_cast %broadcast_in_dim3A_3 : vector<16xf32> to vector<1x16xf32>
      tpu.vector_store %arg8[%swap3A_44, %swap3A_45], %swap3A_48 {strides = array<i32>} : memref<128x128xf32, #tpu.memory_space<vmem>>, vector<1x16xf32>,
      %swap3A_49 = arith.index_cast %scan3A_29 : i32 to index
      %swap3A_50 = arith.constant 64 : index
      %swap3A_51 = tpu.vector_load %arg8[%swap3A_49, %swap3A_50] {strides = array<i32>} : memref<128x128xf32, #tpu.memory_space<vmem>>, vector<1x16xf32>,
      %swap3A_52 = vector.shape_cast %swap3A_51 : vector<1x16xf32> to vector<16xf32>
      %swap3A_53 = vector.shape_cast %broadcast_in_dim3A_3 : vector<16xf32> to vector<1x16xf32>
      tpu.vector_store %arg8[%swap3A_49, %swap3A_50], %swap3A_53 {strides = array<i32>} : memref<128x128xf32, #tpu.memory_space<vmem>>, vector<1x16xf32>,
      %swap3A_54 = arith.index_cast %scan3A_29 : i32 to index
      %swap3A_55 = arith.constant 80 : index
      %swap3A_56 = tpu.vector_load %arg8[%swap3A_54, %swap3A_55] {strides = array<i32>} : memref<128x128xf32, #tpu.memory_space<vmem>>, vector<1x16xf32>,
      %swap3A_57 = vector.shape_cast %swap3A_56 : vector<1x16xf32> to vector<16xf32>
      %swap3A_58 = vector.shape_cast %broadcast_in_dim3A_3 : vector<16xf32> to vector<1x16xf32>
      tpu.vector_store %arg8[%swap3A_54, %swap3A_55], %swap3A_58 {strides = array<i32>} : memref<128x128xf32, #tpu.memory_space<vmem>>, vector<1x16xf32>,
      %swap3A_59 = arith.index_cast %scan3A_29 : i32 to index
      %swap3A_60 = arith.constant 96 : index
      %swap3A_61 = tpu.vector_load %arg8[%swap3A_59, %swap3A_60] {strides = array<i32>} : memref<128x128xf32, #tpu.memory_space<vmem>>, vector<1x16xf32>,
      %swap3A_62 = vector.shape_cast %swap3A_61 : vector<1x16xf32> to vector<16xf32>
      %swap3A_63 = vector.shape_cast %broadcast_in_dim3A_3 : vector<16xf32> to vector<1x16xf32>
      tpu.vector_store %arg8[%swap3A_59, %swap3A_60], %swap3A_63 {strides = array<i32>} : memref<128x128xf32, #tpu.memory_space<vmem>>, vector<1x16xf32>,
      %swap3A_64 = arith.index_cast %scan3A_29 : i32 to index
      %swap3A_65 = arith.constant 112 : index
      %swap3A_66 = tpu.vector_load %arg8[%swap3A_64, %swap3A_65] {strides = array<i32>} : memref<128x128xf32, #tpu.memory_space<vmem>>, vector<1x16xf32>,
      %swap3A_67 = vector.shape_cast %swap3A_66 : vector<1x16xf32> to vector<16xf32>
      %swap3A_68 = vector.shape_cast %broadcast_in_dim3A_3 : vector<16xf32> to vector<1x16xf32>
      tpu.vector_store %arg8[%swap3A_64, %swap3A_65], %swap3A_68 {strides = array<i32>} : memref<128x128xf32, #tpu.memory_space<vmem>>, vector<1x16xf32>,
    }
    %scan3A_8 = arith.constant 128 : i32
    %scan3A_9 = arith.constant 0 : i32
    %scan3A_10 = arith.constant 0 : i32
    %scan3A_11 = arith.constant 4 : i32
    %scan3A_12 = arith.addi %scan3A_10, %scan3A_11 : i32
    %scan3A_13 = arith.constant 1 : i32
    scf.for %scan3A_29 = %scan3A_10 to %scan3A_12 step %scan3A_13  : i32 {
      %mul3A_30 = arith.constant 128 : i32
      %mul3A_31 = arith.muli %scan3A_29, %mul3A_30 : i32
      %add3A_32 = arith.addi %mul3A_2, %mul3A_31 : i32
      "tpu.region"() ({
        %run_scoped3A = tpu.sem_alloc : memref<!tpu.dma_semaphore, #tpu.memory_space<semaphore_mem>>
        %dma_start3A = arith.constant 0 : i32
        %dma_start3A_33 = tpu.memref_slice %arg9[%add3A_32, %dma_start3A] : memref<10112x128xf32, #tpu.memory_space<vmem_shared>> -> memref<128x128xf32, #tpu.memory_space<vmem_shared>>
        %dma_start3A_34 = arith.constant 0 : i32
        %dma_start3A_35 = tpu.memref_slice %arg9[%add3A_32, %dma_start3A_34] : memref<10112x128xf32, #tpu.memory_space<vmem_shared>> -> memref<128x128xf32, #tpu.memory_space<vmem_shared>>
        tpu.enqueue_dma source(%arg8 : memref<128x128xf32, #tpu.memory_space<vmem>>) target(%dma_start3A_35 : memref<128x128xf32, #tpu.memory_space<vmem_shared>>) target_semaphore(%run_scoped3A : memref<!tpu.dma_semaphore, #tpu.memory_space<semaphore_mem>>)
        %dma_wait3A = arith.constant 0 : i32
        %dma_wait3A_36 = tpu.memref_slice %arg9[%add3A_32, %dma_wait3A] : memref<10112x128xf32, #tpu.memory_space<vmem_shared>> -> memref<128x128xf32, #tpu.memory_space<vmem_shared>>
        %dma_wait3A_37 = arith.constant 0 : i32
        %dma_wait3A_38 = tpu.memref_slice %arg9[%add3A_32, %dma_wait3A_37] : memref<10112x128xf32, #tpu.memory_space<vmem_shared>> -> memref<128x128xf32, #tpu.memory_space<vmem_shared>>
        tpu.wait_dma2 semaphore(%run_scoped3A : memref<!tpu.dma_semaphore, #tpu.memory_space<semaphore_mem>>) src(%arg8 : memref<128x128xf32, #tpu.memory_space<vmem>>) dst(%dma_wait3A_38 : memref<128x128xf32, #tpu.memory_space<vmem_shared>>)
        tpu.yield
      }) : () -> ()
    }
    %scan3A_14 = arith.constant 4 : i32
    %add3A_15 = arith.constant 512 : i32
    %add3A_16 = arith.addi %mul3A_2, %add3A_15 : i32
    "tpu.region"() ({
      %run_scoped3A = tpu.sem_alloc : memref<!tpu.dma_semaphore, #tpu.memory_space<semaphore_mem>>
      %dma_start3A = arith.constant 0 : i32
      %dma_start3A_29 = arith.constant 0 : i32
      %dma_start3A_30 = tpu.memref_slice %arg8[%dma_start3A, %dma_start3A_29] : memref<128x128xf32, #tpu.memory_space<vmem>> -> memref<120x128xf32, #tpu.memory_space<vmem>>
      %dma_start3A_31 = arith.constant 0 : i32
      %dma_start3A_32 = tpu.memref_slice %arg9[%add3A_16, %dma_start3A_31] : memref<10112x128xf32, #tpu.memory_space<vmem_shared>> -> memref<120x128xf32, #tpu.memory_space<vmem_shared>>
      %dma_start3A_33 = arith.constant 0 : i32
      %dma_start3A_34 = tpu.memref_slice %arg9[%add3A_16, %dma_start3A_33] : memref<10112x128xf32, #tpu.memory_space<vmem_shared>> -> memref<120x128xf32, #tpu.memory_space<vmem_shared>>
      %dma_start3A_35 = arith.constant 0 : i32
      %dma_start3A_36 = arith.constant 0 : i32
      %dma_start3A_37 = tpu.memref_slice %arg8[%dma_start3A_35, %dma_start3A_36] : memref<128x128xf32, #tpu.memory_space<vmem>> -> memref<120x128xf32, #tpu.memory_space<vmem>>
      tpu.enqueue_dma source(%dma_start3A_37 : memref<120x128xf32, #tpu.memory_space<vmem>>) target(%dma_start3A_34 : memref<120x128xf32, #tpu.memory_space<vmem_shared>>) target_semaphore(%run_scoped3A : memref<!tpu.dma_semaphore, #tpu.memory_space<semaphore_mem>>)
      %dma_wait3A = arith.constant 0 : i32
      %dma_wait3A_38 = arith.constant 0 : i32
      %dma_wait3A_39 = tpu.memref_slice %arg8[%dma_wait3A, %dma_wait3A_38] : memref<128x128xf32, #tpu.memory_space<vmem>> -> memref<120x128xf32, #tpu.memory_space<vmem>>
      %dma_wait3A_40 = arith.constant 0 : i32
      %dma_wait3A_41 = tpu.memref_slice %arg9[%add3A_16, %dma_wait3A_40] : memref<10112x128xf32, #tpu.memory_space<vmem_shared>> -> memref<120x128xf32, #tpu.memory_space<vmem_shared>>
      %dma_wait3A_42 = arith.constant 0 : i32
      %dma_wait3A_43 = tpu.memref_slice %arg9[%add3A_16, %dma_wait3A_42] : memref<10112x128xf32, #tpu.memory_space<vmem_shared>> -> memref<120x128xf32, #tpu.memory_space<vmem_shared>>
      %dma_wait3A_44 = arith.constant 0 : i32
      %dma_wait3A_45 = arith.constant 0 : i32
      %dma_wait3A_46 = tpu.memref_slice %arg8[%dma_wait3A_44, %dma_wait3A_45] : memref<128x128xf32, #tpu.memory_space<vmem>> -> memref<120x128xf32, #tpu.memory_space<vmem>>
      tpu.wait_dma2 semaphore(%run_scoped3A : memref<!tpu.dma_semaphore, #tpu.memory_space<semaphore_mem>>) src(%dma_wait3A_46 : memref<120x128xf32, #tpu.memory_space<vmem>>) dst(%dma_wait3A_43 : memref<120x128xf32, #tpu.memory_space<vmem_shared>>)
      tpu.yield
    }) : () -> ()
    %barrier3A = arith.constant 0 : index
    tpu.barrier barrier_id(%barrier3A)
    %mul3A_17 = arith.constant 10240 : i32
    %mul3A_18 = arith.muli %add3A, %mul3A_17 : i32
    %scan3A_19 = arith.constant 0 : i32
    %scan3A_20 = arith.constant 0 : i32
    %scan3A_21 = arith.constant 80 : i32
    %scan3A_22 = arith.addi %scan3A_20, %scan3A_21 : i32
    %scan3A_23 = arith.constant 1 : i32
    scf.for %scan3A_29 = %scan3A_20 to %scan3A_22 step %scan3A_23  : i32 {
      %mul3A_30 = arith.constant 128 : i32
      %mul3A_31 = arith.muli %scan3A_29, %mul3A_30 : i32
      %add3A_32 = arith.addi %mul3A_18, %mul3A_31 : i32
      %multiple_of3A = tpu.assume_multiple %add3A_32, 128 : i32
      "tpu.region"() ({
        %run_scoped3A = tpu.sem_alloc : memref<!tpu.dma_semaphore, #tpu.memory_space<semaphore_mem>>
        %dma_start3A_37 = tpu.memref_slice %arg3[%multiple_of3A] : memref<327680xi32, #tpu.memory_space<hbm>> -> memref<128xi32, #tpu.memory_space<hbm>>
        %dma_start3A_38 = tpu.memref_slice %arg3[%multiple_of3A] : memref<327680xi32, #tpu.memory_space<hbm>> -> memref<128xi32, #tpu.memory_space<hbm>>
        tpu.enqueue_dma source(%dma_start3A_38 : memref<128xi32, #tpu.memory_space<hbm>>) target(%arg6 : memref<128xi32, #tpu.memory_space<vmem>>) target_semaphore(%run_scoped3A : memref<!tpu.dma_semaphore, #tpu.memory_space<semaphore_mem>>)
        %dma_wait3A_39 = tpu.memref_slice %arg3[%multiple_of3A] : memref<327680xi32, #tpu.memory_space<hbm>> -> memref<128xi32, #tpu.memory_space<hbm>>
        %dma_wait3A_40 = tpu.memref_slice %arg3[%multiple_of3A] : memref<327680xi32, #tpu.memory_space<hbm>> -> memref<128xi32, #tpu.memory_space<hbm>>
        tpu.wait_dma2 semaphore(%run_scoped3A : memref<!tpu.dma_semaphore, #tpu.memory_space<semaphore_mem>>) src(%dma_wait3A_40 : memref<128xi32, #tpu.memory_space<hbm>>) dst(%arg6 : memref<128xi32, #tpu.memory_space<vmem>>)
        tpu.yield
      }) : () -> ()
      "tpu.region"() ({
        %run_scoped3A = tpu.sem_alloc : memref<!tpu.dma_semaphore, #tpu.memory_space<semaphore_mem>>
        %dma_start3A_37 = tpu.memref_slice %arg4[%multiple_of3A] : memref<327680xi32, #tpu.memory_space<hbm>> -> memref<128xi32, #tpu.memory_space<hbm>>
        %dma_start3A_38 = tpu.memref_slice %arg4[%multiple_of3A] : memref<327680xi32, #tpu.memory_space<hbm>> -> memref<128xi32, #tpu.memory_space<hbm>>
        tpu.enqueue_dma source(%dma_start3A_38 : memref<128xi32, #tpu.memory_space<hbm>>) target(%arg7 : memref<128xi32, #tpu.memory_space<vmem>>) target_semaphore(%run_scoped3A : memref<!tpu.dma_semaphore, #tpu.memory_space<semaphore_mem>>)
        %dma_wait3A_39 = tpu.memref_slice %arg4[%multiple_of3A] : memref<327680xi32, #tpu.memory_space<hbm>> -> memref<128xi32, #tpu.memory_space<hbm>>
        %dma_wait3A_40 = tpu.memref_slice %arg4[%multiple_of3A] : memref<327680xi32, #tpu.memory_space<hbm>> -> memref<128xi32, #tpu.memory_space<hbm>>
        tpu.wait_dma2 semaphore(%run_scoped3A : memref<!tpu.dma_semaphore, #tpu.memory_space<semaphore_mem>>) src(%dma_wait3A_40 : memref<128xi32, #tpu.memory_space<hbm>>) dst(%arg7 : memref<128xi32, #tpu.memory_space<vmem>>)
        tpu.yield
      }) : () -> ()
      %dma_start3A = arith.constant 0 : i32
      %dma_start3A_33 = arith.constant 0 : i32
      %dma_start3A_34 = tpu.memref_slice %arg2[%dma_start3A, %dma_start3A_33] : memref<10112x128xf32, #tpu.memory_space<hbm>> -> memref<10112x128xf32, #tpu.memory_space<hbm>>
      tpu.enqueue_indirect_dma source(%dma_start3A_34 : memref<10112x128xf32, #tpu.memory_space<hbm>>) target(%arg8 : memref<128x128xf32, #tpu.memory_space<vmem>>) offsets(%arg6 : memref<128xi32, #tpu.memory_space<vmem>>) semaphore(%arg10 : memref<!tpu.dma_semaphore, #tpu.memory_space<semaphore_mem>>)
      %dma_wait3A = arith.constant 0 : i32
      %dma_wait3A_35 = arith.constant 0 : i32
      %dma_wait3A_36 = tpu.memref_slice %arg2[%dma_wait3A, %dma_wait3A_35] : memref<10112x128xf32, #tpu.memory_space<hbm>> -> memref<10112x128xf32, #tpu.memory_space<hbm>>
      tpu.wait_indirect_dma semaphore(%arg10 : memref<!tpu.dma_semaphore, #tpu.memory_space<semaphore_mem>>) src(%dma_wait3A_36 : memref<10112x128xf32, #tpu.memory_space<hbm>>) dst(%arg8 : memref<128x128xf32, #tpu.memory_space<vmem>>)
      "tpu.region"() ({
        %run_scoped3A = tpu.sem_alloc : memref<!tpu.dma_semaphore, #tpu.memory_space<semaphore_mem>>
        %dma_start3A_37 = arith.constant 0 : i32
        %dma_start3A_38 = arith.constant 0 : i32
        %dma_start3A_39 = tpu.memref_slice %arg9[%dma_start3A_37, %dma_start3A_38] : memref<10112x128xf32, #tpu.memory_space<vmem_shared>> -> memref<10112x128xf32, #tpu.memory_space<vmem_shared>>
        tpu.enqueue_indirect_dma source(%arg8 : memref<128x128xf32, #tpu.memory_space<vmem>>) target(%dma_start3A_39 : memref<10112x128xf32, #tpu.memory_space<vmem_shared>>) offsets(%arg7 : memref<128xi32, #tpu.memory_space<vmem>>) semaphore(%run_scoped3A : memref<!tpu.dma_semaphore, #tpu.memory_space<semaphore_mem>>) {add = true}
        %dma_wait3A_40 = arith.constant 0 : i32
        %dma_wait3A_41 = arith.constant 0 : i32
        %dma_wait3A_42 = tpu.memref_slice %arg9[%dma_wait3A_40, %dma_wait3A_41] : memref<10112x128xf32, #tpu.memory_space<vmem_shared>> -> memref<10112x128xf32, #tpu.memory_space<vmem_shared>>
        tpu.wait_indirect_dma semaphore(%run_scoped3A : memref<!tpu.dma_semaphore, #tpu.memory_space<semaphore_mem>>) src(%arg8 : memref<128x128xf32, #tpu.memory_space<vmem>>) dst(%dma_wait3A_42 : memref<10112x128xf32, #tpu.memory_space<vmem_shared>>)
        tpu.yield
      }) : () -> ()
    }
    %scan3A_24 = arith.constant 80 : i32
    %barrier3A_25 = arith.constant 0 : index
    tpu.barrier barrier_id(%barrier3A_25)
    %mul3A_26 = arith.constant 10112 : i32
    %mul3A_27 = arith.muli %arg0, %mul3A_26 : i32
    %add3A_28 = arith.addi %mul3A_27, %mul3A_2 : i32
    "tpu.region"() ({
      %run_scoped3A = tpu.sem_alloc : memref<!tpu.dma_semaphore, #tpu.memory_space<semaphore_mem>>
      %dma_start3A = arith.constant 0 : i32
      %dma_start3A_29 = tpu.memref_slice %arg5[%add3A_28, %dma_start3A] : memref<20224x128xf32, #tpu.memory_space<hbm>> -> memref<632x128xf32, #tpu.memory_space<hbm>>
      %dma_start3A_30 = arith.constant 0 : i32
      %dma_start3A_31 = tpu.memref_slice %arg9[%mul3A_2, %dma_start3A_30] : memref<10112x128xf32, #tpu.memory_space<vmem_shared>> -> memref<632x128xf32, #tpu.memory_space<vmem_shared>>
      tpu.enqueue_dma source(%dma_start3A_31 : memref<632x128xf32, #tpu.memory_space<vmem_shared>>) target(%dma_start3A_29 : memref<632x128xf32, #tpu.memory_space<hbm>>) target_semaphore(%run_scoped3A : memref<!tpu.dma_semaphore, #tpu.memory_space<semaphore_mem>>)
      %dma_wait3A = arith.constant 0 : i32
      %dma_wait3A_32 = tpu.memref_slice %arg5[%add3A_28, %dma_wait3A] : memref<20224x128xf32, #tpu.memory_space<hbm>> -> memref<632x128xf32, #tpu.memory_space<hbm>>
      %dma_wait3A_33 = arith.constant 0 : i32
      %dma_wait3A_34 = tpu.memref_slice %arg9[%mul3A_2, %dma_wait3A_33] : memref<10112x128xf32, #tpu.memory_space<vmem_shared>> -> memref<632x128xf32, #tpu.memory_space<vmem_shared>>
      tpu.wait_dma2 semaphore(%run_scoped3A : memref<!tpu.dma_semaphore, #tpu.memory_space<semaphore_mem>>) src(%dma_wait3A_34 : memref<632x128xf32, #tpu.memory_space<vmem_shared>>) dst(%dma_wait3A_32 : memref<632x128xf32, #tpu.memory_space<hbm>>)
      tpu.yield
    }) : () -> ()
    return
  }
}

#map = affine_map<(d0, d1) -> (0, 0)>
#map1 = affine_map<(d0, d1) -> (0)>
module attributes {stable_mosaic.version = 14 : i64} {
  func.func @body(%arg0: i32, %arg1: i32, %arg2: memref<10112x128xf32, #tpu.memory_space<hbm>>, %arg3: memref<327680xi32, #tpu.memory_space<hbm>>, %arg4: memref<327680xi32, #tpu.memory_space<hbm>>, %arg5: memref<20224x128xf32, #tpu.memory_space<hbm>>, %arg6: memref<128xi32, #tpu.memory_space<vmem>>, %arg7: memref<128xi32, #tpu.memory_space<vmem>>, %arg8: memref<128x128xf32, #tpu.memory_space<vmem>>, %arg9: memref<10112x128xf32, #tpu.memory_space<vmem_shared>>, %arg10: memref<!tpu.dma_semaphore, #tpu.memory_space<semaphore_mem>>) attributes {dimension_semantics = [#tpu.dimension_semantics<core_parallel>, #tpu.dimension_semantics<subcore_parallel>], iteration_bounds = array<i64: 2, 16>, scalar_prefetch = 0 : i64, scratch_operands = 5 : i64, tpu.core_type = #tpu.core_type<sc_vector_subcore>, window_params = [{transform_indices = #map}, {transform_indices = #map1}, {transform_indices = #map1}, {transform_indices = #map}]} {
    %mul3A = arith.constant 2 : i32
    %mul3A_0 = arith.muli %arg1, %mul3A : i32
    %add3A = arith.addi %mul3A_0, %arg0 : i32
    %mul3A_1 = arith.constant 632 : i32
    %mul3A_2 = arith.muli %arg1, %mul3A_1 : i32
    %broadcast_in_dim3A = arith.constant 0.000000e+00 : f32
    %broadcast_in_dim3A_3 = vector.broadcast %broadcast_in_dim3A : f32 to vector<16xf32>
    %scan3A = arith.constant 0 : i32
    %scan3A_4 = arith.constant 0 : i32
    %scan3A_5 = arith.constant 128 : i32
    %scan3A_6 = arith.addi %scan3A_4, %scan3A_5 : i32
    %scan3A_7 = arith.constant 1 : i32
    scf.for %scan3A_29 = %scan3A_4 to %scan3A_6 step %scan3A_7  : i32 {
      %swap3A = arith.index_cast %scan3A_29 : i32 to index
      %swap3A_30 = arith.constant 0 : index
      %swap3A_31 = tpu.vector_load %arg8[%swap3A, %swap3A_30] {strides = array<i32>} : memref<128x128xf32, #tpu.memory_space<vmem>>, vector<1x16xf32>,
      %swap3A_32 = vector.shape_cast %swap3A_31 : vector<1x16xf32> to vector<16xf32>
      %swap3A_33 = vector.shape_cast %broadcast_in_dim3A_3 : vector<16xf32> to vector<1x16xf32>
      tpu.vector_store %arg8[%swap3A, %swap3A_30], %swap3A_33 {strides = array<i32>} : memref<128x128xf32, #tpu.memory_space<vmem>>, vector<1x16xf32>,
      %swap3A_34 = arith.index_cast %scan3A_29 : i32 to index
      %swap3A_35 = arith.constant 16 : index
      %swap3A_36 = tpu.vector_load %arg8[%swap3A_34, %swap3A_35] {strides = array<i32>} : memref<128x128xf32, #tpu.memory_space<vmem>>, vector<1x16xf32>,
      %swap3A_37 = vector.shape_cast %swap3A_36 : vector<1x16xf32> to vector<16xf32>
      %swap3A_38 = vector.shape_cast %broadcast_in_dim3A_3 : vector<16xf32> to vector<1x16xf32>
      tpu.vector_store %arg8[%swap3A_34, %swap3A_35], %swap3A_38 {strides = array<i32>} : memref<128x128xf32, #tpu.memory_space<vmem>>, vector<1x16xf32>,
      %swap3A_39 = arith.index_cast %scan3A_29 : i32 to index
      %swap3A_40 = arith.constant 32 : index
      %swap3A_41 = tpu.vector_load %arg8[%swap3A_39, %swap3A_40] {strides = array<i32>} : memref<128x128xf32, #tpu.memory_space<vmem>>, vector<1x16xf32>,
      %swap3A_42 = vector.shape_cast %swap3A_41 : vector<1x16xf32> to vector<16xf32>
      %swap3A_43 = vector.shape_cast %broadcast_in_dim3A_3 : vector<16xf32> to vector<1x16xf32>
      tpu.vector_store %arg8[%swap3A_39, %swap3A_40], %swap3A_43 {strides = array<i32>} : memref<128x128xf32, #tpu.memory_space<vmem>>, vector<1x16xf32>,
      %swap3A_44 = arith.index_cast %scan3A_29 : i32 to index
      %swap3A_45 = arith.constant 48 : index
      %swap3A_46 = tpu.vector_load %arg8[%swap3A_44, %swap3A_45] {strides = array<i32>} : memref<128x128xf32, #tpu.memory_space<vmem>>, vector<1x16xf32>,
      %swap3A_47 = vector.shape_cast %swap3A_46 : vector<1x16xf32> to vector<16xf32>
      %swap3A_48 = vector.shape_cast %broadcast_in_dim3A_3 : vector<16xf32> to vector<1x16xf32>
      tpu.vector_store %arg8[%swap3A_44, %swap3A_45], %swap3A_48 {strides = array<i32>} : memref<128x128xf32, #tpu.memory_space<vmem>>, vector<1x16xf32>,
      %swap3A_49 = arith.index_cast %scan3A_29 : i32 to index
      %swap3A_50 = arith.constant 64 : index
      %swap3A_51 = tpu.vector_load %arg8[%swap3A_49, %swap3A_50] {strides = array<i32>} : memref<128x128xf32, #tpu.memory_space<vmem>>, vector<1x16xf32>,
      %swap3A_52 = vector.shape_cast %swap3A_51 : vector<1x16xf32> to vector<16xf32>
      %swap3A_53 = vector.shape_cast %broadcast_in_dim3A_3 : vector<16xf32> to vector<1x16xf32>
      tpu.vector_store %arg8[%swap3A_49, %swap3A_50], %swap3A_53 {strides = array<i32>} : memref<128x128xf32, #tpu.memory_space<vmem>>, vector<1x16xf32>,
      %swap3A_54 = arith.index_cast %scan3A_29 : i32 to index
      %swap3A_55 = arith.constant 80 : index
      %swap3A_56 = tpu.vector_load %arg8[%swap3A_54, %swap3A_55] {strides = array<i32>} : memref<128x128xf32, #tpu.memory_space<vmem>>, vector<1x16xf32>,
      %swap3A_57 = vector.shape_cast %swap3A_56 : vector<1x16xf32> to vector<16xf32>
      %swap3A_58 = vector.shape_cast %broadcast_in_dim3A_3 : vector<16xf32> to vector<1x16xf32>
      tpu.vector_store %arg8[%swap3A_54, %swap3A_55], %swap3A_58 {strides = array<i32>} : memref<128x128xf32, #tpu.memory_space<vmem>>, vector<1x16xf32>,
      %swap3A_59 = arith.index_cast %scan3A_29 : i32 to index
      %swap3A_60 = arith.constant 96 : index
      %swap3A_61 = tpu.vector_load %arg8[%swap3A_59, %swap3A_60] {strides = array<i32>} : memref<128x128xf32, #tpu.memory_space<vmem>>, vector<1x16xf32>,
      %swap3A_62 = vector.shape_cast %swap3A_61 : vector<1x16xf32> to vector<16xf32>
      %swap3A_63 = vector.shape_cast %broadcast_in_dim3A_3 : vector<16xf32> to vector<1x16xf32>
      tpu.vector_store %arg8[%swap3A_59, %swap3A_60], %swap3A_63 {strides = array<i32>} : memref<128x128xf32, #tpu.memory_space<vmem>>, vector<1x16xf32>,
      %swap3A_64 = arith.index_cast %scan3A_29 : i32 to index
      %swap3A_65 = arith.constant 112 : index
      %swap3A_66 = tpu.vector_load %arg8[%swap3A_64, %swap3A_65] {strides = array<i32>} : memref<128x128xf32, #tpu.memory_space<vmem>>, vector<1x16xf32>,
      %swap3A_67 = vector.shape_cast %swap3A_66 : vector<1x16xf32> to vector<16xf32>
      %swap3A_68 = vector.shape_cast %broadcast_in_dim3A_3 : vector<16xf32> to vector<1x16xf32>
      tpu.vector_store %arg8[%swap3A_64, %swap3A_65], %swap3A_68 {strides = array<i32>} : memref<128x128xf32, #tpu.memory_space<vmem>>, vector<1x16xf32>,
    }
    %scan3A_8 = arith.constant 128 : i32
    %scan3A_9 = arith.constant 0 : i32
    %scan3A_10 = arith.constant 0 : i32
    %scan3A_11 = arith.constant 4 : i32
    %scan3A_12 = arith.addi %scan3A_10, %scan3A_11 : i32
    %scan3A_13 = arith.constant 1 : i32
    scf.for %scan3A_29 = %scan3A_10 to %scan3A_12 step %scan3A_13  : i32 {
      %mul3A_30 = arith.constant 128 : i32
      %mul3A_31 = arith.muli %scan3A_29, %mul3A_30 : i32
      %add3A_32 = arith.addi %mul3A_2, %mul3A_31 : i32
      "tpu.region"() ({
        %run_scoped3A = tpu.sem_alloc : memref<!tpu.dma_semaphore, #tpu.memory_space<semaphore_mem>>
        %dma_start3A = arith.constant 0 : i32
        %dma_start3A_33 = tpu.memref_slice %arg9[%add3A_32, %dma_start3A] : memref<10112x128xf32, #tpu.memory_space<vmem_shared>> -> memref<128x128xf32, #tpu.memory_space<vmem_shared>>
        %dma_start3A_34 = arith.constant 0 : i32
        %dma_start3A_35 = tpu.memref_slice %arg9[%add3A_32, %dma_start3A_34] : memref<10112x128xf32, #tpu.memory_space<vmem_shared>> -> memref<128x128xf32, #tpu.memory_space<vmem_shared>>
        tpu.enqueue_dma source(%arg8 : memref<128x128xf32, #tpu.memory_space<vmem>>) target(%dma_start3A_35 : memref<128x128xf32, #tpu.memory_space<vmem_shared>>) target_semaphore(%run_scoped3A : memref<!tpu.dma_semaphore, #tpu.memory_space<semaphore_mem>>)
        %dma_wait3A = arith.constant 0 : i32
        %dma_wait3A_36 = tpu.memref_slice %arg9[%add3A_32, %dma_wait3A] : memref<10112x128xf32, #tpu.memory_space<vmem_shared>> -> memref<128x128xf32, #tpu.memory_space<vmem_shared>>
        %dma_wait3A_37 = arith.constant 0 : i32
        %dma_wait3A_38 = tpu.memref_slice %arg9[%add3A_32, %dma_wait3A_37] : memref<10112x128xf32, #tpu.memory_space<vmem_shared>> -> memref<128x128xf32, #tpu.memory_space<vmem_shared>>
        tpu.wait_dma2 semaphore(%run_scoped3A : memref<!tpu.dma_semaphore, #tpu.memory_space<semaphore_mem>>) src(%arg8 : memref<128x128xf32, #tpu.memory_space<vmem>>) dst(%dma_wait3A_38 : memref<128x128xf32, #tpu.memory_space<vmem_shared>>)
        tpu.yield
      }) : () -> ()
    }
    %scan3A_14 = arith.constant 4 : i32
    %add3A_15 = arith.constant 512 : i32
    %add3A_16 = arith.addi %mul3A_2, %add3A_15 : i32
    "tpu.region"() ({
      %run_scoped3A = tpu.sem_alloc : memref<!tpu.dma_semaphore, #tpu.memory_space<semaphore_mem>>
      %dma_start3A = arith.constant 0 : i32
      %dma_start3A_29 = arith.constant 0 : i32
      %dma_start3A_30 = tpu.memref_slice %arg8[%dma_start3A, %dma_start3A_29] : memref<128x128xf32, #tpu.memory_space<vmem>> -> memref<120x128xf32, #tpu.memory_space<vmem>>
      %dma_start3A_31 = arith.constant 0 : i32
      %dma_start3A_32 = tpu.memref_slice %arg9[%add3A_16, %dma_start3A_31] : memref<10112x128xf32, #tpu.memory_space<vmem_shared>> -> memref<120x128xf32, #tpu.memory_space<vmem_shared>>
      %dma_start3A_33 = arith.constant 0 : i32
      %dma_start3A_34 = tpu.memref_slice %arg9[%add3A_16, %dma_start3A_33] : memref<10112x128xf32, #tpu.memory_space<vmem_shared>> -> memref<120x128xf32, #tpu.memory_space<vmem_shared>>
      %dma_start3A_35 = arith.constant 0 : i32
      %dma_start3A_36 = arith.constant 0 : i32
      %dma_start3A_37 = tpu.memref_slice %arg8[%dma_start3A_35, %dma_start3A_36] : memref<128x128xf32, #tpu.memory_space<vmem>> -> memref<120x128xf32, #tpu.memory_space<vmem>>
      tpu.enqueue_dma source(%dma_start3A_37 : memref<120x128xf32, #tpu.memory_space<vmem>>) target(%dma_start3A_34 : memref<120x128xf32, #tpu.memory_space<vmem_shared>>) target_semaphore(%run_scoped3A : memref<!tpu.dma_semaphore, #tpu.memory_space<semaphore_mem>>)
      %dma_wait3A = arith.constant 0 : i32
      %dma_wait3A_38 = arith.constant 0 : i32
      %dma_wait3A_39 = tpu.memref_slice %arg8[%dma_wait3A, %dma_wait3A_38] : memref<128x128xf32, #tpu.memory_space<vmem>> -> memref<120x128xf32, #tpu.memory_space<vmem>>
      %dma_wait3A_40 = arith.constant 0 : i32
      %dma_wait3A_41 = tpu.memref_slice %arg9[%add3A_16, %dma_wait3A_40] : memref<10112x128xf32, #tpu.memory_space<vmem_shared>> -> memref<120x128xf32, #tpu.memory_space<vmem_shared>>
      %dma_wait3A_42 = arith.constant 0 : i32
      %dma_wait3A_43 = tpu.memref_slice %arg9[%add3A_16, %dma_wait3A_42] : memref<10112x128xf32, #tpu.memory_space<vmem_shared>> -> memref<120x128xf32, #tpu.memory_space<vmem_shared>>
      %dma_wait3A_44 = arith.constant 0 : i32
      %dma_wait3A_45 = arith.constant 0 : i32
      %dma_wait3A_46 = tpu.memref_slice %arg8[%dma_wait3A_44, %dma_wait3A_45] : memref<128x128xf32, #tpu.memory_space<vmem>> -> memref<120x128xf32, #tpu.memory_space<vmem>>
      tpu.wait_dma2 semaphore(%run_scoped3A : memref<!tpu.dma_semaphore, #tpu.memory_space<semaphore_mem>>) src(%dma_wait3A_46 : memref<120x128xf32, #tpu.memory_space<vmem>>) dst(%dma_wait3A_43 : memref<120x128xf32, #tpu.memory_space<vmem_shared>>)
      tpu.yield
    }) : () -> ()
    %barrier3A = arith.constant 0 : index
    tpu.barrier barrier_id(%barrier3A)
    %mul3A_17 = arith.constant 10240 : i32
    %mul3A_18 = arith.muli %add3A, %mul3A_17 : i32
    %scan3A_19 = arith.constant 0 : i32
    %scan3A_20 = arith.constant 0 : i32
    %scan3A_21 = arith.constant 80 : i32
    %scan3A_22 = arith.addi %scan3A_20, %scan3A_21 : i32
    %scan3A_23 = arith.constant 1 : i32
    scf.for %scan3A_29 = %scan3A_20 to %scan3A_22 step %scan3A_23  : i32 {
      %mul3A_30 = arith.constant 128 : i32
      %mul3A_31 = arith.muli %scan3A_29, %mul3A_30 : i32
      %add3A_32 = arith.addi %mul3A_18, %mul3A_31 : i32
      %multiple_of3A = tpu.assume_multiple %add3A_32, 128 : i32
      "tpu.region"() ({
        %run_scoped3A = tpu.sem_alloc : memref<!tpu.dma_semaphore, #tpu.memory_space<semaphore_mem>>
        %dma_start3A_37 = tpu.memref_slice %arg3[%multiple_of3A] : memref<327680xi32, #tpu.memory_space<hbm>> -> memref<128xi32, #tpu.memory_space<hbm>>
        %dma_start3A_38 = tpu.memref_slice %arg3[%multiple_of3A] : memref<327680xi32, #tpu.memory_space<hbm>> -> memref<128xi32, #tpu.memory_space<hbm>>
        tpu.enqueue_dma source(%dma_start3A_38 : memref<128xi32, #tpu.memory_space<hbm>>) target(%arg6 : memref<128xi32, #tpu.memory_space<vmem>>) target_semaphore(%run_scoped3A : memref<!tpu.dma_semaphore, #tpu.memory_space<semaphore_mem>>)
        %dma_wait3A_39 = tpu.memref_slice %arg3[%multiple_of3A] : memref<327680xi32, #tpu.memory_space<hbm>> -> memref<128xi32, #tpu.memory_space<hbm>>
        %dma_wait3A_40 = tpu.memref_slice %arg3[%multiple_of3A] : memref<327680xi32, #tpu.memory_space<hbm>> -> memref<128xi32, #tpu.memory_space<hbm>>
        tpu.wait_dma2 semaphore(%run_scoped3A : memref<!tpu.dma_semaphore, #tpu.memory_space<semaphore_mem>>) src(%dma_wait3A_40 : memref<128xi32, #tpu.memory_space<hbm>>) dst(%arg6 : memref<128xi32, #tpu.memory_space<vmem>>)
        tpu.yield
      }) : () -> ()
      "tpu.region"() ({
        %run_scoped3A = tpu.sem_alloc : memref<!tpu.dma_semaphore, #tpu.memory_space<semaphore_mem>>
        %dma_start3A_37 = tpu.memref_slice %arg4[%multiple_of3A] : memref<327680xi32, #tpu.memory_space<hbm>> -> memref<128xi32, #tpu.memory_space<hbm>>
        %dma_start3A_38 = tpu.memref_slice %arg4[%multiple_of3A] : memref<327680xi32, #tpu.memory_space<hbm>> -> memref<128xi32, #tpu.memory_space<hbm>>
        tpu.enqueue_dma source(%dma_start3A_38 : memref<128xi32, #tpu.memory_space<hbm>>) target(%arg7 : memref<128xi32, #tpu.memory_space<vmem>>) target_semaphore(%run_scoped3A : memref<!tpu.dma_semaphore, #tpu.memory_space<semaphore_mem>>)
        %dma_wait3A_39 = tpu.memref_slice %arg4[%multiple_of3A] : memref<327680xi32, #tpu.memory_space<hbm>> -> memref<128xi32, #tpu.memory_space<hbm>>
        %dma_wait3A_40 = tpu.memref_slice %arg4[%multiple_of3A] : memref<327680xi32, #tpu.memory_space<hbm>> -> memref<128xi32, #tpu.memory_space<hbm>>
        tpu.wait_dma2 semaphore(%run_scoped3A : memref<!tpu.dma_semaphore, #tpu.memory_space<semaphore_mem>>) src(%dma_wait3A_40 : memref<128xi32, #tpu.memory_space<hbm>>) dst(%arg7 : memref<128xi32, #tpu.memory_space<vmem>>)
        tpu.yield
      }) : () -> ()
      %dma_start3A = arith.constant 0 : i32
      %dma_start3A_33 = arith.constant 0 : i32
      %dma_start3A_34 = tpu.memref_slice %arg2[%dma_start3A, %dma_start3A_33] : memref<10112x128xf32, #tpu.memory_space<hbm>> -> memref<10112x128xf32, #tpu.memory_space<hbm>>
      tpu.enqueue_indirect_dma source(%dma_start3A_34 : memref<10112x128xf32, #tpu.memory_space<hbm>>) target(%arg8 : memref<128x128xf32, #tpu.memory_space<vmem>>) offsets(%arg6 : memref<128xi32, #tpu.memory_space<vmem>>) semaphore(%arg10 : memref<!tpu.dma_semaphore, #tpu.memory_space<semaphore_mem>>)
      %dma_wait3A = arith.constant 0 : i32
      %dma_wait3A_35 = arith.constant 0 : i32
      %dma_wait3A_36 = tpu.memref_slice %arg2[%dma_wait3A, %dma_wait3A_35] : memref<10112x128xf32, #tpu.memory_space<hbm>> -> memref<10112x128xf32, #tpu.memory_space<hbm>>
      tpu.wait_indirect_dma semaphore(%arg10 : memref<!tpu.dma_semaphore, #tpu.memory_space<semaphore_mem>>) src(%dma_wait3A_36 : memref<10112x128xf32, #tpu.memory_space<hbm>>) dst(%arg8 : memref<128x128xf32, #tpu.memory_space<vmem>>)
      "tpu.region"() ({
        %run_scoped3A = tpu.sem_alloc : memref<!tpu.dma_semaphore, #tpu.memory_space<semaphore_mem>>
        %dma_start3A_37 = arith.constant 0 : i32
        %dma_start3A_38 = arith.constant 0 : i32
        %dma_start3A_39 = tpu.memref_slice %arg9[%dma_start3A_37, %dma_start3A_38] : memref<10112x128xf32, #tpu.memory_space<vmem_shared>> -> memref<10112x128xf32, #tpu.memory_space<vmem_shared>>
        tpu.enqueue_indirect_dma source(%arg8 : memref<128x128xf32, #tpu.memory_space<vmem>>) target(%dma_start3A_39 : memref<10112x128xf32, #tpu.memory_space<vmem_shared>>) offsets(%arg7 : memref<128xi32, #tpu.memory_space<vmem>>) semaphore(%run_scoped3A : memref<!tpu.dma_semaphore, #tpu.memory_space<semaphore_mem>>) {add = true}
        %dma_wait3A_40 = arith.constant 0 : i32
        %dma_wait3A_41 = arith.constant 0 : i32
        %dma_wait3A_42 = tpu.memref_slice %arg9[%dma_wait3A_40, %dma_wait3A_41] : memref<10112x128xf32, #tpu.memory_space<vmem_shared>> -> memref<10112x128xf32, #tpu.memory_space<vmem_shared>>
        tpu.wait_indirect_dma semaphore(%run_scoped3A : memref<!tpu.dma_semaphore, #tpu.memory_space<semaphore_mem>>) src(%arg8 : memref<128x128xf32, #tpu.memory_space<vmem>>) dst(%dma_wait3A_42 : memref<10112x128xf32, #tpu.memory_space<vmem_shared>>)
        tpu.yield
      }) : () -> ()
    }
    %scan3A_24 = arith.constant 80 : i32
    %barrier3A_25 = arith.constant 0 : index
    tpu.barrier barrier_id(%barrier3A_25)
    %mul3A_26 = arith.constant 10112 : i32
    %mul3A_27 = arith.muli %arg0, %mul3A_26 : i32
    %add3A_28 = arith.addi %mul3A_27, %mul3A_2 : i32
    "tpu.region"() ({
      %run_scoped3A = tpu.sem_alloc : memref<!tpu.dma_semaphore, #tpu.memory_space<semaphore_mem>>
      %dma_start3A = arith.constant 0 : i32
      %dma_start3A_29 = tpu.memref_slice %arg5[%add3A_28, %dma_start3A] : memref<20224x128xf32, #tpu.memory_space<hbm>> -> memref<632x128xf32, #tpu.memory_space<hbm>>
      %dma_start3A_30 = arith.constant 0 : i32
      %dma_start3A_31 = tpu.memref_slice %arg9[%mul3A_2, %dma_start3A_30] : memref<10112x128xf32, #tpu.memory_space<vmem_shared>> -> memref<632x128xf32, #tpu.memory_space<vmem_shared>>
      tpu.enqueue_dma source(%dma_start3A_31 : memref<632x128xf32, #tpu.memory_space<vmem_shared>>) target(%dma_start3A_29 : memref<632x128xf32, #tpu.memory_space<hbm>>) target_semaphore(%run_scoped3A : memref<!tpu.dma_semaphore, #tpu.memory_space<semaphore_mem>>)
      %dma_wait3A = arith.constant 0 : i32
      %dma_wait3A_32 = tpu.memref_slice %arg5[%add3A_28, %dma_wait3A] : memref<20224x128xf32, #tpu.memory_space<hbm>> -> memref<632x128xf32, #tpu.memory_space<hbm>>
      %dma_wait3A_33 = arith.constant 0 : i32
      %dma_wait3A_34 = tpu.memref_slice %arg9[%mul3A_2, %dma_wait3A_33] : memref<10112x128xf32, #tpu.memory_space<vmem_shared>> -> memref<632x128xf32, #tpu.memory_space<vmem_shared>>
      tpu.wait_dma2 semaphore(%run_scoped3A : memref<!tpu.dma_semaphore, #tpu.memory_space<semaphore_mem>>) src(%dma_wait3A_34 : memref<632x128xf32, #tpu.memory_space<vmem_shared>>) dst(%dma_wait3A_32 : memref<632x128xf32, #tpu.memory_space<hbm>>)
      tpu.yield
    }) : () -> ()
    return
  }
}

#map = affine_map<(d0, d1) -> (0, 0)>
#map1 = affine_map<(d0, d1) -> (0)>
module attributes {stable_mosaic.version = 14 : i64} {
  func.func @body(%arg0: i32, %arg1: i32, %arg2: memref<10112x128xf32, #tpu.memory_space<hbm>>, %arg3: memref<327680xi32, #tpu.memory_space<hbm>>, %arg4: memref<327680xi32, #tpu.memory_space<hbm>>, %arg5: memref<20224x128xf32, #tpu.memory_space<hbm>>, %arg6: memref<128xi32, #tpu.memory_space<vmem>>, %arg7: memref<128xi32, #tpu.memory_space<vmem>>, %arg8: memref<128x128xf32, #tpu.memory_space<vmem>>, %arg9: memref<10112x128xf32, #tpu.memory_space<vmem_shared>>, %arg10: memref<!tpu.dma_semaphore, #tpu.memory_space<semaphore_mem>>) attributes {dimension_semantics = [#tpu.dimension_semantics<core_parallel>, #tpu.dimension_semantics<subcore_parallel>], iteration_bounds = array<i64: 2, 16>, scalar_prefetch = 0 : i64, scratch_operands = 5 : i64, tpu.core_type = #tpu.core_type<sc_vector_subcore>, window_params = [{transform_indices = #map}, {transform_indices = #map1}, {transform_indices = #map1}, {transform_indices = #map}]} {
    %mul3A = arith.constant 2 : i32
    %mul3A_0 = arith.muli %arg1, %mul3A : i32
    %add3A = arith.addi %mul3A_0, %arg0 : i32
    %mul3A_1 = arith.constant 632 : i32
    %mul3A_2 = arith.muli %arg1, %mul3A_1 : i32
    %broadcast_in_dim3A = arith.constant 0.000000e+00 : f32
    %broadcast_in_dim3A_3 = vector.broadcast %broadcast_in_dim3A : f32 to vector<16xf32>
    %scan3A = arith.constant 0 : i32
    %scan3A_4 = arith.constant 0 : i32
    %scan3A_5 = arith.constant 128 : i32
    %scan3A_6 = arith.addi %scan3A_4, %scan3A_5 : i32
    %scan3A_7 = arith.constant 1 : i32
    scf.for %scan3A_29 = %scan3A_4 to %scan3A_6 step %scan3A_7  : i32 {
      %swap3A = arith.index_cast %scan3A_29 : i32 to index
      %swap3A_30 = arith.constant 0 : index
      %swap3A_31 = tpu.vector_load %arg8[%swap3A, %swap3A_30] {strides = array<i32>} : memref<128x128xf32, #tpu.memory_space<vmem>>, vector<1x16xf32>,
      %swap3A_32 = vector.shape_cast %swap3A_31 : vector<1x16xf32> to vector<16xf32>
      %swap3A_33 = vector.shape_cast %broadcast_in_dim3A_3 : vector<16xf32> to vector<1x16xf32>
      tpu.vector_store %arg8[%swap3A, %swap3A_30], %swap3A_33 {strides = array<i32>} : memref<128x128xf32, #tpu.memory_space<vmem>>, vector<1x16xf32>,
      %swap3A_34 = arith.index_cast %scan3A_29 : i32 to index
      %swap3A_35 = arith.constant 16 : index
      %swap3A_36 = tpu.vector_load %arg8[%swap3A_34, %swap3A_35] {strides = array<i32>} : memref<128x128xf32, #tpu.memory_space<vmem>>, vector<1x16xf32>,
      %swap3A_37 = vector.shape_cast %swap3A_36 : vector<1x16xf32> to vector<16xf32>
      %swap3A_38 = vector.shape_cast %broadcast_in_dim3A_3 : vector<16xf32> to vector<1x16xf32>
      tpu.vector_store %arg8[%swap3A_34, %swap3A_35], %swap3A_38 {strides = array<i32>} : memref<128x128xf32, #tpu.memory_space<vmem>>, vector<1x16xf32>,
      %swap3A_39 = arith.index_cast %scan3A_29 : i32 to index
      %swap3A_40 = arith.constant 32 : index
      %swap3A_41 = tpu.vector_load %arg8[%swap3A_39, %swap3A_40] {strides = array<i32>} : memref<128x128xf32, #tpu.memory_space<vmem>>, vector<1x16xf32>,
      %swap3A_42 = vector.shape_cast %swap3A_41 : vector<1x16xf32> to vector<16xf32>
      %swap3A_43 = vector.shape_cast %broadcast_in_dim3A_3 : vector<16xf32> to vector<1x16xf32>
      tpu.vector_store %arg8[%swap3A_39, %swap3A_40], %swap3A_43 {strides = array<i32>} : memref<128x128xf32, #tpu.memory_space<vmem>>, vector<1x16xf32>,
      %swap3A_44 = arith.index_cast %scan3A_29 : i32 to index
      %swap3A_45 = arith.constant 48 : index
      %swap3A_46 = tpu.vector_load %arg8[%swap3A_44, %swap3A_45] {strides = array<i32>} : memref<128x128xf32, #tpu.memory_space<vmem>>, vector<1x16xf32>,
      %swap3A_47 = vector.shape_cast %swap3A_46 : vector<1x16xf32> to vector<16xf32>
      %swap3A_48 = vector.shape_cast %broadcast_in_dim3A_3 : vector<16xf32> to vector<1x16xf32>
      tpu.vector_store %arg8[%swap3A_44, %swap3A_45], %swap3A_48 {strides = array<i32>} : memref<128x128xf32, #tpu.memory_space<vmem>>, vector<1x16xf32>,
      %swap3A_49 = arith.index_cast %scan3A_29 : i32 to index
      %swap3A_50 = arith.constant 64 : index
      %swap3A_51 = tpu.vector_load %arg8[%swap3A_49, %swap3A_50] {strides = array<i32>} : memref<128x128xf32, #tpu.memory_space<vmem>>, vector<1x16xf32>,
      %swap3A_52 = vector.shape_cast %swap3A_51 : vector<1x16xf32> to vector<16xf32>
      %swap3A_53 = vector.shape_cast %broadcast_in_dim3A_3 : vector<16xf32> to vector<1x16xf32>
      tpu.vector_store %arg8[%swap3A_49, %swap3A_50], %swap3A_53 {strides = array<i32>} : memref<128x128xf32, #tpu.memory_space<vmem>>, vector<1x16xf32>,
      %swap3A_54 = arith.index_cast %scan3A_29 : i32 to index
      %swap3A_55 = arith.constant 80 : index
      %swap3A_56 = tpu.vector_load %arg8[%swap3A_54, %swap3A_55] {strides = array<i32>} : memref<128x128xf32, #tpu.memory_space<vmem>>, vector<1x16xf32>,
      %swap3A_57 = vector.shape_cast %swap3A_56 : vector<1x16xf32> to vector<16xf32>
      %swap3A_58 = vector.shape_cast %broadcast_in_dim3A_3 : vector<16xf32> to vector<1x16xf32>
      tpu.vector_store %arg8[%swap3A_54, %swap3A_55], %swap3A_58 {strides = array<i32>} : memref<128x128xf32, #tpu.memory_space<vmem>>, vector<1x16xf32>,
      %swap3A_59 = arith.index_cast %scan3A_29 : i32 to index
      %swap3A_60 = arith.constant 96 : index
      %swap3A_61 = tpu.vector_load %arg8[%swap3A_59, %swap3A_60] {strides = array<i32>} : memref<128x128xf32, #tpu.memory_space<vmem>>, vector<1x16xf32>,
      %swap3A_62 = vector.shape_cast %swap3A_61 : vector<1x16xf32> to vector<16xf32>
      %swap3A_63 = vector.shape_cast %broadcast_in_dim3A_3 : vector<16xf32> to vector<1x16xf32>
      tpu.vector_store %arg8[%swap3A_59, %swap3A_60], %swap3A_63 {strides = array<i32>} : memref<128x128xf32, #tpu.memory_space<vmem>>, vector<1x16xf32>,
      %swap3A_64 = arith.index_cast %scan3A_29 : i32 to index
      %swap3A_65 = arith.constant 112 : index
      %swap3A_66 = tpu.vector_load %arg8[%swap3A_64, %swap3A_65] {strides = array<i32>} : memref<128x128xf32, #tpu.memory_space<vmem>>, vector<1x16xf32>,
      %swap3A_67 = vector.shape_cast %swap3A_66 : vector<1x16xf32> to vector<16xf32>
      %swap3A_68 = vector.shape_cast %broadcast_in_dim3A_3 : vector<16xf32> to vector<1x16xf32>
      tpu.vector_store %arg8[%swap3A_64, %swap3A_65], %swap3A_68 {strides = array<i32>} : memref<128x128xf32, #tpu.memory_space<vmem>>, vector<1x16xf32>,
    }
    %scan3A_8 = arith.constant 128 : i32
    %scan3A_9 = arith.constant 0 : i32
    %scan3A_10 = arith.constant 0 : i32
    %scan3A_11 = arith.constant 4 : i32
    %scan3A_12 = arith.addi %scan3A_10, %scan3A_11 : i32
    %scan3A_13 = arith.constant 1 : i32
    scf.for %scan3A_29 = %scan3A_10 to %scan3A_12 step %scan3A_13  : i32 {
      %mul3A_30 = arith.constant 128 : i32
      %mul3A_31 = arith.muli %scan3A_29, %mul3A_30 : i32
      %add3A_32 = arith.addi %mul3A_2, %mul3A_31 : i32
      "tpu.region"() ({
        %run_scoped3A = tpu.sem_alloc : memref<!tpu.dma_semaphore, #tpu.memory_space<semaphore_mem>>
        %dma_start3A = arith.constant 0 : i32
        %dma_start3A_33 = tpu.memref_slice %arg9[%add3A_32, %dma_start3A] : memref<10112x128xf32, #tpu.memory_space<vmem_shared>> -> memref<128x128xf32, #tpu.memory_space<vmem_shared>>
        %dma_start3A_34 = arith.constant 0 : i32
        %dma_start3A_35 = tpu.memref_slice %arg9[%add3A_32, %dma_start3A_34] : memref<10112x128xf32, #tpu.memory_space<vmem_shared>> -> memref<128x128xf32, #tpu.memory_space<vmem_shared>>
        tpu.enqueue_dma source(%arg8 : memref<128x128xf32, #tpu.memory_space<vmem>>) target(%dma_start3A_35 : memref<128x128xf32, #tpu.memory_space<vmem_shared>>) target_semaphore(%run_scoped3A : memref<!tpu.dma_semaphore, #tpu.memory_space<semaphore_mem>>)
        %dma_wait3A = arith.constant 0 : i32
        %dma_wait3A_36 = tpu.memref_slice %arg9[%add3A_32, %dma_wait3A] : memref<10112x128xf32, #tpu.memory_space<vmem_shared>> -> memref<128x128xf32, #tpu.memory_space<vmem_shared>>
        %dma_wait3A_37 = arith.constant 0 : i32
        %dma_wait3A_38 = tpu.memref_slice %arg9[%add3A_32, %dma_wait3A_37] : memref<10112x128xf32, #tpu.memory_space<vmem_shared>> -> memref<128x128xf32, #tpu.memory_space<vmem_shared>>
        tpu.wait_dma2 semaphore(%run_scoped3A : memref<!tpu.dma_semaphore, #tpu.memory_space<semaphore_mem>>) src(%arg8 : memref<128x128xf32, #tpu.memory_space<vmem>>) dst(%dma_wait3A_38 : memref<128x128xf32, #tpu.memory_space<vmem_shared>>)
        tpu.yield
      }) : () -> ()
    }
    %scan3A_14 = arith.constant 4 : i32
    %add3A_15 = arith.constant 512 : i32
    %add3A_16 = arith.addi %mul3A_2, %add3A_15 : i32
    "tpu.region"() ({
      %run_scoped3A = tpu.sem_alloc : memref<!tpu.dma_semaphore, #tpu.memory_space<semaphore_mem>>
      %dma_start3A = arith.constant 0 : i32
      %dma_start3A_29 = arith.constant 0 : i32
      %dma_start3A_30 = tpu.memref_slice %arg8[%dma_start3A, %dma_start3A_29] : memref<128x128xf32, #tpu.memory_space<vmem>> -> memref<120x128xf32, #tpu.memory_space<vmem>>
      %dma_start3A_31 = arith.constant 0 : i32
      %dma_start3A_32 = tpu.memref_slice %arg9[%add3A_16, %dma_start3A_31] : memref<10112x128xf32, #tpu.memory_space<vmem_shared>> -> memref<120x128xf32, #tpu.memory_space<vmem_shared>>
      %dma_start3A_33 = arith.constant 0 : i32
      %dma_start3A_34 = tpu.memref_slice %arg9[%add3A_16, %dma_start3A_33] : memref<10112x128xf32, #tpu.memory_space<vmem_shared>> -> memref<120x128xf32, #tpu.memory_space<vmem_shared>>
      %dma_start3A_35 = arith.constant 0 : i32
      %dma_start3A_36 = arith.constant 0 : i32
      %dma_start3A_37 = tpu.memref_slice %arg8[%dma_start3A_35, %dma_start3A_36] : memref<128x128xf32, #tpu.memory_space<vmem>> -> memref<120x128xf32, #tpu.memory_space<vmem>>
      tpu.enqueue_dma source(%dma_start3A_37 : memref<120x128xf32, #tpu.memory_space<vmem>>) target(%dma_start3A_34 : memref<120x128xf32, #tpu.memory_space<vmem_shared>>) target_semaphore(%run_scoped3A : memref<!tpu.dma_semaphore, #tpu.memory_space<semaphore_mem>>)
      %dma_wait3A = arith.constant 0 : i32
      %dma_wait3A_38 = arith.constant 0 : i32
      %dma_wait3A_39 = tpu.memref_slice %arg8[%dma_wait3A, %dma_wait3A_38] : memref<128x128xf32, #tpu.memory_space<vmem>> -> memref<120x128xf32, #tpu.memory_space<vmem>>
      %dma_wait3A_40 = arith.constant 0 : i32
      %dma_wait3A_41 = tpu.memref_slice %arg9[%add3A_16, %dma_wait3A_40] : memref<10112x128xf32, #tpu.memory_space<vmem_shared>> -> memref<120x128xf32, #tpu.memory_space<vmem_shared>>
      %dma_wait3A_42 = arith.constant 0 : i32
      %dma_wait3A_43 = tpu.memref_slice %arg9[%add3A_16, %dma_wait3A_42] : memref<10112x128xf32, #tpu.memory_space<vmem_shared>> -> memref<120x128xf32, #tpu.memory_space<vmem_shared>>
      %dma_wait3A_44 = arith.constant 0 : i32
      %dma_wait3A_45 = arith.constant 0 : i32
      %dma_wait3A_46 = tpu.memref_slice %arg8[%dma_wait3A_44, %dma_wait3A_45] : memref<128x128xf32, #tpu.memory_space<vmem>> -> memref<120x128xf32, #tpu.memory_space<vmem>>
      tpu.wait_dma2 semaphore(%run_scoped3A : memref<!tpu.dma_semaphore, #tpu.memory_space<semaphore_mem>>) src(%dma_wait3A_46 : memref<120x128xf32, #tpu.memory_space<vmem>>) dst(%dma_wait3A_43 : memref<120x128xf32, #tpu.memory_space<vmem_shared>>)
      tpu.yield
    }) : () -> ()
    %barrier3A = arith.constant 0 : index
    tpu.barrier barrier_id(%barrier3A)
    %mul3A_17 = arith.constant 10240 : i32
    %mul3A_18 = arith.muli %add3A, %mul3A_17 : i32
    %scan3A_19 = arith.constant 0 : i32
    %scan3A_20 = arith.constant 0 : i32
    %scan3A_21 = arith.constant 80 : i32
    %scan3A_22 = arith.addi %scan3A_20, %scan3A_21 : i32
    %scan3A_23 = arith.constant 1 : i32
    scf.for %scan3A_29 = %scan3A_20 to %scan3A_22 step %scan3A_23  : i32 {
      %mul3A_30 = arith.constant 128 : i32
      %mul3A_31 = arith.muli %scan3A_29, %mul3A_30 : i32
      %add3A_32 = arith.addi %mul3A_18, %mul3A_31 : i32
      %multiple_of3A = tpu.assume_multiple %add3A_32, 128 : i32
      "tpu.region"() ({
        %run_scoped3A = tpu.sem_alloc : memref<!tpu.dma_semaphore, #tpu.memory_space<semaphore_mem>>
        %dma_start3A_37 = tpu.memref_slice %arg3[%multiple_of3A] : memref<327680xi32, #tpu.memory_space<hbm>> -> memref<128xi32, #tpu.memory_space<hbm>>
        %dma_start3A_38 = tpu.memref_slice %arg3[%multiple_of3A] : memref<327680xi32, #tpu.memory_space<hbm>> -> memref<128xi32, #tpu.memory_space<hbm>>
        tpu.enqueue_dma source(%dma_start3A_38 : memref<128xi32, #tpu.memory_space<hbm>>) target(%arg6 : memref<128xi32, #tpu.memory_space<vmem>>) target_semaphore(%run_scoped3A : memref<!tpu.dma_semaphore, #tpu.memory_space<semaphore_mem>>)
        %dma_wait3A_39 = tpu.memref_slice %arg3[%multiple_of3A] : memref<327680xi32, #tpu.memory_space<hbm>> -> memref<128xi32, #tpu.memory_space<hbm>>
        %dma_wait3A_40 = tpu.memref_slice %arg3[%multiple_of3A] : memref<327680xi32, #tpu.memory_space<hbm>> -> memref<128xi32, #tpu.memory_space<hbm>>
        tpu.wait_dma2 semaphore(%run_scoped3A : memref<!tpu.dma_semaphore, #tpu.memory_space<semaphore_mem>>) src(%dma_wait3A_40 : memref<128xi32, #tpu.memory_space<hbm>>) dst(%arg6 : memref<128xi32, #tpu.memory_space<vmem>>)
        tpu.yield
      }) : () -> ()
      "tpu.region"() ({
        %run_scoped3A = tpu.sem_alloc : memref<!tpu.dma_semaphore, #tpu.memory_space<semaphore_mem>>
        %dma_start3A_37 = tpu.memref_slice %arg4[%multiple_of3A] : memref<327680xi32, #tpu.memory_space<hbm>> -> memref<128xi32, #tpu.memory_space<hbm>>
        %dma_start3A_38 = tpu.memref_slice %arg4[%multiple_of3A] : memref<327680xi32, #tpu.memory_space<hbm>> -> memref<128xi32, #tpu.memory_space<hbm>>
        tpu.enqueue_dma source(%dma_start3A_38 : memref<128xi32, #tpu.memory_space<hbm>>) target(%arg7 : memref<128xi32, #tpu.memory_space<vmem>>) target_semaphore(%run_scoped3A : memref<!tpu.dma_semaphore, #tpu.memory_space<semaphore_mem>>)
        %dma_wait3A_39 = tpu.memref_slice %arg4[%multiple_of3A] : memref<327680xi32, #tpu.memory_space<hbm>> -> memref<128xi32, #tpu.memory_space<hbm>>
        %dma_wait3A_40 = tpu.memref_slice %arg4[%multiple_of3A] : memref<327680xi32, #tpu.memory_space<hbm>> -> memref<128xi32, #tpu.memory_space<hbm>>
        tpu.wait_dma2 semaphore(%run_scoped3A : memref<!tpu.dma_semaphore, #tpu.memory_space<semaphore_mem>>) src(%dma_wait3A_40 : memref<128xi32, #tpu.memory_space<hbm>>) dst(%arg7 : memref<128xi32, #tpu.memory_space<vmem>>)
        tpu.yield
      }) : () -> ()
      %dma_start3A = arith.constant 0 : i32
      %dma_start3A_33 = arith.constant 0 : i32
      %dma_start3A_34 = tpu.memref_slice %arg2[%dma_start3A, %dma_start3A_33] : memref<10112x128xf32, #tpu.memory_space<hbm>> -> memref<10112x128xf32, #tpu.memory_space<hbm>>
      tpu.enqueue_indirect_dma source(%dma_start3A_34 : memref<10112x128xf32, #tpu.memory_space<hbm>>) target(%arg8 : memref<128x128xf32, #tpu.memory_space<vmem>>) offsets(%arg6 : memref<128xi32, #tpu.memory_space<vmem>>) semaphore(%arg10 : memref<!tpu.dma_semaphore, #tpu.memory_space<semaphore_mem>>)
      %dma_wait3A = arith.constant 0 : i32
      %dma_wait3A_35 = arith.constant 0 : i32
      %dma_wait3A_36 = tpu.memref_slice %arg2[%dma_wait3A, %dma_wait3A_35] : memref<10112x128xf32, #tpu.memory_space<hbm>> -> memref<10112x128xf32, #tpu.memory_space<hbm>>
      tpu.wait_indirect_dma semaphore(%arg10 : memref<!tpu.dma_semaphore, #tpu.memory_space<semaphore_mem>>) src(%dma_wait3A_36 : memref<10112x128xf32, #tpu.memory_space<hbm>>) dst(%arg8 : memref<128x128xf32, #tpu.memory_space<vmem>>)
      "tpu.region"() ({
        %run_scoped3A = tpu.sem_alloc : memref<!tpu.dma_semaphore, #tpu.memory_space<semaphore_mem>>
        %dma_start3A_37 = arith.constant 0 : i32
        %dma_start3A_38 = arith.constant 0 : i32
        %dma_start3A_39 = tpu.memref_slice %arg9[%dma_start3A_37, %dma_start3A_38] : memref<10112x128xf32, #tpu.memory_space<vmem_shared>> -> memref<10112x128xf32, #tpu.memory_space<vmem_shared>>
        tpu.enqueue_indirect_dma source(%arg8 : memref<128x128xf32, #tpu.memory_space<vmem>>) target(%dma_start3A_39 : memref<10112x128xf32, #tpu.memory_space<vmem_shared>>) offsets(%arg7 : memref<128xi32, #tpu.memory_space<vmem>>) semaphore(%run_scoped3A : memref<!tpu.dma_semaphore, #tpu.memory_space<semaphore_mem>>) {add = true}
        %dma_wait3A_40 = arith.constant 0 : i32
        %dma_wait3A_41 = arith.constant 0 : i32
        %dma_wait3A_42 = tpu.memref_slice %arg9[%dma_wait3A_40, %dma_wait3A_41] : memref<10112x128xf32, #tpu.memory_space<vmem_shared>> -> memref<10112x128xf32, #tpu.memory_space<vmem_shared>>
        tpu.wait_indirect_dma semaphore(%run_scoped3A : memref<!tpu.dma_semaphore, #tpu.memory_space<semaphore_mem>>) src(%arg8 : memref<128x128xf32, #tpu.memory_space<vmem>>) dst(%dma_wait3A_42 : memref<10112x128xf32, #tpu.memory_space<vmem_shared>>)
        tpu.yield
      }) : () -> ()
    }
    %scan3A_24 = arith.constant 80 : i32
    %barrier3A_25 = arith.constant 0 : index
    tpu.barrier barrier_id(%barrier3A_25)
    %mul3A_26 = arith.constant 10112 : i32
    %mul3A_27 = arith.muli %arg0, %mul3A_26 : i32
    %add3A_28 = arith.addi %mul3A_27, %mul3A_2 : i32
    "tpu.region"() ({
      %run_scoped3A = tpu.sem_alloc : memref<!tpu.dma_semaphore, #tpu.memory_space<semaphore_mem>>
      %dma_start3A = arith.constant 0 : i32
      %dma_start3A_29 = tpu.memref_slice %arg5[%add3A_28, %dma_start3A] : memref<20224x128xf32, #tpu.memory_space<hbm>> -> memref<632x128xf32, #tpu.memory_space<hbm>>
      %dma_start3A_30 = arith.constant 0 : i32
      %dma_start3A_31 = tpu.memref_slice %arg9[%mul3A_2, %dma_start3A_30] : memref<10112x128xf32, #tpu.memory_space<vmem_shared>> -> memref<632x128xf32, #tpu.memory_space<vmem_shared>>
      tpu.enqueue_dma source(%dma_start3A_31 : memref<632x128xf32, #tpu.memory_space<vmem_shared>>) target(%dma_start3A_29 : memref<632x128xf32, #tpu.memory_space<hbm>>) target_semaphore(%run_scoped3A : memref<!tpu.dma_semaphore, #tpu.memory_space<semaphore_mem>>)
      %dma_wait3A = arith.constant 0 : i32
      %dma_wait3A_32 = tpu.memref_slice %arg5[%add3A_28, %dma_wait3A] : memref<20224x128xf32, #tpu.memory_space<hbm>> -> memref<632x128xf32, #tpu.memory_space<hbm>>
      %dma_wait3A_33 = arith.constant 0 : i32
      %dma_wait3A_34 = tpu.memref_slice %arg9[%mul3A_2, %dma_wait3A_33] : memref<10112x128xf32, #tpu.memory_space<vmem_shared>> -> memref<632x128xf32, #tpu.memory_space<vmem_shared>>
      tpu.wait_dma2 semaphore(%run_scoped3A : memref<!tpu.dma_semaphore, #tpu.memory_space<semaphore_mem>>) src(%dma_wait3A_34 : memref<632x128xf32, #tpu.memory_space<vmem_shared>>) dst(%dma_wait3A_32 : memref<632x128xf32, #tpu.memory_space<hbm>>)
      tpu.yield
    }) : () -> ()
    return
  }
}

module attributes {stable_mosaic.version = 14 : i64} {
  func.func @body(%arg0: i32, %arg1: memref<80x128xf32, #tpu.memory_space<vmem>>, %arg2: memref<80x128xf32, #tpu.memory_space<vmem>>) attributes {dimension_semantics = [#tpu.dimension_semantics<arbitrary>], iteration_bounds = array<i64: 32>, scalar_prefetch = 0 : i64, scratch_operands = 0 : i64, tpu.core_type = #tpu.core_type<tc>, window_params = [{transform_indices = @transform_0, window_bounds = array<i64: 80, 128>}, {pipeline_mode = #tpu.pipeline_mode<synchronous>, transform_indices = @transform_1, window_bounds = array<i64: 80, 128>}]} {
    %eq3A = arith.constant 0 : i32
    %eq3A_0 = arith.cmpi eq, %arg0, %eq3A : i32
    %convert_element_type3A = arith.extui %eq3A_0 : i1 to i32
    %cond3A = arith.constant 0 : i32
    %cond3A_1 = arith.cmpi ne, %convert_element_type3A, %cond3A : i32
    scf.if %cond3A_1 {
      %broadcast_in_dim3A = arith.constant 0.000000e+00 : f32
      %broadcast_in_dim3A_9 = vector.broadcast %broadcast_in_dim3A : f32 to vector<80x128xf32>
      %swap3A_10 = arith.constant 0 : index
      %swap3A_11 = arith.constant 0 : index
      %swap3A_12 = vector.load %arg2[%swap3A_10, %swap3A_11] : memref<80x128xf32, #tpu.memory_space<vmem>>, vector<80x128xf32>
      tpu.vector_store %arg2[%swap3A_10, %swap3A_11], %broadcast_in_dim3A_9 {strides = array<i32>} : memref<80x128xf32, #tpu.memory_space<vmem>>, vector<80x128xf32>,
    } else {
    }
    %get3A = arith.constant 0 : index
    %get3A_2 = arith.constant 0 : index
    %get3A_3 = vector.load %arg2[%get3A, %get3A_2] : memref<80x128xf32, #tpu.memory_space<vmem>>, vector<80x128xf32>
    %get3A_4 = arith.constant 0 : index
    %get3A_5 = arith.constant 0 : index
    %get3A_6 = vector.load %arg1[%get3A_4, %get3A_5] : memref<80x128xf32, #tpu.memory_space<vmem>>, vector<80x128xf32>
    %add3A = arith.addf %get3A_3, %get3A_6 : vector<80x128xf32>
    %swap3A = arith.constant 0 : index
    %swap3A_7 = arith.constant 0 : index
    %swap3A_8 = vector.load %arg2[%swap3A, %swap3A_7] : memref<80x128xf32, #tpu.memory_space<vmem>>, vector<80x128xf32>
    tpu.vector_store %arg2[%swap3A, %swap3A_7], %add3A {strides = array<i32>} : memref<80x128xf32, #tpu.memory_space<vmem>>, vector<80x128xf32>,
    return
  }
  func.func @transform_0(%arg0: i32) -> (i32, i32) {
    %c0_i32 = arith.constant 0 : i32
    %c0_i32_0 = arith.constant 0 : i32
    return %arg0, %c0_i32 : i32, i32
  }
  func.func @transform_1(%arg0: i32) -> (i32, i32) {
    %c0_i32 = arith.constant 0 : i32
    %c0_i32_0 = arith.constant 0 : i32
    %c0_i32_1 = arith.constant 0 : i32
    return %c0_i32, %c0_i32_0 : i32, i32
  }
}

module attributes {stable_mosaic.version = 14 : i64} {
  func.func @body(%arg0: i32, %arg1: memref<632x128xf32, #tpu.memory_space<vmem>>, %arg2: memref<632x128xf32, #tpu.memory_space<vmem>>, %arg3: memref<632x1xf32, #tpu.memory_space<vmem>>, %arg4: memref<128x128xf32, #tpu.memory_space<vmem>>, %arg5: memref<1x128xf32, #tpu.memory_space<vmem>>, %arg6: memref<632x128xf32, #tpu.memory_space<vmem>>) attributes {dimension_semantics = [#tpu.dimension_semantics<arbitrary>], iteration_bounds = array<i64: 16>, scalar_prefetch = 0 : i64, scratch_operands = 0 : i64, tpu.core_type = #tpu.core_type<tc>, window_params = [{transform_indices = @transform_0, window_bounds = array<i64: 632, 128>}, {transform_indices = @transform_1, window_bounds = array<i64: 632, 128>}, {transform_indices = @transform_2, window_bounds = array<i64: 632, 1>}, {pipeline_mode = #tpu.pipeline_mode<synchronous>, transform_indices = @transform_3, window_bounds = array<i64: 128, 128>}, {pipeline_mode = #tpu.pipeline_mode<synchronous>, transform_indices = @transform_4, window_bounds = array<i64: 1, 128>}, {transform_indices = @transform_5, window_bounds = array<i64: 632, 128>}]} {
    %get3A = arith.constant 0 : index
    %get3A_0 = arith.constant 0 : index
    %get3A_1 = vector.load %arg1[%get3A, %get3A_0] : memref<632x128xf32, #tpu.memory_space<vmem>>, vector<632x128xf32>
    %get3A_2 = arith.constant 0 : index
    %get3A_3 = arith.constant 0 : index
    %get3A_4 = vector.load %arg2[%get3A_2, %get3A_3] : memref<632x128xf32, #tpu.memory_space<vmem>>, vector<632x128xf32>
    %add3A = arith.addf %get3A_1, %get3A_4 : vector<632x128xf32>
    %get3A_5 = arith.constant 0 : index
    %get3A_6 = arith.constant 0 : index
    %get3A_7 = vector.load %arg3[%get3A_5, %get3A_6] : memref<632x1xf32, #tpu.memory_space<vmem>>, vector<632x1xf32>
    %max3A = arith.constant 1.000000e+00 : f32
    %max3A_8 = vector.broadcast %max3A : f32 to vector<632x1xf32>
    %max3A_9 = arith.maximumf %get3A_7, %max3A_8 : vector<632x1xf32>
    %div3A = arith.constant 1.000000e+00 : f32
    %div3A_10 = vector.broadcast %div3A : f32 to vector<632x1xf32>
    %div3A_11 = arith.divf %div3A_10, %max3A_9 : vector<632x1xf32>
    %mul3A = vector.broadcast %div3A_11 : vector<632x1xf32> to vector<632x128xf32>
    %mul3A_12 = arith.mulf %add3A, %mul3A : vector<632x128xf32>
    %get3A_13 = arith.constant 0 : index
    %get3A_14 = arith.constant 0 : index
    %get3A_15 = vector.load %arg4[%get3A_13, %get3A_14] : memref<128x128xf32, #tpu.memory_space<vmem>>, vector<128x128xf32>
    %dot_general3A = arith.constant dense<0.000000e+00> : vector<632x128xf32>
    %dot_general3A_16 = tpu.matmul %mul3A_12, %get3A_15, %dot_general3A {dimension_numbers = #tpu.dot_dimension_numbers<[1], [0], [0], [1], [0, 0, 1, 1], [], []>, transpose_lhs_hint = false} : vector<632x128xf32>, vector<128x128xf32>, vector<632x128xf32> -> vector<632x128xf32>
    %get3A_17 = arith.constant 0 : index
    %get3A_18 = arith.constant 0 : index
    %get3A_19 = vector.load %arg5[%get3A_17, %get3A_18] : memref<1x128xf32, #tpu.memory_space<vmem>>, vector<1x128xf32>
    %add3A_20 = vector.broadcast %get3A_19 : vector<1x128xf32> to vector<632x128xf32>
    %add3A_21 = arith.addf %dot_general3A_16, %add3A_20 : vector<632x128xf32>
    %max3A_22 = arith.constant 0.000000e+00 : f32
    %max3A_23 = vector.broadcast %max3A_22 : f32 to vector<632x128xf32>
    %max3A_24 = arith.maximumf %add3A_21, %max3A_23 : vector<632x128xf32>
    %swap3A = arith.constant 0 : index
    %swap3A_25 = arith.constant 0 : index
    %swap3A_26 = vector.load %arg6[%swap3A, %swap3A_25] : memref<632x128xf32, #tpu.memory_space<vmem>>, vector<632x128xf32>
    tpu.vector_store %arg6[%swap3A, %swap3A_25], %max3A_24 {strides = array<i32>} : memref<632x128xf32, #tpu.memory_space<vmem>>, vector<632x128xf32>,
    return
  }
  func.func @transform_0(%arg0: i32) -> (i32, i32) {
    %c0_i32 = arith.constant 0 : i32
    %c0_i32_0 = arith.constant 0 : i32
    return %arg0, %c0_i32 : i32, i32
  }
  func.func @transform_1(%arg0: i32) -> (i32, i32) {
    %add3A = arith.constant 16 : i32
    %add3A_0 = arith.addi %arg0, %add3A : i32
    %c0_i32 = arith.constant 0 : i32
    %c0_i32_1 = arith.constant 0 : i32
    return %add3A_0, %c0_i32 : i32, i32
  }
  func.func @transform_2(%arg0: i32) -> (i32, i32) {
    %c0_i32 = arith.constant 0 : i32
    %c0_i32_0 = arith.constant 0 : i32
    return %arg0, %c0_i32 : i32, i32
  }
  func.func @transform_3(%arg0: i32) -> (i32, i32) {
    %c0_i32 = arith.constant 0 : i32
    %c0_i32_0 = arith.constant 0 : i32
    %c0_i32_1 = arith.constant 0 : i32
    return %c0_i32, %c0_i32_0 : i32, i32
  }
  func.func @transform_4(%arg0: i32) -> (i32, i32) {
    %c0_i32 = arith.constant 0 : i32
    %c0_i32_0 = arith.constant 0 : i32
    %c0_i32_1 = arith.constant 0 : i32
    return %c0_i32, %c0_i32_0 : i32, i32
  }
  func.func @transform_5(%arg0: i32) -> (i32, i32) {
    %c0_i32 = arith.constant 0 : i32
    %c0_i32_0 = arith.constant 0 : i32
    return %arg0, %c0_i32 : i32, i32
  }
}

module attributes {stable_mosaic.version = 14 : i64} {
  func.func @body(%arg0: i32, %arg1: memref<632x128xf32, #tpu.memory_space<vmem>>, %arg2: memref<632x128xf32, #tpu.memory_space<vmem>>, %arg3: memref<632x1xf32, #tpu.memory_space<vmem>>, %arg4: memref<128x128xf32, #tpu.memory_space<vmem>>, %arg5: memref<1x128xf32, #tpu.memory_space<vmem>>, %arg6: memref<128x128xf32, #tpu.memory_space<vmem>>, %arg7: memref<128x128xf32, #tpu.memory_space<vmem>>, %arg8: memref<632x128xf32, #tpu.memory_space<vmem>>) attributes {dimension_semantics = [#tpu.dimension_semantics<arbitrary>], iteration_bounds = array<i64: 16>, scalar_prefetch = 0 : i64, scratch_operands = 0 : i64, tpu.core_type = #tpu.core_type<tc>, window_params = [{transform_indices = @transform_0, window_bounds = array<i64: 632, 128>}, {transform_indices = @transform_1, window_bounds = array<i64: 632, 128>}, {transform_indices = @transform_2, window_bounds = array<i64: 632, 1>}, {pipeline_mode = #tpu.pipeline_mode<synchronous>, transform_indices = @transform_3, window_bounds = array<i64: 128, 128>}, {pipeline_mode = #tpu.pipeline_mode<synchronous>, transform_indices = @transform_4, window_bounds = array<i64: 1, 128>}, {pipeline_mode = #tpu.pipeline_mode<synchronous>, transform_indices = @transform_5, window_bounds = array<i64: 128, 128>}, {pipeline_mode = #tpu.pipeline_mode<synchronous>, transform_indices = @transform_6, window_bounds = array<i64: 128, 128>}, {transform_indices = @transform_7, window_bounds = array<i64: 632, 128>}]} {
    %get3A = arith.constant 0 : index
    %get3A_0 = arith.constant 0 : index
    %get3A_1 = vector.load %arg1[%get3A, %get3A_0] : memref<632x128xf32, #tpu.memory_space<vmem>>, vector<632x128xf32>
    %get3A_2 = arith.constant 0 : index
    %get3A_3 = arith.constant 0 : index
    %get3A_4 = vector.load %arg2[%get3A_2, %get3A_3] : memref<632x128xf32, #tpu.memory_space<vmem>>, vector<632x128xf32>
    %add3A = arith.addf %get3A_1, %get3A_4 : vector<632x128xf32>
    %get3A_5 = arith.constant 0 : index
    %get3A_6 = arith.constant 0 : index
    %get3A_7 = vector.load %arg3[%get3A_5, %get3A_6] : memref<632x1xf32, #tpu.memory_space<vmem>>, vector<632x1xf32>
    %max3A = arith.constant 1.000000e+00 : f32
    %max3A_8 = vector.broadcast %max3A : f32 to vector<632x1xf32>
    %max3A_9 = arith.maximumf %get3A_7, %max3A_8 : vector<632x1xf32>
    %div3A = arith.constant 1.000000e+00 : f32
    %div3A_10 = vector.broadcast %div3A : f32 to vector<632x1xf32>
    %div3A_11 = arith.divf %div3A_10, %max3A_9 : vector<632x1xf32>
    %mul3A = vector.broadcast %div3A_11 : vector<632x1xf32> to vector<632x128xf32>
    %mul3A_12 = arith.mulf %add3A, %mul3A : vector<632x128xf32>
    %get3A_13 = arith.constant 0 : index
    %get3A_14 = arith.constant 0 : index
    %get3A_15 = vector.load %arg4[%get3A_13, %get3A_14] : memref<128x128xf32, #tpu.memory_space<vmem>>, vector<128x128xf32>
    %dot_general3A = arith.constant dense<0.000000e+00> : vector<632x128xf32>
    %dot_general3A_16 = tpu.matmul %mul3A_12, %get3A_15, %dot_general3A {dimension_numbers = #tpu.dot_dimension_numbers<[1], [0], [0], [1], [0, 0, 1, 1], [], []>, transpose_lhs_hint = false} : vector<632x128xf32>, vector<128x128xf32>, vector<632x128xf32> -> vector<632x128xf32>
    %get3A_17 = arith.constant 0 : index
    %get3A_18 = arith.constant 0 : index
    %get3A_19 = vector.load %arg5[%get3A_17, %get3A_18] : memref<1x128xf32, #tpu.memory_space<vmem>>, vector<1x128xf32>
    %add3A_20 = vector.broadcast %get3A_19 : vector<1x128xf32> to vector<632x128xf32>
    %add3A_21 = arith.addf %dot_general3A_16, %add3A_20 : vector<632x128xf32>
    %get3A_22 = arith.constant 0 : index
    %get3A_23 = arith.constant 0 : index
    %get3A_24 = vector.load %arg6[%get3A_22, %get3A_23] : memref<128x128xf32, #tpu.memory_space<vmem>>, vector<128x128xf32>
    %dot_general3A_25 = arith.constant dense<0.000000e+00> : vector<632x128xf32>
    %dot_general3A_26 = tpu.matmul %add3A_21, %get3A_24, %dot_general3A_25 {dimension_numbers = #tpu.dot_dimension_numbers<[1], [0], [0], [1], [0, 0, 1, 1], [], []>, transpose_lhs_hint = false} : vector<632x128xf32>, vector<128x128xf32>, vector<632x128xf32> -> vector<632x128xf32>
    %max3A_27 = arith.constant 0.000000e+00 : f32
    %max3A_28 = vector.broadcast %max3A_27 : f32 to vector<632x128xf32>
    %max3A_29 = arith.maximumf %add3A_21, %max3A_28 : vector<632x128xf32>
    %get3A_30 = arith.constant 0 : index
    %get3A_31 = arith.constant 0 : index
    %get3A_32 = vector.load %arg7[%get3A_30, %get3A_31] : memref<128x128xf32, #tpu.memory_space<vmem>>, vector<128x128xf32>
    %dot_general3A_33 = arith.constant dense<0.000000e+00> : vector<632x128xf32>
    %dot_general3A_34 = tpu.matmul %max3A_29, %get3A_32, %dot_general3A_33 {dimension_numbers = #tpu.dot_dimension_numbers<[1], [0], [0], [1], [0, 0, 1, 1], [], []>, transpose_lhs_hint = false} : vector<632x128xf32>, vector<128x128xf32>, vector<632x128xf32> -> vector<632x128xf32>
    %add3A_35 = arith.addf %dot_general3A_26, %dot_general3A_34 : vector<632x128xf32>
    %swap3A = arith.constant 0 : index
    %swap3A_36 = arith.constant 0 : index
    %swap3A_37 = vector.load %arg8[%swap3A, %swap3A_36] : memref<632x128xf32, #tpu.memory_space<vmem>>, vector<632x128xf32>
    tpu.vector_store %arg8[%swap3A, %swap3A_36], %add3A_35 {strides = array<i32>} : memref<632x128xf32, #tpu.memory_space<vmem>>, vector<632x128xf32>,
    return
  }
  func.func @transform_0(%arg0: i32) -> (i32, i32) {
    %c0_i32 = arith.constant 0 : i32
    %c0_i32_0 = arith.constant 0 : i32
    return %arg0, %c0_i32 : i32, i32
  }
  func.func @transform_1(%arg0: i32) -> (i32, i32) {
    %add3A = arith.constant 16 : i32
    %add3A_0 = arith.addi %arg0, %add3A : i32
    %c0_i32 = arith.constant 0 : i32
    %c0_i32_1 = arith.constant 0 : i32
    return %add3A_0, %c0_i32 : i32, i32
  }
  func.func @transform_2(%arg0: i32) -> (i32, i32) {
    %c0_i32 = arith.constant 0 : i32
    %c0_i32_0 = arith.constant 0 : i32
    return %arg0, %c0_i32 : i32, i32
  }
  func.func @transform_3(%arg0: i32) -> (i32, i32) {
    %c0_i32 = arith.constant 0 : i32
    %c0_i32_0 = arith.constant 0 : i32
    %c0_i32_1 = arith.constant 0 : i32
    return %c0_i32, %c0_i32_0 : i32, i32
  }
  func.func @transform_4(%arg0: i32) -> (i32, i32) {
    %c0_i32 = arith.constant 0 : i32
    %c0_i32_0 = arith.constant 0 : i32
    %c0_i32_1 = arith.constant 0 : i32
    return %c0_i32, %c0_i32_0 : i32, i32
  }
  func.func @transform_5(%arg0: i32) -> (i32, i32) {
    %c0_i32 = arith.constant 0 : i32
    %c0_i32_0 = arith.constant 0 : i32
    %c0_i32_1 = arith.constant 0 : i32
    return %c0_i32, %c0_i32_0 : i32, i32
  }
  func.func @transform_6(%arg0: i32) -> (i32, i32) {
    %c0_i32 = arith.constant 0 : i32
    %c0_i32_0 = arith.constant 0 : i32
    %c0_i32_1 = arith.constant 0 : i32
    return %c0_i32, %c0_i32_0 : i32, i32
  }
  func.func @transform_7(%arg0: i32) -> (i32, i32) {
    %c0_i32 = arith.constant 0 : i32
    %c0_i32_0 = arith.constant 0 : i32
    return %arg0, %c0_i32 : i32, i32
  }
}

module attributes {stable_mosaic.version = 14 : i64} {
  func.func @body(%arg0: i32, %arg1: memref<632x128xf32, #tpu.memory_space<vmem>>, %arg2: memref<632x128xf32, #tpu.memory_space<vmem>>, %arg3: memref<632x1xf32, #tpu.memory_space<vmem>>, %arg4: memref<1x128xf32, #tpu.memory_space<vmem>>, %arg5: memref<632x128xf32, #tpu.memory_space<vmem>>) attributes {dimension_semantics = [#tpu.dimension_semantics<arbitrary>], iteration_bounds = array<i64: 16>, scalar_prefetch = 0 : i64, scratch_operands = 0 : i64, tpu.core_type = #tpu.core_type<tc>, window_params = [{transform_indices = @transform_0, window_bounds = array<i64: 632, 128>}, {transform_indices = @transform_1, window_bounds = array<i64: 632, 128>}, {transform_indices = @transform_2, window_bounds = array<i64: 632, 1>}, {pipeline_mode = #tpu.pipeline_mode<synchronous>, transform_indices = @transform_3, window_bounds = array<i64: 1, 128>}, {transform_indices = @transform_4, window_bounds = array<i64: 632, 128>}]} {
    %get3A = arith.constant 0 : index
    %get3A_0 = arith.constant 0 : index
    %get3A_1 = vector.load %arg1[%get3A, %get3A_0] : memref<632x128xf32, #tpu.memory_space<vmem>>, vector<632x128xf32>
    %get3A_2 = arith.constant 0 : index
    %get3A_3 = arith.constant 0 : index
    %get3A_4 = vector.load %arg2[%get3A_2, %get3A_3] : memref<632x128xf32, #tpu.memory_space<vmem>>, vector<632x128xf32>
    %add3A = arith.addf %get3A_1, %get3A_4 : vector<632x128xf32>
    %get3A_5 = arith.constant 0 : index
    %get3A_6 = arith.constant 0 : index
    %get3A_7 = vector.load %arg3[%get3A_5, %get3A_6] : memref<632x1xf32, #tpu.memory_space<vmem>>, vector<632x1xf32>
    %max3A = arith.constant 1.000000e+00 : f32
    %max3A_8 = vector.broadcast %max3A : f32 to vector<632x1xf32>
    %max3A_9 = arith.maximumf %get3A_7, %max3A_8 : vector<632x1xf32>
    %div3A = arith.constant 1.000000e+00 : f32
    %div3A_10 = vector.broadcast %div3A : f32 to vector<632x1xf32>
    %div3A_11 = arith.divf %div3A_10, %max3A_9 : vector<632x1xf32>
    %mul3A = vector.broadcast %div3A_11 : vector<632x1xf32> to vector<632x128xf32>
    %mul3A_12 = arith.mulf %add3A, %mul3A : vector<632x128xf32>
    %get3A_13 = arith.constant 0 : index
    %get3A_14 = arith.constant 0 : index
    %get3A_15 = vector.load %arg4[%get3A_13, %get3A_14] : memref<1x128xf32, #tpu.memory_space<vmem>>, vector<1x128xf32>
    %add3A_16 = vector.broadcast %get3A_15 : vector<1x128xf32> to vector<632x128xf32>
    %add3A_17 = arith.addf %mul3A_12, %add3A_16 : vector<632x128xf32>
    %swap3A = arith.constant 0 : index
    %swap3A_18 = arith.constant 0 : index
    %swap3A_19 = vector.load %arg5[%swap3A, %swap3A_18] : memref<632x128xf32, #tpu.memory_space<vmem>>, vector<632x128xf32>
    tpu.vector_store %arg5[%swap3A, %swap3A_18], %add3A_17 {strides = array<i32>} : memref<632x128xf32, #tpu.memory_space<vmem>>, vector<632x128xf32>,
    return
  }
  func.func @transform_0(%arg0: i32) -> (i32, i32) {
    %c0_i32 = arith.constant 0 : i32
    %c0_i32_0 = arith.constant 0 : i32
    return %arg0, %c0_i32 : i32, i32
  }
  func.func @transform_1(%arg0: i32) -> (i32, i32) {
    %add3A = arith.constant 16 : i32
    %add3A_0 = arith.addi %arg0, %add3A : i32
    %c0_i32 = arith.constant 0 : i32
    %c0_i32_1 = arith.constant 0 : i32
    return %add3A_0, %c0_i32 : i32, i32
  }
  func.func @transform_2(%arg0: i32) -> (i32, i32) {
    %c0_i32 = arith.constant 0 : i32
    %c0_i32_0 = arith.constant 0 : i32
    return %arg0, %c0_i32 : i32, i32
  }
  func.func @transform_3(%arg0: i32) -> (i32, i32) {
    %c0_i32 = arith.constant 0 : i32
    %c0_i32_0 = arith.constant 0 : i32
    %c0_i32_1 = arith.constant 0 : i32
    return %c0_i32, %c0_i32_0 : i32, i32
  }
  func.func @transform_4(%arg0: i32) -> (i32, i32) {
    %c0_i32 = arith.constant 0 : i32
    %c0_i32_0 = arith.constant 0 : i32
    return %arg0, %c0_i32 : i32, i32
  }
}

</mosaic_0001>

<sc_bundles>
// kernel: kernel.10.cloned.1.call-start
scs
__scs_entry_jumppad:
0x0: {  	(pc) =	sbr.rel $0x88, $3  }
0x1: {  	(tag) =	ssettag $0x0;
	lr =	simm.s32 $0x1  }
0x2: {  	[smem:$0x3F99] =	sst lr;
	_ =	strace $0xD0000000  }
0x3: {  	_ = 	snop  }
0x4: {  	_ = 	snop  }
0x5: {  	_ = 	snop  }
0x6: {  	_ = 	snop  }
0x7: {  	_ = 	snop  }
__scs_overlays_trampoline_lowered:
0x8: {  	[smem:$0x3FA8] =	sst s0  }
0x9: {  	[smem:$0x3FA9] =	sst s1  }
0xa: {  	[smem:$0x3FAA] =	sst s2  }
0xb: {  	[smem:$0x3FAB] =	sst s3  }
0xc: {  	[smem:$0x3FAC] =	sst s4  }
0xd: {  	[smem:$0x3FAD] =	sst s5  }
0xe: {  	[smem:$0x3FAE] =	sst s6  }
0xf: {  	[smem:$0x3FAF] =	sst s7  }
0x10: {  	[smem:$0x3FB0] =	sst s8  }
0x11: {  	[smem:$0x3FB1] =	sst s9;
	s0 =	simm.s32 @!p0 $0x0  }
0x12: {  	s1 =	sld [smem:$0x3F97];
	s0 =	simm.s32 @p0 $0x1  }
0x13: {  	[smem:$0x3FB2] =	sst s0;
	s0 =	simm.s32 @!p1 $0x0  }
0x14: {  	s2 =	sld [smem:$0x3F96];
	s0 =	simm.s32 @p1 $0x1  }
0x15: {  	[smem:$0x3FB3] =	sst s0;
	s0 =	simm.s32 @!p2 $0x0  }
0x16: {  	s3 =	sld [smem:$0x3FDB];
	s0 =	simm.s32 @p2 $0x1  }
0x17: {  	s4 =	simm.s32 $0x1BF5;
	[smem:$0x3FB5] =	sst s0  }
0x18: {  	s0 =	sld [smem:$0x3F98];
	_ =	swait.ge [sflag:s4], $0x0  }
0x19: {  	s7 =	sld [smem:$0x3F99]  }
0x1a: {  	s8 =	sadd.s32 $0xFFFFE003, lr  }
0x1b: {  	s9 =	sadd.s32 $0xFFFFFEF7, lr;
	s5 =	simm.s32 $0xFFFFFFFF;
	p2 =	slt.u32 s8, $0xFFFFF086  }
0x1c: {  	p1 =	slt.u32 s9, $0xF7A;
	s5 =	simm.s32 @!p2 $0x0  }
0x1d: {  	s5 =	simm.s32 @p1 $0x1;
	p0 =	seq.s32 s7, s2  }
0x1e: {  	s7 =	smul.u32 @!p0 $0xF7A, s2;
	p2 =	seq.s32 @!p0 s5, $0x0  }
0x1f: {  	s9 =	smul.u32 $0xF7A, s1;
	s8 =	simm.s32 @!p0 $0x1BF5;
	p2 =	por !p2, p0  }
0x20: {  	[sflag:s8] =	ssyncset.s32 @!p0 $0xFFFFF086;
	s6 =	sadd.s32 @!p0 s3, s7;
	s7 =	simm.s32 @!p0 $0x108  }
0x21: {  	s3 =	sadd.s32 s3, s9;
	s6 =	sadd.s32 @!p0 $0x88, s6;
	s7 =	simm.s32 @p2 $0x1082  }
0x22: {  	[simem:s7], [sflag:s8] =	dma.local @!p0 [hbm:s6], $0xF7A  }
0x23: {  	s9 =	sor.u32 $0xD0000000, s2;
	s6 =	simm.s32 $0x108;
	_ =	swait.ge @!p0 [sflag:s8], $0x0  }
0x24: {  	s3 =	sadd.s32 $0x88, s3;
	s6 =	simm.s32 @!p1 $0x1082;
	[sflag:s4] =	ssyncset.s32 $0xFFFFF086  }
0x25: {  	[simem:s6], [sflag:s4] =	dma.local [hbm:s3], $0xF7A  }
0x26: {  	[smem:$0x3F99] =	sst s1;
	(tag) =	ssettag s2;
	_ =	strace s9  }
0x27: {  	s1 =	sld [smem:$0x3FA9]  }
0x28: {  	s2 =	sld [smem:$0x3FAA]  }
0x29: {  	s4 =	sld [smem:$0x3FAC]  }
0x2a: {  	p0 =	seq.s32 s5, $0x0;
	s5 =	sld [smem:$0x3FAD]  }
0x2b: {  	s6 =	sld [smem:$0x3FAE]  }
0x2c: {  	s7 =	sld [smem:$0x3FAF]  }
0x2d: {  	s3 =	simm.s32 $0x108;
	s8 =	sld [smem:$0x3FB0]  }
0x2e: {  	s3 =	simm.s32 @!p0 $0x1082;
	s9 =	sld [smem:$0x3FB1]  }
0x2f: {  	lr =	sadd.s32 s0, s3;
	s0 =	sld [smem:$0x3FA8]  }
0x30: {  	s3 =	sld [smem:$0x3FAB]  }
0x31: {  	[smem:$0x3FB4] =	sst s10  }
0x32: {  	s10 =	sld [smem:$0x3FB2];
	_ =	sdelay $0x3  }
0x33: {  	p0 =	seq.s32 s10, $0x1;
	s10 =	sld [smem:$0x3FB4];
	_ =	sdelay $0x3  }
0x34: {  	[smem:$0x3FB4] =	sst s10  }
0x35: {  	s10 =	sld [smem:$0x3FB3];
	_ =	sdelay $0x3  }
0x36: {  	p1 =	seq.s32 s10, $0x1;
	s10 =	sld [smem:$0x3FB4];
	_ =	sdelay $0x3  }
0x37: {  	[smem:$0x3FB4] =	sst s10  }
0x38: {  	s10 =	sld [smem:$0x3FB5]  }
0x39: {  	_ = 	snop;
	(pc) =	sbr.ind lr, $3  }
0x3a: {  	_ = 	snop  }
0x3b: {  	_ = 	snop  }
0x3c: {  	p2 =	seq.s32 s10, $0x1;
	s10 =	sld [smem:$0x3FB4]  }
0x3d: {  	_ =	shalt  }
0x3e: {  	_ =	shalt  }
0x3f: {  	_ =	shalt  }
0x40: {  	_ =	shalt  }
0x41: {  	_ =	shalt  }
0x42: {  	_ =	shalt  }
0x43: {  	_ =	shalt  }
0x44: {  	_ =	shalt  }
0x45: {  	_ =	shalt  }
0x46: {  	_ =	shalt  }
0x47: {  	_ =	shalt  }
0x48: {  	_ =	shalt  }
0x49: {  	_ =	shalt  }
0x4a: {  	_ =	shalt  }
0x4b: {  	_ =	shalt  }
0x4c: {  	_ =	shalt  }
0x4d: {  	_ =	shalt  }
0x4e: {  	_ =	shalt  }
0x4f: {  	_ =	shalt  }
0x50: {  	_ =	shalt  }
0x51: {  	_ =	shalt  }
0x52: {  	_ =	shalt  }
0x53: {  	_ =	shalt  }
0x54: {  	_ =	shalt  }
0x55: {  	_ =	shalt  }
0x56: {  	_ =	shalt  }
0x57: {  	_ =	shalt  }
0x58: {  	_ =	shalt  }
0x59: {  	_ =	shalt  }
0x5a: {  	_ =	shalt  }
0x5b: {  	_ =	shalt  }
0x5c: {  	_ =	shalt  }
0x5d: {  	_ =	shalt  }
0x5e: {  	_ =	shalt  }
0x5f: {  	_ =	shalt  }
0x60: {  	_ =	shalt  }
0x61: {  	_ =	shalt  }
0x62: {  	_ =	shalt  }
0x63: {  	_ =	shalt  }
0x64: {  	_ =	shalt  }
0x65: {  	_ =	shalt  }
0x66: {  	_ =	shalt  }
0x67: {  	_ =	shalt  }
0x68: {  	_ =	shalt  }
0x69: {  	_ =	shalt  }
0x6a: {  	_ =	shalt  }
0x6b: {  	_ =	shalt  }
0x6c: {  	_ =	shalt  }
0x6d: {  	_ =	shalt  }
0x6e: {  	_ =	shalt  }
0x6f: {  	_ =	shalt  }
0x70: {  	_ =	shalt  }
0x71: {  	_ =	shalt  }
0x72: {  	_ =	shalt  }
0x73: {  	_ =	shalt  }
0x74: {  	_ =	shalt  }
0x75: {  	_ =	shalt  }
0x76: {  	_ =	shalt  }
0x77: {  	_ =	shalt  }
0x78: {  	_ =	shalt  }
0x79: {  	_ =	shalt  }
0x7a: {  	_ =	shalt  }
0x7b: {  	_ =	shalt  }
0x7c: {  	_ =	shalt  }
0x7d: {  	_ =	shalt  }
0x7e: {  	_ =	shalt  }
0x7f: {  	_ =	shalt  }
0x80: {  	_ =	shalt  }
0x81: {  	_ =	shalt  }
0x82: {  	_ =	shalt  }
0x83: {  	_ =	shalt  }
0x84: {  	_ =	shalt  }
0x85: {  	_ =	shalt  }
0x86: {  	_ =	shalt  }
0x87: {  	_ =	shalt  }
.Lfunc_end0:
.L_simem_size_0:
called_computation_lowered:
.L_overlay_start_0:
0x88: {  	s2 =	sld [smem:$0x3FD9]  }
0x89: {  	s3 =	sld [smem:$0x3FFE];
	_ =	sdelay $0x1  }
0x8a: {  	s1 =	srdreg.scid  }
0x8b: {  	s0 =	sand.u32 $0x1, s1  }
0x8c: {  	s16 =	sshll.u32 s0, $0xA;
	s2 =	sadd.s32 s3, s2  }
0x8d: {  	s2 =	sadd.s32 s2, s16  }
0x8e: {  	[smem:$0x3FC0] =	sst s2  }
0x8f: {  	_ = 	snop  }
0x90: {  	(tm) =	ssettm $0x1  }
0x91: {  	s17 =	sld [smem:$0x3FFB];
	_ =	sdelay $0x3  }
0x92: {  	_ =	strace s17  }
0x93: {  	s2 =	sld [smem:$0x3FFC];
	_ =	sdelay $0x3  }
0x94: {  	_ =	strace s2  }
0x95: {  	s2 =	sld [smem:$0x3FFD];
	_ =	sdelay $0x3  }
0x96: {  	_ =	strace s2  }
0x97: {  	_ =	strace $0x8FFFFFFF  }
0x98: {  	s18 =	sld [smem:$0x3FDB];
	_ =	sdelay $0x1  }
0x99: {  	s19 =	simm.s32 $_scs_section_size  }
0x9a: {  	s4 =	simm.s32 $_size__tile_overlayer_lowered;
	s5 =	simm.s32 $_tile_overlayer_lowered  }
0x9b: {  	s22 =	simm.s32 $0x1BFF;
	s21 =	sshll.u32 s5, $0x1;
	s2 =	sadd.s32 s19, s18  }
0x9c: {  	s6 =	simm.s32 $0x0;
	s20 =	sshll.u32 s4, $0x1;
	s4 =	sadd.s32 s21, s2  }
0x9d: {  	[timem:s6], [sflag:s22] =	dma.local [hbm:s4], s20  }
0x9e: {  	_ =	swait.ge [sflag:s22], s20  }
0x9f: {  	s3 =	ssub.s32 $0x0, s20;
	[sflag:s22] =	ssyncset.done $0x0  }
0xa0: {  	[sflag:s22] =	ssyncadd.s32 s3;
	_ =	sdelay $0x1  }
0xa1: {  	s23 =	simm.s32 $0x1B8B  }
0xa2: {  	_ =	swait.ge [sflag:s23], $0x1  }
0xa3: {  	[sflag:s23] =	ssyncset.done $0x0  }
0xa4: {  	s25 =	simm.s32 $0x1B8E;
	s24 =	sld [smem:$0x3FFE];
	[sflag:s23] =	ssyncadd.s32 $0xFFFFFFFF  }
0xa5: {  	s26 =	simm.s32 $execute0_lowered;
	[smem:$0x3FD2] =	sst s25  }
0xa6: {  	s4 =	sshll.u32 s26, $0x1;
	_ =	strace $0x80000046;
	[dreg:$0x1] =	wrdreg $0xFFFFFFFF  }
0xa7: {  	s28 =	simm.s32 $_size_execute0_lowered;
	s2 =	sadd.s32 s2, s4;
	[dreg:$0x0] =	wrdreg $0x0  }
0xa8: {  	s4 =	sshll.u32 s28, $0x1;
	[dreg:$0x2] =	wrdreg s2  }
0xa9: {  	[dreg:$0x3] =	wrdreg s4  }
0xaa: {  	[dreg:$0x4] =	wrdreg $0xC0  }
0xab: {  	_ =	task [dreg:s6], $0x5FFFF  }
0xac: {  	[dreg:$0x1] =	wrdreg $0xFFFFFFFF  }
0xad: {  	[dreg:$0x0] =	wrdreg $0x60  }
0xae: {  	[dreg:$0x2] =	wrdreg s24  }
0xaf: {  	[dreg:$0x3] =	wrdreg $0x9  }
0xb0: {  	_ =	task.clear_ibuf [dreg:s6], $0x4FFFF;
	_ =	strace $0x90000046  }
0xb1: {  	s29 =	simm.s32 $0x9;
	_ =	strace $0x80000048  }
0xb2: {  	_ =	swait.ge [sflag:s29], $0x1  }
0xb3: {  	[sflag:s29] =	ssyncadd.s32 $0xFFFFFFFF  }
0xb4: {  	_ =	strace $0x90000048  }
0xb5: {  	_ =	sfence  }
0xb6: {  	s30 =	sld [smem:$0x0];
	_ =	sdelay $0x2  }
0xb7: {  	s31 =	sshll.u32 s1, $0xD;
	s1 =	sshrl.u32 s1, $0x2  }
0xb8: {  	s3 =	sand.u32 $0x4000, s31;
	s1 =	sadd.s32 s1, s30  }
0xb9: {  	s0 =	sor.u32 s3, s0;
	s1 =	sshll.u32 s1, $0x11  }
0xba: {  	s0 =	sor.u32 s1, s0  }
0xbb: {  	s0 =	sadd.s32 $0x8F2B, s0  }
0xbc: {  	[sflag:s0] =	ssyncadd.remote.s32 $0x1  }
0xbd: {  	_ =	sfence.sel $0xFFFF  }
0xbe: {  	[dreg:$0x0] =	wrdreg $0xFFFFFFFF;
	(pc) =	sbr.abs _section_cstart, $3  }
0xbf: {  	[dreg:$0x1] =	wrdreg $0xFFFFFFFF  }
0xc0: {  	_ =	task.clear_ibuf [dreg:s6], $0x2FFFF;
	_ =	strace $0x9FFFFFFF  }
0xc1: {  	(tm) =	ssettm $0x7FFFFFFF  }
tec
execute0_lowered:
.L_overlay_start_1:
0x0: {  	(tag) =	ssettag $0x1  }
0x1: {  	s0 =	stileid.u32  }
0x2: {  	s1 =	srdreg.scid;
	s4 =	rddreg [dreg:$0x0];
	s2 =	simm.s32 $0x0  }
0x3: {  	s3 =	sand.u32 $0x1, s1;
	s30 =	sshll.u32 s0, $0x1;
	s1 =	rddreg [dreg:$0x1]  }
0x4: {  	s5 =	smul.u32 $0xA00, s0;
	[smem:$0x7FF] =	sst s2;
	s6 =	sor.u32 s3, s30  }
0x5: {  	s7 =	ssub.s32 $0x2, s3;
	s3 =	smul.u32 $0x500, s3;
	_ =	strace $0x80000047  }
0x6: {  	s6 =	smul.u32 $0x500, s6;
	s5 =	sadd.s32 s5, s4;
	s8 =	sshrl.u32 s7, $0x1  }
0x7: {  	s31 =	ssub.s32 s7, s8;
	s5 =	sadd.s32 s3, s5;
	s7 =	simm.s32 $0x400  }
0x8: {  	s8 =	simm.s32 $0x0;
	s4 =	sadd.s32 s6, s4;
	s5 =	sadd.s32 $0x2600, s5  }
0x9: {  	v0 =	vimm.f32 $0.0e+00;
	v1 =	vimm.f32 $1.000000000e+00;
	s6 =	simm.s32 $0x1;
	s3 =	sadd.s32 $0x16600, s4;
	s4 =	smax.u32 s31, $0x1  }
.LBB2_1:
0xa: {  	s9 =	simm.s32 $0x0;
	s10 =	simm.s32 $0x200  }
.LBB2_2:
0xb: {  	p0 =	sne.s32 s10, $0x9E00;
	[tilespmem:s9+$0x470] =	vst v0  }
0xc: {  	[tilespmem:s9+$0x400] =	vst v0  }
0xd: {  	[tilespmem:s9+$0x410] =	vst v0  }
.Ltmp0:
0xe: {  	[tilespmem:s9+$0x420] =	vst v0;
	(pc) =	sbr.rel @p0 .LBB2_2-.Ltmp0, $4  }
0xf: {  	[tilespmem:s9+$0x430] =	vst v0  }
0x10: {  	[tilespmem:s9+$0x440] =	vst v0  }
0x11: {  	[tilespmem:s9+$0x450] =	vst v0  }
0x12: {  	[tilespmem:s9+$0x460] =	vst v0;
	s9 =	sshra.s32 s10, $0x2;
	s10 =	sadd.s32 $0x200, s10  }
0x13: {  	[tilespmem:s9+$0x470] =	vst v0  }
0x14: {  	[tilespmem:s9+$0x400] =	vst v0  }
0x15: {  	[tilespmem:s9+$0x410] =	vst v0  }
0x16: {  	[tilespmem:s9+$0x420] =	vst v0  }
0x17: {  	[tilespmem:s9+$0x430] =	vst v0  }
0x18: {  	[tilespmem:s9+$0x440] =	vst v0  }
0x19: {  	[tilespmem:s9+$0x450] =	vst v0  }
0x1a: {  	[tilespmem:s9+$0x460] =	vst v0;
	s9 =	simm.s32 $0x0  }
.LBB2_4:
0x1b: {  	s10 =	sadd.s32 s9, s5  }
0x1c: {  	[tilespmem:s2], [sflag:$0x1] =	stream.linear.gather [hbm4b:s10+s2], $0x400, $0x38;
	[tilespmem:$0x2C00] =	vst v63  }
0x1d: {  	_ =	swait.ge [sflag:s6], $0x400  }
0x1e: {  	[sflag:s6] =	ssyncset.done $0x0  }
0x1f: {  	[sflag:s6] =	ssyncadd.s32 $0xFFFFFC00  }
0x20: {  	v2 =	vld [tilespmem:$0x0];
	_ =	sdelay $0x7  }
0x21: {  	[tilespmem:v2+s7+$0x0] =	vst.idx.add.f32.msk $0xffff, v1  }
0x22: {  	v2 =	vld [tilespmem:$0x10];
	_ =	sdelay $0x7  }
0x23: {  	[tilespmem:v2+s7+$0x0] =	vst.idx.add.f32.msk $0xffff, v1  }
0x24: {  	v2 =	vld [tilespmem:$0x20];
	_ =	sdelay $0x7  }
0x25: {  	[tilespmem:v2+s7+$0x0] =	vst.idx.add.f32.msk $0xffff, v1  }
0x26: {  	v2 =	vld [tilespmem:$0x30];
	_ =	sdelay $0x7  }
0x27: {  	[tilespmem:v2+s7+$0x0] =	vst.idx.add.f32.msk $0xffff, v1  }
0x28: {  	v2 =	vld [tilespmem:$0x40];
	_ =	sdelay $0x7  }
0x29: {  	[tilespmem:v2+s7+$0x0] =	vst.idx.add.f32.msk $0xffff, v1  }
0x2a: {  	v2 =	vld [tilespmem:$0x50];
	_ =	sdelay $0x7  }
0x2b: {  	[tilespmem:v2+s7+$0x0] =	vst.idx.add.f32.msk $0xffff, v1  }
0x2c: {  	v2 =	vld [tilespmem:$0x60];
	_ =	sdelay $0x7  }
0x2d: {  	[tilespmem:v2+s7+$0x0] =	vst.idx.add.f32.msk $0xffff, v1  }
0x2e: {  	v2 =	vld [tilespmem:$0x70];
	_ =	sdelay $0x7  }
0x2f: {  	[tilespmem:v2+s7+$0x0] =	vst.idx.add.f32.msk $0xffff, v1  }
0x30: {  	v2 =	vld [tilespmem:$0x80];
	_ =	sdelay $0x7  }
0x31: {  	[tilespmem:v2+s7+$0x0] =	vst.idx.add.f32.msk $0xffff, v1  }
0x32: {  	v2 =	vld [tilespmem:$0x90];
	_ =	sdelay $0x7  }
0x33: {  	[tilespmem:v2+s7+$0x0] =	vst.idx.add.f32.msk $0xffff, v1  }
0x34: {  	v2 =	vld [tilespmem:$0xA0];
	_ =	sdelay $0x7  }
0x35: {  	[tilespmem:v2+s7+$0x0] =	vst.idx.add.f32.msk $0xffff, v1  }
0x36: {  	v2 =	vld [tilespmem:$0xB0];
	_ =	sdelay $0x7  }
0x37: {  	[tilespmem:v2+s7+$0x0] =	vst.idx.add.f32.msk $0xffff, v1  }
0x38: {  	v2 =	vld [tilespmem:$0xC0];
	_ =	sdelay $0x7  }
0x39: {  	[tilespmem:v2+s7+$0x0] =	vst.idx.add.f32.msk $0xffff, v1  }
0x3a: {  	v2 =	vld [tilespmem:$0xD0];
	_ =	sdelay $0x7  }
0x3b: {  	[tilespmem:v2+s7+$0x0] =	vst.idx.add.f32.msk $0xffff, v1  }
0x3c: {  	v2 =	vld [tilespmem:$0xE0];
	_ =	sdelay $0x7  }
0x3d: {  	[tilespmem:v2+s7+$0x0] =	vst.idx.add.f32.msk $0xffff, v1  }
0x3e: {  	v2 =	vld [tilespmem:$0xF0];
	_ =	sdelay $0x7  }
0x3f: {  	[tilespmem:v2+s7+$0x0] =	vst.idx.add.f32.msk $0xffff, v1  }
0x40: {  	v2 =	vld [tilespmem:$0x100];
	_ =	sdelay $0x7  }
0x41: {  	[tilespmem:v2+s7+$0x0] =	vst.idx.add.f32.msk $0xffff, v1  }
0x42: {  	v2 =	vld [tilespmem:$0x110];
	_ =	sdelay $0x7  }
0x43: {  	[tilespmem:v2+s7+$0x0] =	vst.idx.add.f32.msk $0xffff, v1  }
0x44: {  	v2 =	vld [tilespmem:$0x120];
	_ =	sdelay $0x7  }
0x45: {  	[tilespmem:v2+s7+$0x0] =	vst.idx.add.f32.msk $0xffff, v1  }
0x46: {  	v2 =	vld [tilespmem:$0x130];
	_ =	sdelay $0x7  }
0x47: {  	[tilespmem:v2+s7+$0x0] =	vst.idx.add.f32.msk $0xffff, v1  }
0x48: {  	v2 =	vld [tilespmem:$0x140];
	_ =	sdelay $0x7  }
0x49: {  	[tilespmem:v2+s7+$0x0] =	vst.idx.add.f32.msk $0xffff, v1  }
0x4a: {  	v2 =	vld [tilespmem:$0x150];
	_ =	sdelay $0x7  }
0x4b: {  	[tilespmem:v2+s7+$0x0] =	vst.idx.add.f32.msk $0xffff, v1  }
0x4c: {  	v2 =	vld [tilespmem:$0x160];
	_ =	sdelay $0x7  }
0x4d: {  	[tilespmem:v2+s7+$0x0] =	vst.idx.add.f32.msk $0xffff, v1  }
0x4e: {  	v2 =	vld [tilespmem:$0x170];
	_ =	sdelay $0x7  }
0x4f: {  	[tilespmem:v2+s7+$0x0] =	vst.idx.add.f32.msk $0xffff, v1  }
0x50: {  	v2 =	vld [tilespmem:$0x180];
	_ =	sdelay $0x7  }
0x51: {  	[tilespmem:v2+s7+$0x0] =	vst.idx.add.f32.msk $0xffff, v1  }
0x52: {  	v2 =	vld [tilespmem:$0x190];
	_ =	sdelay $0x7  }
0x53: {  	[tilespmem:v2+s7+$0x0] =	vst.idx.add.f32.msk $0xffff, v1  }
0x54: {  	v2 =	vld [tilespmem:$0x1A0];
	_ =	sdelay $0x7  }
0x55: {  	[tilespmem:v2+s7+$0x0] =	vst.idx.add.f32.msk $0xffff, v1  }
0x56: {  	v2 =	vld [tilespmem:$0x1B0];
	_ =	sdelay $0x7  }
0x57: {  	[tilespmem:v2+s7+$0x0] =	vst.idx.add.f32.msk $0xffff, v1  }
0x58: {  	v2 =	vld [tilespmem:$0x1C0];
	_ =	sdelay $0x7  }
0x59: {  	[tilespmem:v2+s7+$0x0] =	vst.idx.add.f32.msk $0xffff, v1  }
0x5a: {  	v2 =	vld [tilespmem:$0x1D0];
	_ =	sdelay $0x7  }
0x5b: {  	[tilespmem:v2+s7+$0x0] =	vst.idx.add.f32.msk $0xffff, v1  }
0x5c: {  	v2 =	vld [tilespmem:$0x1E0];
	_ =	sdelay $0x7  }
0x5d: {  	[tilespmem:v2+s7+$0x0] =	vst.idx.add.f32.msk $0xffff, v1  }
0x5e: {  	v2 =	vld [tilespmem:$0x1F0];
	_ =	sdelay $0x7  }
0x5f: {  	[tilespmem:v2+s7+$0x0] =	vst.idx.add.f32.msk $0xffff, v1  }
0x60: {  	v2 =	vld [tilespmem:$0x200];
	_ =	sdelay $0x7  }
0x61: {  	[tilespmem:v2+s7+$0x0] =	vst.idx.add.f32.msk $0xffff, v1  }
0x62: {  	v2 =	vld [tilespmem:$0x210];
	_ =	sdelay $0x7  }
0x63: {  	[tilespmem:v2+s7+$0x0] =	vst.idx.add.f32.msk $0xffff, v1  }
0x64: {  	v2 =	vld [tilespmem:$0x220];
	_ =	sdelay $0x7  }
0x65: {  	[tilespmem:v2+s7+$0x0] =	vst.idx.add.f32.msk $0xffff, v1  }
0x66: {  	v2 =	vld [tilespmem:$0x230];
	_ =	sdelay $0x7  }
0x67: {  	[tilespmem:v2+s7+$0x0] =	vst.idx.add.f32.msk $0xffff, v1  }
0x68: {  	v2 =	vld [tilespmem:$0x240];
	_ =	sdelay $0x7  }
0x69: {  	[tilespmem:v2+s7+$0x0] =	vst.idx.add.f32.msk $0xffff, v1  }
0x6a: {  	v2 =	vld [tilespmem:$0x250];
	_ =	sdelay $0x7  }
0x6b: {  	[tilespmem:v2+s7+$0x0] =	vst.idx.add.f32.msk $0xffff, v1  }
0x6c: {  	v2 =	vld [tilespmem:$0x260];
	_ =	sdelay $0x7  }
0x6d: {  	[tilespmem:v2+s7+$0x0] =	vst.idx.add.f32.msk $0xffff, v1  }
0x6e: {  	v2 =	vld [tilespmem:$0x270];
	_ =	sdelay $0x7  }
0x6f: {  	[tilespmem:v2+s7+$0x0] =	vst.idx.add.f32.msk $0xffff, v1  }
0x70: {  	v2 =	vld [tilespmem:$0x280];
	_ =	sdelay $0x7  }
0x71: {  	[tilespmem:v2+s7+$0x0] =	vst.idx.add.f32.msk $0xffff, v1  }
0x72: {  	v2 =	vld [tilespmem:$0x290];
	_ =	sdelay $0x7  }
0x73: {  	[tilespmem:v2+s7+$0x0] =	vst.idx.add.f32.msk $0xffff, v1  }
0x74: {  	v2 =	vld [tilespmem:$0x2A0];
	_ =	sdelay $0x7  }
0x75: {  	[tilespmem:v2+s7+$0x0] =	vst.idx.add.f32.msk $0xffff, v1  }
0x76: {  	v2 =	vld [tilespmem:$0x2B0];
	_ =	sdelay $0x7  }
0x77: {  	[tilespmem:v2+s7+$0x0] =	vst.idx.add.f32.msk $0xffff, v1  }
0x78: {  	v2 =	vld [tilespmem:$0x2C0];
	_ =	sdelay $0x7  }
0x79: {  	[tilespmem:v2+s7+$0x0] =	vst.idx.add.f32.msk $0xffff, v1  }
0x7a: {  	v2 =	vld [tilespmem:$0x2D0];
	_ =	sdelay $0x7  }
0x7b: {  	[tilespmem:v2+s7+$0x0] =	vst.idx.add.f32.msk $0xffff, v1  }
0x7c: {  	v2 =	vld [tilespmem:$0x2E0];
	_ =	sdelay $0x7  }
0x7d: {  	[tilespmem:v2+s7+$0x0] =	vst.idx.add.f32.msk $0xffff, v1  }
0x7e: {  	v2 =	vld [tilespmem:$0x2F0];
	_ =	sdelay $0x7  }
0x7f: {  	[tilespmem:v2+s7+$0x0] =	vst.idx.add.f32.msk $0xffff, v1  }
0x80: {  	v2 =	vld [tilespmem:$0x300];
	_ =	sdelay $0x7  }
0x81: {  	[tilespmem:v2+s7+$0x0] =	vst.idx.add.f32.msk $0xffff, v1  }
0x82: {  	v2 =	vld [tilespmem:$0x310];
	_ =	sdelay $0x7  }
0x83: {  	[tilespmem:v2+s7+$0x0] =	vst.idx.add.f32.msk $0xffff, v1  }
0x84: {  	v2 =	vld [tilespmem:$0x320];
	_ =	sdelay $0x7  }
0x85: {  	[tilespmem:v2+s7+$0x0] =	vst.idx.add.f32.msk $0xffff, v1  }
0x86: {  	v2 =	vld [tilespmem:$0x330];
	_ =	sdelay $0x7  }
0x87: {  	[tilespmem:v2+s7+$0x0] =	vst.idx.add.f32.msk $0xffff, v1  }
0x88: {  	v2 =	vld [tilespmem:$0x340];
	_ =	sdelay $0x7  }
0x89: {  	[tilespmem:v2+s7+$0x0] =	vst.idx.add.f32.msk $0xffff, v1  }
0x8a: {  	v2 =	vld [tilespmem:$0x350];
	_ =	sdelay $0x7  }
0x8b: {  	[tilespmem:v2+s7+$0x0] =	vst.idx.add.f32.msk $0xffff, v1  }
0x8c: {  	v2 =	vld [tilespmem:$0x360];
	_ =	sdelay $0x7  }
0x8d: {  	[tilespmem:v2+s7+$0x0] =	vst.idx.add.f32.msk $0xffff, v1  }
0x8e: {  	v2 =	vld [tilespmem:$0x370];
	_ =	sdelay $0x7  }
0x8f: {  	[tilespmem:v2+s7+$0x0] =	vst.idx.add.f32.msk $0xffff, v1  }
0x90: {  	v2 =	vld [tilespmem:$0x380];
	_ =	sdelay $0x7  }
0x91: {  	[tilespmem:v2+s7+$0x0] =	vst.idx.add.f32.msk $0xffff, v1  }
0x92: {  	v2 =	vld [tilespmem:$0x390];
	_ =	sdelay $0x7  }
0x93: {  	[tilespmem:v2+s7+$0x0] =	vst.idx.add.f32.msk $0xffff, v1  }
0x94: {  	v2 =	vld [tilespmem:$0x3A0];
	_ =	sdelay $0x7  }
0x95: {  	[tilespmem:v2+s7+$0x0] =	vst.idx.add.f32.msk $0xffff, v1  }
0x96: {  	v2 =	vld [tilespmem:$0x3B0];
	_ =	sdelay $0x7  }
0x97: {  	[tilespmem:v2+s7+$0x0] =	vst.idx.add.f32.msk $0xffff, v1  }
0x98: {  	v2 =	vld [tilespmem:$0x3C0];
	_ =	sdelay $0x7  }
0x99: {  	[tilespmem:v2+s7+$0x0] =	vst.idx.add.f32.msk $0xffff, v1  }
0x9a: {  	v2 =	vld [tilespmem:$0x3D0];
	_ =	sdelay $0x7  }
0x9b: {  	[tilespmem:v2+s7+$0x0] =	vst.idx.add.f32.msk $0xffff, v1  }
0x9c: {  	v2 =	vld [tilespmem:$0x3E0];
	_ =	sdelay $0x7  }
0x9d: {  	[tilespmem:v2+s7+$0x0] =	vst.idx.add.f32.msk $0xffff, v1  }
0x9e: {  	v2 =	vld [tilespmem:$0x3F0];
	_ =	sdelay $0x2  }
0x9f: {  	p0 =	sne.s32 s9, $0x480  }
.Ltmp1:
0xa0: {  	_ = 	snop;
	(pc) =	sbr.rel @p0 .LBB2_4-.Ltmp1, $2  }
0xa1: {  	_ =	sdelay $0x2  }
0xa2: {  	s9 =	sadd.s32 $0x80, s9;
	[tilespmem:v2+s7+$0x0] =	vst.idx.add.f32.msk $0xffff, v1  }
0xa3: {  	s8 =	sadd.s32 $0x1, s8  }
0xa4: {  	p0 =	sne.s32 s8, s4  }
.Ltmp2:
0xa5: {  	_ = 	snop;
	(pc) =	sbr.rel @p0 .LBB2_1-.Ltmp2, $4  }
0xa6: {  	[hbm4b:s3+s2] =	stream.linear.scatter [tilespmem:s7], [sflag:$0x1], $0x2800, $0x38;
	[tilespmem:$0x2C00] =	vst v63  }
0xa7: {  	_ =	swait.ge [sflag:s6], $0x2800  }
0xa8: {  	[sflag:s6] =	ssyncset.done $0x0  }
0xa9: {  	[sflag:s6] =	ssyncadd.s32 $0xFFFFD800  }
0xaa: {  	_ =	sfence.sel $0x180000  }
0xab: {  	[bflag:$0x0] =	sbarrier.arrive $0xFFFF  }
0xac: {  	p0 =	sne.s32 s0, $0x0;
	_ =	strace $0x90000047  }
0xad: {  	s0 =	sadd.s32 @!p0 $0x100000, s1;
	[bflag:$0x2] =	sbarrier.arrive $0xFFFF  }
0xae: {  	[sflag:s0] =	ssyncadd.tile.s32 @!p0 $0x1;
	_ =	shalt  }
.Lfunc_end2:
_tile_overlayer_lowered:
.L_overlay_start_2:
0xaf: {  	(tag) =	ssettag $0x2  }
0xb0: {  	s0 =	rddreg [dreg:$0x0];
	s2 =	stileid.u32  }
0xb1: {  	s1 =	rddreg [dreg:$0x1];
	p0 =	sne.s32 s2, $0x0  }
0xb2: {  	s3 =	rddreg [dreg:$0x2];
	[bflag:$0x3] =	sbarrier.arrive $0xFFFF;
	s2 =	simm.s32 @!p0 $0x1C01  }
0xb3: {  	[timem:s3], [sflag:s2] =	dma.local @!p0 [hbm:s0], s1  }
0xb4: {  	s0 =	simm.s32 @!p0 $0x1  }
0xb5: {  	_ =	swait.ge @!p0 [sflag:s0], s1  }
0xb6: {  	s1 =	ssub.s32 @!p0 $0x0, s1;
	[sflag:s0] =	ssyncset.done @!p0 $0x0  }
0xb7: {  	[sflag:s0] =	ssyncadd.s32 @!p0 s1  }
0xb8: {  	[bflag:$0x3] =	sbarrier.arrive $0xFFFF  }
0xb9: {  	_ =	shalt  }

// kernel: kernel.13.cloned.1.call-start
scs
__scs_entry_jumppad:
0x0: {  	(pc) =	sbr.rel $0x88, $3  }
0x1: {  	(tag) =	ssettag $0x0;
	lr =	simm.s32 $0x1  }
0x2: {  	[smem:$0x3F99] =	sst lr;
	_ =	strace $0xD0000000  }
0x3: {  	_ = 	snop  }
0x4: {  	_ = 	snop  }
0x5: {  	_ = 	snop  }
0x6: {  	_ = 	snop  }
0x7: {  	_ = 	snop  }
__scs_overlays_trampoline_lowered:
0x8: {  	[smem:$0x3FA8] =	sst s0  }
0x9: {  	[smem:$0x3FA9] =	sst s1  }
0xa: {  	[smem:$0x3FAA] =	sst s2  }
0xb: {  	[smem:$0x3FAB] =	sst s3  }
0xc: {  	[smem:$0x3FAC] =	sst s4  }
0xd: {  	[smem:$0x3FAD] =	sst s5  }
0xe: {  	[smem:$0x3FAE] =	sst s6  }
0xf: {  	[smem:$0x3FAF] =	sst s7  }
0x10: {  	[smem:$0x3FB0] =	sst s8  }
0x11: {  	[smem:$0x3FB1] =	sst s9;
	s0 =	simm.s32 @!p0 $0x0  }
0x12: {  	s1 =	sld [smem:$0x3F97];
	s0 =	simm.s32 @p0 $0x1  }
0x13: {  	[smem:$0x3FB2] =	sst s0;
	s0 =	simm.s32 @!p1 $0x0  }
0x14: {  	s2 =	sld [smem:$0x3F96];
	s0 =	simm.s32 @p1 $0x1  }
0x15: {  	[smem:$0x3FB3] =	sst s0;
	s0 =	simm.s32 @!p2 $0x0  }
0x16: {  	s3 =	sld [smem:$0x3FDB];
	s0 =	simm.s32 @p2 $0x1  }
0x17: {  	s4 =	simm.s32 $0x1BF5;
	[smem:$0x3FB5] =	sst s0  }
0x18: {  	s0 =	sld [smem:$0x3F98];
	_ =	swait.ge [sflag:s4], $0x0  }
0x19: {  	s7 =	sld [smem:$0x3F99]  }
0x1a: {  	s8 =	sadd.s32 $0xFFFFE003, lr  }
0x1b: {  	s9 =	sadd.s32 $0xFFFFFEF7, lr;
	s5 =	simm.s32 $0xFFFFFFFF;
	p2 =	slt.u32 s8, $0xFFFFF086  }
0x1c: {  	p1 =	slt.u32 s9, $0xF7A;
	s5 =	simm.s32 @!p2 $0x0  }
0x1d: {  	s5 =	simm.s32 @p1 $0x1;
	p0 =	seq.s32 s7, s2  }
0x1e: {  	s7 =	smul.u32 @!p0 $0xF7A, s2;
	p2 =	seq.s32 @!p0 s5, $0x0  }
0x1f: {  	s9 =	smul.u32 $0xF7A, s1;
	s8 =	simm.s32 @!p0 $0x1BF5;
	p2 =	por !p2, p0  }
0x20: {  	[sflag:s8] =	ssyncset.s32 @!p0 $0xFFFFF086;
	s6 =	sadd.s32 @!p0 s3, s7;
	s7 =	simm.s32 @!p0 $0x108  }
0x21: {  	s3 =	sadd.s32 s3, s9;
	s6 =	sadd.s32 @!p0 $0x88, s6;
	s7 =	simm.s32 @p2 $0x1082  }
0x22: {  	[simem:s7], [sflag:s8] =	dma.local @!p0 [hbm:s6], $0xF7A  }
0x23: {  	s9 =	sor.u32 $0xD0000000, s2;
	s6 =	simm.s32 $0x108;
	_ =	swait.ge @!p0 [sflag:s8], $0x0  }
0x24: {  	s3 =	sadd.s32 $0x88, s3;
	s6 =	simm.s32 @!p1 $0x1082;
	[sflag:s4] =	ssyncset.s32 $0xFFFFF086  }
0x25: {  	[simem:s6], [sflag:s4] =	dma.local [hbm:s3], $0xF7A  }
0x26: {  	[smem:$0x3F99] =	sst s1;
	(tag) =	ssettag s2;
	_ =	strace s9  }
0x27: {  	s1 =	sld [smem:$0x3FA9]  }
0x28: {  	s2 =	sld [smem:$0x3FAA]  }
0x29: {  	s4 =	sld [smem:$0x3FAC]  }
0x2a: {  	p0 =	seq.s32 s5, $0x0;
	s5 =	sld [smem:$0x3FAD]  }
0x2b: {  	s6 =	sld [smem:$0x3FAE]  }
0x2c: {  	s7 =	sld [smem:$0x3FAF]  }
0x2d: {  	s3 =	simm.s32 $0x108;
	s8 =	sld [smem:$0x3FB0]  }
0x2e: {  	s3 =	simm.s32 @!p0 $0x1082;
	s9 =	sld [smem:$0x3FB1]  }
0x2f: {  	lr =	sadd.s32 s0, s3;
	s0 =	sld [smem:$0x3FA8]  }
0x30: {  	s3 =	sld [smem:$0x3FAB]  }
0x31: {  	[smem:$0x3FB4] =	sst s10  }
0x32: {  	s10 =	sld [smem:$0x3FB2];
	_ =	sdelay $0x3  }
0x33: {  	p0 =	seq.s32 s10, $0x1;
	s10 =	sld [smem:$0x3FB4];
	_ =	sdelay $0x3  }
0x34: {  	[smem:$0x3FB4] =	sst s10  }
0x35: {  	s10 =	sld [smem:$0x3FB3];
	_ =	sdelay $0x3  }
0x36: {  	p1 =	seq.s32 s10, $0x1;
	s10 =	sld [smem:$0x3FB4];
	_ =	sdelay $0x3  }
0x37: {  	[smem:$0x3FB4] =	sst s10  }
0x38: {  	s10 =	sld [smem:$0x3FB5]  }
0x39: {  	_ = 	snop;
	(pc) =	sbr.ind lr, $3  }
0x3a: {  	_ = 	snop  }
0x3b: {  	_ = 	snop  }
0x3c: {  	p2 =	seq.s32 s10, $0x1;
	s10 =	sld [smem:$0x3FB4]  }
0x3d: {  	_ =	shalt  }
0x3e: {  	_ =	shalt  }
0x3f: {  	_ =	shalt  }
0x40: {  	_ =	shalt  }
0x41: {  	_ =	shalt  }
0x42: {  	_ =	shalt  }
0x43: {  	_ =	shalt  }
0x44: {  	_ =	shalt  }
0x45: {  	_ =	shalt  }
0x46: {  	_ =	shalt  }
0x47: {  	_ =	shalt  }
0x48: {  	_ =	shalt  }
0x49: {  	_ =	shalt  }
0x4a: {  	_ =	shalt  }
0x4b: {  	_ =	shalt  }
0x4c: {  	_ =	shalt  }
0x4d: {  	_ =	shalt  }
0x4e: {  	_ =	shalt  }
0x4f: {  	_ =	shalt  }
0x50: {  	_ =	shalt  }
0x51: {  	_ =	shalt  }
0x52: {  	_ =	shalt  }
0x53: {  	_ =	shalt  }
0x54: {  	_ =	shalt  }
0x55: {  	_ =	shalt  }
0x56: {  	_ =	shalt  }
0x57: {  	_ =	shalt  }
0x58: {  	_ =	shalt  }
0x59: {  	_ =	shalt  }
0x5a: {  	_ =	shalt  }
0x5b: {  	_ =	shalt  }
0x5c: {  	_ =	shalt  }
0x5d: {  	_ =	shalt  }
0x5e: {  	_ =	shalt  }
0x5f: {  	_ =	shalt  }
0x60: {  	_ =	shalt  }
0x61: {  	_ =	shalt  }
0x62: {  	_ =	shalt  }
0x63: {  	_ =	shalt  }
0x64: {  	_ =	shalt  }
0x65: {  	_ =	shalt  }
0x66: {  	_ =	shalt  }
0x67: {  	_ =	shalt  }
0x68: {  	_ =	shalt  }
0x69: {  	_ =	shalt  }
0x6a: {  	_ =	shalt  }
0x6b: {  	_ =	shalt  }
0x6c: {  	_ =	shalt  }
0x6d: {  	_ =	shalt  }
0x6e: {  	_ =	shalt  }
0x6f: {  	_ =	shalt  }
0x70: {  	_ =	shalt  }
0x71: {  	_ =	shalt  }
0x72: {  	_ =	shalt  }
0x73: {  	_ =	shalt  }
0x74: {  	_ =	shalt  }
0x75: {  	_ =	shalt  }
0x76: {  	_ =	shalt  }
0x77: {  	_ =	shalt  }
0x78: {  	_ =	shalt  }
0x79: {  	_ =	shalt  }
0x7a: {  	_ =	shalt  }
0x7b: {  	_ =	shalt  }
0x7c: {  	_ =	shalt  }
0x7d: {  	_ =	shalt  }
0x7e: {  	_ =	shalt  }
0x7f: {  	_ =	shalt  }
0x80: {  	_ =	shalt  }
0x81: {  	_ =	shalt  }
0x82: {  	_ =	shalt  }
0x83: {  	_ =	shalt  }
0x84: {  	_ =	shalt  }
0x85: {  	_ =	shalt  }
0x86: {  	_ =	shalt  }
0x87: {  	_ =	shalt  }
.Lfunc_end0:
.L_simem_size_0:
called_computation.1_lowered:
.L_overlay_start_0:
0x88: {  	s2 =	sld [smem:$0x3FD9]  }
0x89: {  	s3 =	sld [smem:$0x3FFE];
	_ =	sdelay $0x1  }
0x8a: {  	s1 =	srdreg.scid  }
0x8b: {  	s0 =	sand.u32 $0x1, s1  }
0x8c: {  	s17 =	sshll.u32 s0, $0xA;
	s2 =	sadd.s32 s3, s2  }
0x8d: {  	s2 =	sadd.s32 s2, s17  }
0x8e: {  	[smem:$0x3FC0] =	sst s2  }
0x8f: {  	_ = 	snop  }
0x90: {  	s18 =	sld [smem:$0x3FD0];
	(tm) =	ssettm $0x1  }
0x91: {  	s19 =	sld [smem:$0x3FFB];
	_ =	sdelay $0x3  }
0x92: {  	_ =	strace s19  }
0x93: {  	s2 =	sld [smem:$0x3FFC];
	_ =	sdelay $0x3  }
0x94: {  	_ =	strace s2  }
0x95: {  	s2 =	sld [smem:$0x3FFD];
	_ =	sdelay $0x3  }
0x96: {  	_ =	strace s2  }
0x97: {  	_ =	strace $0x8FFFFFFF  }
0x98: {  	s20 =	sld [smem:$0x3FDB];
	_ =	sdelay $0x1  }
0x99: {  	s4 =	simm.s32 $_scs_section_size  }
0x9a: {  	s5 =	simm.s32 $_size__tile_overlayer_lowered;
	s6 =	simm.s32 $_tile_overlayer_lowered  }
0x9b: {  	s7 =	simm.s32 $0x1BFF;
	s21 =	sshll.u32 s6, $0x1;
	s4 =	sadd.s32 s4, s20  }
0x9c: {  	s22 =	simm.s32 $0x0;
	s5 =	sshll.u32 s5, $0x1;
	s6 =	sadd.s32 s21, s4  }
0x9d: {  	[timem:s22], [sflag:s7] =	dma.local [hbm:s6], s5  }
0x9e: {  	_ =	swait.ge [sflag:s7], s5  }
0x9f: {  	s5 =	ssub.s32 $0x0, s5;
	[sflag:s7] =	ssyncset.done $0x0  }
0xa0: {  	[sflag:s7] =	ssyncadd.s32 s5;
	_ =	sdelay $0x1  }
0xa1: {  	s23 =	simm.s32 $0x1B8B  }
0xa2: {  	_ =	swait.ge [sflag:s23], $0x1  }
0xa3: {  	[sflag:s23] =	ssyncset.done $0x0  }
0xa4: {  	[sflag:s23] =	ssyncadd.s32 $0xFFFFFFFF  }
0xa5: {  	s5 =	sld [smem:$0x0]  }
0xa6: {  	s6 =	sand.u32 $0xFFFFFFFE, s1  }
0xa7: {  	p0 =	sne.s32 s1, s6  }
0xa8: {  	s6 =	sshll.u32 @p0 s6, $0xE  }
0xa9: {  	s6 =	sadd.s32 @p0 $0x11B8D, s6;
	s7 =	sshll.u32 @p0 s5, $0x11  }
0xaa: {  	s6 =	sor.u32 @p0 s7, s6  }
0xab: {  	[sflag:s6] =	ssyncadd.remote.s32 @p0 $0x1;
	_ =	sdelay $0x1  }
0xac: {  	s6 =	simm.s32 @p0 $0x1B8D  }
0xad: {  	_ =	swait.eq @p0 [sflag:s6], $0x1  }
0xae: {  	[sflag:s6] =	ssyncadd.s32 @p0 $0xFFFFFFFF  }
0xaf: {  	s7 =	sshll.u32 @!p0 s1, $0xE  }
0xb0: {  	s7 =	sor.u32 @!p0 $0x4000, s7;
	s6 =	simm.s32 @!p0 $0x1B8D  }
0xb1: {  	s5 =	sshll.u32 @!p0 s5, $0x11;
	s7 =	sadd.s32 @!p0 $0x11B8D, s7;
	_ =	swait.eq @!p0 [sflag:s6], $0x1  }
0xb2: {  	s5 =	sor.u32 @!p0 s5, s7;
	[sflag:s6] =	ssyncadd.s32 @!p0 $0xFFFFFFFF  }
0xb3: {  	s25 =	simm.s32 $0x1B8E;
	s24 =	sld [smem:$0x3FFE];
	[sflag:s5] =	ssyncadd.remote.s32 @!p0 $0x1  }
0xb4: {  	s26 =	simm.s32 $execute0_lowered;
	[smem:$0x3FD2] =	sst s25  }
0xb5: {  	s6 =	sshll.u32 s26, $0x1;
	_ =	strace $0x80000049;
	[dreg:$0x1] =	wrdreg $0xFFFFFFFF  }
0xb6: {  	s28 =	simm.s32 $_size_execute0_lowered;
	s4 =	sadd.s32 s4, s6;
	[dreg:$0x0] =	wrdreg $0x0  }
0xb7: {  	s6 =	sshll.u32 s28, $0x1;
	[dreg:$0x2] =	wrdreg s4  }
0xb8: {  	[dreg:$0x3] =	wrdreg s6  }
0xb9: {  	[dreg:$0x4] =	wrdreg $0xC0  }
0xba: {  	_ =	task [dreg:s22], $0x5FFFF  }
0xbb: {  	[dreg:$0x1] =	wrdreg $0xFFFFFFFF  }
0xbc: {  	[dreg:$0x0] =	wrdreg $0x60  }
0xbd: {  	[dreg:$0x2] =	wrdreg s24  }
0xbe: {  	[dreg:$0x3] =	wrdreg s18  }
0xbf: {  	[dreg:$0x4] =	wrdreg $0x41000  }
0xc0: {  	[dreg:$0x5] =	wrdreg $0xA  }
0xc1: {  	_ =	task.clear_ibuf [dreg:s22], $0x6FFFF;
	_ =	strace $0x90000049  }
0xc2: {  	s29 =	simm.s32 $0xA;
	_ =	strace $0x8000004B  }
0xc3: {  	_ =	swait.ge [sflag:s29], $0x1  }
0xc4: {  	[sflag:s29] =	ssyncadd.s32 $0xFFFFFFFF  }
0xc5: {  	_ =	strace $0x9000004B  }
0xc6: {  	_ =	sfence  }
0xc7: {  	s30 =	sld [smem:$0x0];
	_ =	sdelay $0x2  }
0xc8: {  	s31 =	sshll.u32 s1, $0xD;
	s1 =	sshrl.u32 s1, $0x2  }
0xc9: {  	s4 =	sand.u32 $0x4000, s31;
	s1 =	sadd.s32 s1, s30  }
0xca: {  	s0 =	sor.u32 s4, s0;
	s1 =	sshll.u32 s1, $0x11  }
0xcb: {  	s0 =	sor.u32 s1, s0  }
0xcc: {  	s0 =	sadd.s32 $0x8F2B, s0  }
0xcd: {  	[sflag:s0] =	ssyncadd.remote.s32 $0x1  }
0xce: {  	_ =	sfence.sel $0xFFFF  }
0xcf: {  	[dreg:$0x0] =	wrdreg $0xFFFFFFFF;
	(pc) =	sbr.abs _section_cstart, $3  }
0xd0: {  	[dreg:$0x1] =	wrdreg $0xFFFFFFFF  }
0xd1: {  	_ =	task.clear_ibuf [dreg:s22], $0x2FFFF;
	_ =	strace $0x9FFFFFFF  }
0xd2: {  	(tm) =	ssettm $0x7FFFFFFF  }
0xd3: {  	_ =	shalt  }
tec
execute0_lowered:
.L_overlay_start_1:
0x0: {  	(tag) =	ssettag $0x1  }
0x1: {  	s5 =	rddreg [dreg:$0x0]  }
0x2: {  	s13 =	rddreg [dreg:$0x1]  }
0x3: {  	s2 =	rddreg [dreg:$0x2]  }
0x4: {  	s0 =	rddreg [dreg:$0x3]  }
0x5: {  	s1 =	stileid.u32;
	s4 =	srdreg.scid  }
0x6: {  	s3 =	simm.s32 $0x0;
	s16 =	simm.s32 $0x80;
	s14 =	smul.u32 $0xA00, s1  }
0x7: {  	s17 =	simm.s32 $0x1;
	s20 =	simm.s32 $0x0;
	s7 =	smul.u32 $0x2780, s1  }
0x8: {  	s6 =	sand.u32 $0x1, s4;
	[smem:$0x7FF] =	sst s3;
	s9 =	smul.u32 $0x4F000, s1  }
0x9: {  	s4 =	sadd.s32 $0x20600, s5;
	s18 =	sshll.u32 s1, $0x6;
	s8 =	smul.u32 $0x27800, s6  }
0xa: {  	_ =	strace $0x8000004A;
	s30 =	ssub.s32 $0x2, s6;
	s15 =	smul.u32 $0x500, s6  }
0xb: {  	s18 =	sor.u32 $0x1C02, s18;
	s11 =	sadd.s32 s14, s5;
	s31 =	sshrl.u32 s30, $0x1  }
0xc: {  	s9 =	sshrl.u32 s9, $0x2;
	s13 =	sadd.s32 s14, s13;
	s14 =	simm.s32 $0x100  }
0xd: {  	s7 =	sadd.s32 s7, s8;
	s8 =	ssub.s32 s30, s31;
	s12 =	sadd.s32 s15, s11  }
0xe: {  	s13 =	sadd.s32 s15, s13;
	s15 =	simm.s32 $0x2;
	s7 =	sadd.s32 s7, s5  }
0xf: {  	s5 =	sadd.s32 s9, s2;
	s8 =	smax.u32 s8, $0x1;
	s12 =	sadd.s32 $0xC600, s12  }
0x10: {  	s6 =	sadd.s32 $0x10000, s5;
	s7 =	sadd.s32 $0x47E00, s7;
	s9 =	sadd.s32 $0x4000, s5  }
0x11: {  	v0 =	vimm.f32 $0.0e+00;
	s10 =	sadd.s32 $0x8000, s5;
	s11 =	sadd.s32 $0xC000, s5;
	s19 =	sshrl.u32 s5, $0x3  }
.LBB2_1:
0x12: {  	s21 =	simm.s32 $0x0;
	s22 =	simm.s32 $0x200  }
.LBB2_2:
0x13: {  	p0 =	sne.s32 s22, $0xFE00;
	[tilespmem:s21+$0x170] =	vst v0  }
0x14: {  	[tilespmem:s21+$0x100] =	vst v0  }
0x15: {  	[tilespmem:s21+$0x110] =	vst v0  }
.Ltmp0:
0x16: {  	[tilespmem:s21+$0x120] =	vst v0;
	(pc) =	sbr.rel @p0 .LBB2_2-.Ltmp0, $4  }
0x17: {  	[tilespmem:s21+$0x130] =	vst v0  }
0x18: {  	[tilespmem:s21+$0x140] =	vst v0  }
0x19: {  	[tilespmem:s21+$0x150] =	vst v0  }
0x1a: {  	[tilespmem:s21+$0x160] =	vst v0;
	s21 =	sshra.s32 s22, $0x2;
	s22 =	sadd.s32 $0x200, s22  }
0x1b: {  	[tilespmem:s21+$0x170] =	vst v0  }
0x1c: {  	[tilespmem:s21+$0x100] =	vst v0  }
0x1d: {  	[tilespmem:s21+$0x110] =	vst v0  }
0x1e: {  	[tilespmem:s21+$0x120] =	vst v0  }
0x1f: {  	[tilespmem:s21+$0x130] =	vst v0  }
0x20: {  	[tilespmem:s21+$0x140] =	vst v0  }
0x21: {  	[tilespmem:s21+$0x150] =	vst v0  }
0x22: {  	[tilespmem:s21+$0x160] =	vst v0  }
0x23: {  	[spmem:s5] =	stream.linear.scatter [tilespmem:s14], [sflag:$0x2], $0x4000, $0x38;
	[tilespmem:$0x17D00] =	vst v63  }
0x24: {  	_ =	swait.ge [sflag:s15], $0x4000  }
0x25: {  	[sflag:s15] =	ssyncset.done $0x0  }
0x26: {  	[sflag:s15] =	ssyncadd.s32 $0xFFFFC000  }
0x27: {  	[spmem:s9] =	stream.linear.scatter [tilespmem:s14], [sflag:$0x2], $0x4000, $0x38;
	[tilespmem:$0x17D00] =	vst v63  }
0x28: {  	_ =	swait.ge [sflag:s15], $0x4000  }
0x29: {  	[sflag:s15] =	ssyncset.done $0x0  }
0x2a: {  	[sflag:s15] =	ssyncadd.s32 $0xFFFFC000  }
0x2b: {  	[spmem:s10] =	stream.linear.scatter [tilespmem:s14], [sflag:$0x2], $0x4000, $0x38;
	[tilespmem:$0x17D00] =	vst v63  }
0x2c: {  	_ =	swait.ge [sflag:s15], $0x4000  }
0x2d: {  	[sflag:s15] =	ssyncset.done $0x0  }
0x2e: {  	[sflag:s15] =	ssyncadd.s32 $0xFFFFC000  }
0x2f: {  	[spmem:s11] =	stream.linear.scatter [tilespmem:s14], [sflag:$0x2], $0x4000, $0x38;
	[tilespmem:$0x17D00] =	vst v63  }
0x30: {  	_ =	swait.ge [sflag:s15], $0x4000  }
0x31: {  	[sflag:s15] =	ssyncset.done $0x0  }
0x32: {  	[sflag:s15] =	ssyncadd.s32 $0xFFFFC000  }
0x33: {  	[spmem:s6] =	stream.linear.scatter [tilespmem:s14], [sflag:$0x2], $0x3C00, $0x38;
	[tilespmem:$0x17D00] =	vst v63  }
0x34: {  	_ =	swait.ge [sflag:s15], $0x3C00  }
0x35: {  	[sflag:s15] =	ssyncset.done $0x0  }
0x36: {  	[sflag:s15] =	ssyncadd.s32 $0xFFFFC400  }
0x37: {  	s30 =	sadd.s32 $0x0, s13;
	[bflag:$0x0] =	sbarrier.arrive $0xFFFF  }
0x38: {  	[tilespmem:s3], [sflag:$0x2] =	stream.linear.gather [hbm4b:s30+s3], $0x80, $0x38;
	[tilespmem:$0x17D00] =	vst v63  }
0x39: {  	_ =	swait.ge [sflag:s15], $0x80  }
0x3a: {  	[sflag:s15] =	ssyncset.done $0x0  }
0x3b: {  	s31 =	sadd.s32 $0x0, s12;
	[sflag:s15] =	ssyncadd.s32 $0xFFFFFF80  }
0x3c: {  	[tilespmem:s16], [sflag:$0x2] =	stream.linear.gather [hbm4b:s31+s3], $0x80, $0x38;
	[tilespmem:$0x17D00] =	vst v63  }
0x3d: {  	_ =	swait.ge [sflag:s15], $0x80  }
0x3e: {  	[sflag:s15] =	ssyncset.done $0x0  }
0x3f: {  	[sflag:s15] =	ssyncadd.s32 $0xFFFFFF80  }
0x40: {  	[tilespmem:s14], [sflag:$0x1] =	stream.indirect.gather [hbm4b:s4+s16], $0x80, s3, s16, $0xb8;
	[tilespmem:$0x17D00] =	vst v63  }
0x41: {  	_ =	swait.ge [sflag:s17], $0x4000  }
0x42: {  	[sflag:s17] =	ssyncset.done $0x0  }
0x43: {  	[sflag:s17] =	ssyncadd.s32 $0xFFFFC000  }
0x44: {  	[spmem:s2] =	stream.indirect.scatter.add.f32 [tilespmem:s14], [sflag:$0x2], $0x80, s16, s16, $0xb8;
	[tilespmem:$0x17D00] =	vst v63  }
0x45: {  	_ =	swait.ge [sflag:s15], $0x4000  }
0x46: {  	s21 =	simm.s32 $0x10;
	s22 =	simm.s32 $0x20;
	[sflag:s15] =	ssyncset.done $0x0  }
.LBB2_4:
0x47: {  	s23 =	sadd.s32 s21, s13  }
0x48: {  	[sflag:s15] =	ssyncadd.s32 $0xFFFFC000;
	s24 =	smov.u32 s22;
	s25 =	sadd.s32 $0x10, s22  }
0x49: {  	[tilespmem:s3], [sflag:$0x2] =	stream.linear.gather [hbm4b:s23+s3], $0x80, $0x38;
	[tilespmem:$0x17D00] =	vst v63  }
0x4a: {  	p0 =	sne.s32 s22, $0x4F0;
	_ =	swait.ge [sflag:s15], $0x80  }
0x4b: {  	[sflag:s15] =	ssyncset.done $0x0  }
0x4c: {  	s22 =	sadd.s32 s21, s12;
	s21 =	smov.u32 s24;
	[sflag:s15] =	ssyncadd.s32 $0xFFFFFF80  }
0x4d: {  	[tilespmem:s16], [sflag:$0x2] =	stream.linear.gather [hbm4b:s22+s3], $0x80, $0x38;
	[tilespmem:$0x17D00] =	vst v63  }
0x4e: {  	_ =	swait.ge [sflag:s15], $0x80  }
0x4f: {  	[sflag:s15] =	ssyncset.done $0x0  }
0x50: {  	[sflag:s15] =	ssyncadd.s32 $0xFFFFFF80  }
0x51: {  	[tilespmem:s14], [sflag:$0x1] =	stream.indirect.gather [hbm4b:s4+s16], $0x80, s3, s16, $0xb8;
	[tilespmem:$0x17D00] =	vst v63  }
0x52: {  	_ =	swait.ge [sflag:s17], $0x4000  }
.Ltmp1:
0x53: {  	[sflag:s17] =	ssyncset.done $0x0;
	(pc) =	sbr.rel @p0 .LBB2_4-.Ltmp1, $4  }
0x54: {  	[sflag:s17] =	ssyncadd.s32 $0xFFFFC000  }
0x55: {  	[spmem:s2] =	stream.indirect.scatter.add.f32 [tilespmem:s14], [sflag:$0x2], $0x80, s16, s16, $0xb8;
	[tilespmem:$0x17D00] =	vst v63  }
0x56: {  	_ =	swait.ge [sflag:s15], $0x4000  }
0x57: {  	s22 =	smov.u32 s25;
	[sflag:s15] =	ssyncset.done $0x0  }
0x58: {  	s22 =	sadd.s32 s21, s13;
	[sflag:s15] =	ssyncadd.s32 $0xFFFFC000  }
0x59: {  	[tilespmem:s3], [sflag:$0x2] =	stream.linear.gather [hbm4b:s22+s3], $0x80, $0x38;
	[tilespmem:$0x17D00] =	vst v63  }
0x5a: {  	_ =	swait.ge [sflag:s15], $0x80  }
0x5b: {  	[sflag:s15] =	ssyncset.done $0x0  }
0x5c: {  	s31 =	sadd.s32 s21, s12;
	[sflag:s15] =	ssyncadd.s32 $0xFFFFFF80  }
0x5d: {  	[tilespmem:s16], [sflag:$0x2] =	stream.linear.gather [hbm4b:s31+s3], $0x80, $0x38;
	[tilespmem:$0x17D00] =	vst v63  }
0x5e: {  	_ =	swait.ge [sflag:s15], $0x80  }
0x5f: {  	[sflag:s15] =	ssyncset.done $0x0  }
0x60: {  	[sflag:s15] =	ssyncadd.s32 $0xFFFFFF80  }
0x61: {  	[tilespmem:s14], [sflag:$0x1] =	stream.indirect.gather [hbm4b:s4+s16], $0x80, s3, s16, $0xb8;
	[tilespmem:$0x17D00] =	vst v63  }
0x62: {  	_ =	swait.ge [sflag:s17], $0x4000  }
0x63: {  	[sflag:s17] =	ssyncset.done $0x0  }
0x64: {  	[sflag:s17] =	ssyncadd.s32 $0xFFFFC000  }
0x65: {  	[spmem:s2] =	stream.indirect.scatter.add.f32 [tilespmem:s14], [sflag:$0x2], $0x80, s16, s16, $0xb8;
	[tilespmem:$0x17D00] =	vst v63  }
0x66: {  	_ =	swait.ge [sflag:s15], $0x4000  }
0x67: {  	s20 =	sadd.s32 $0x1, s20;
	[sflag:s15] =	ssyncset.done $0x0  }
0x68: {  	p0 =	sne.s32 s20, s8;
	[sflag:s15] =	ssyncadd.s32 $0xFFFFC000  }
.Ltmp2:
0x69: {  	[bflag:$0x0] =	sbarrier.arrive $0xFFFF;
	(pc) =	sbr.rel @p0 .LBB2_1-.Ltmp2, $4  }
0x6a: {  	[hbm:s7], [sflag:s18] =	dma.local [spmem:s19], $0x2780  }
0x6b: {  	_ =	swait.ge [sflag:s15], $0x2780  }
0x6c: {  	[sflag:s15] =	ssyncset.done $0x0  }
0x6d: {  	[sflag:s15] =	ssyncadd.s32 $0xFFFFD880  }
0x6e: {  	_ =	sfence.sel $0x180000  }
0x6f: {  	[bflag:$0x0] =	sbarrier.arrive $0xFFFF  }
0x70: {  	p0 =	sne.s32 s1, $0x0;
	_ =	strace $0x9000004A  }
0x71: {  	s0 =	sadd.s32 @!p0 $0x100000, s0;
	[bflag:$0x2] =	sbarrier.arrive $0xFFFF  }
0x72: {  	[sflag:s0] =	ssyncadd.tile.s32 @!p0 $0x1;
	_ =	shalt  }
.Lfunc_end2:
_tile_overlayer_lowered:
.L_overlay_start_2:
0x73: {  	(tag) =	ssettag $0x2  }
0x74: {  	s0 =	rddreg [dreg:$0x0];
	s2 =	stileid.u32  }
0x75: {  	s1 =	rddreg [dreg:$0x1];
	p0 =	sne.s32 s2, $0x0  }
0x76: {  	s3 =	rddreg [dreg:$0x2];
	[bflag:$0x3] =	sbarrier.arrive $0xFFFF;
	s2 =	simm.s32 @!p0 $0x1C02  }
0x77: {  	[timem:s3], [sflag:s2] =	dma.local @!p0 [hbm:s0], s1  }
0x78: {  	s0 =	simm.s32 @!p0 $0x2  }
0x79: {  	_ =	swait.ge @!p0 [sflag:s0], s1  }
0x7a: {  	s1 =	ssub.s32 @!p0 $0x0, s1;
	[sflag:s0] =	ssyncset.done @!p0 $0x0  }
0x7b: {  	[sflag:s0] =	ssyncadd.s32 @!p0 s1  }
0x7c: {  	[bflag:$0x3] =	sbarrier.arrive $0xFFFF  }
0x7d: {  	_ =	shalt  }

// kernel: kernel.16.cloned.1.call-start
scs
__scs_entry_jumppad:
0x0: {  	(pc) =	sbr.rel $0x88, $3  }
0x1: {  	(tag) =	ssettag $0x0;
	lr =	simm.s32 $0x1  }
0x2: {  	[smem:$0x3F99] =	sst lr;
	_ =	strace $0xD0000000  }
0x3: {  	_ = 	snop  }
0x4: {  	_ = 	snop  }
0x5: {  	_ = 	snop  }
0x6: {  	_ = 	snop  }
0x7: {  	_ = 	snop  }
__scs_overlays_trampoline_lowered:
0x8: {  	[smem:$0x3FA8] =	sst s0  }
0x9: {  	[smem:$0x3FA9] =	sst s1  }
0xa: {  	[smem:$0x3FAA] =	sst s2  }
0xb: {  	[smem:$0x3FAB] =	sst s3  }
0xc: {  	[smem:$0x3FAC] =	sst s4  }
0xd: {  	[smem:$0x3FAD] =	sst s5  }
0xe: {  	[smem:$0x3FAE] =	sst s6  }
0xf: {  	[smem:$0x3FAF] =	sst s7  }
0x10: {  	[smem:$0x3FB0] =	sst s8  }
0x11: {  	[smem:$0x3FB1] =	sst s9;
	s0 =	simm.s32 @!p0 $0x0  }
0x12: {  	s1 =	sld [smem:$0x3F97];
	s0 =	simm.s32 @p0 $0x1  }
0x13: {  	[smem:$0x3FB2] =	sst s0;
	s0 =	simm.s32 @!p1 $0x0  }
0x14: {  	s2 =	sld [smem:$0x3F96];
	s0 =	simm.s32 @p1 $0x1  }
0x15: {  	[smem:$0x3FB3] =	sst s0;
	s0 =	simm.s32 @!p2 $0x0  }
0x16: {  	s3 =	sld [smem:$0x3FDB];
	s0 =	simm.s32 @p2 $0x1  }
0x17: {  	s4 =	simm.s32 $0x1BF5;
	[smem:$0x3FB5] =	sst s0  }
0x18: {  	s0 =	sld [smem:$0x3F98];
	_ =	swait.ge [sflag:s4], $0x0  }
0x19: {  	s7 =	sld [smem:$0x3F99]  }
0x1a: {  	s8 =	sadd.s32 $0xFFFFE003, lr  }
0x1b: {  	s9 =	sadd.s32 $0xFFFFFEF7, lr;
	s5 =	simm.s32 $0xFFFFFFFF;
	p2 =	slt.u32 s8, $0xFFFFF086  }
0x1c: {  	p1 =	slt.u32 s9, $0xF7A;
	s5 =	simm.s32 @!p2 $0x0  }
0x1d: {  	s5 =	simm.s32 @p1 $0x1;
	p0 =	seq.s32 s7, s2  }
0x1e: {  	s7 =	smul.u32 @!p0 $0xF7A, s2;
	p2 =	seq.s32 @!p0 s5, $0x0  }
0x1f: {  	s9 =	smul.u32 $0xF7A, s1;
	s8 =	simm.s32 @!p0 $0x1BF5;
	p2 =	por !p2, p0  }
0x20: {  	[sflag:s8] =	ssyncset.s32 @!p0 $0xFFFFF086;
	s6 =	sadd.s32 @!p0 s3, s7;
	s7 =	simm.s32 @!p0 $0x108  }
0x21: {  	s3 =	sadd.s32 s3, s9;
	s6 =	sadd.s32 @!p0 $0x88, s6;
	s7 =	simm.s32 @p2 $0x1082  }
0x22: {  	[simem:s7], [sflag:s8] =	dma.local @!p0 [hbm:s6], $0xF7A  }
0x23: {  	s9 =	sor.u32 $0xD0000000, s2;
	s6 =	simm.s32 $0x108;
	_ =	swait.ge @!p0 [sflag:s8], $0x0  }
0x24: {  	s3 =	sadd.s32 $0x88, s3;
	s6 =	simm.s32 @!p1 $0x1082;
	[sflag:s4] =	ssyncset.s32 $0xFFFFF086  }
0x25: {  	[simem:s6], [sflag:s4] =	dma.local [hbm:s3], $0xF7A  }
0x26: {  	[smem:$0x3F99] =	sst s1;
	(tag) =	ssettag s2;
	_ =	strace s9  }
0x27: {  	s1 =	sld [smem:$0x3FA9]  }
0x28: {  	s2 =	sld [smem:$0x3FAA]  }
0x29: {  	s4 =	sld [smem:$0x3FAC]  }
0x2a: {  	p0 =	seq.s32 s5, $0x0;
	s5 =	sld [smem:$0x3FAD]  }
0x2b: {  	s6 =	sld [smem:$0x3FAE]  }
0x2c: {  	s7 =	sld [smem:$0x3FAF]  }
0x2d: {  	s3 =	simm.s32 $0x108;
	s8 =	sld [smem:$0x3FB0]  }
0x2e: {  	s3 =	simm.s32 @!p0 $0x1082;
	s9 =	sld [smem:$0x3FB1]  }
0x2f: {  	lr =	sadd.s32 s0, s3;
	s0 =	sld [smem:$0x3FA8]  }
0x30: {  	s3 =	sld [smem:$0x3FAB]  }
0x31: {  	[smem:$0x3FB4] =	sst s10  }
0x32: {  	s10 =	sld [smem:$0x3FB2];
	_ =	sdelay $0x3  }
0x33: {  	p0 =	seq.s32 s10, $0x1;
	s10 =	sld [smem:$0x3FB4];
	_ =	sdelay $0x3  }
0x34: {  	[smem:$0x3FB4] =	sst s10  }
0x35: {  	s10 =	sld [smem:$0x3FB3];
	_ =	sdelay $0x3  }
0x36: {  	p1 =	seq.s32 s10, $0x1;
	s10 =	sld [smem:$0x3FB4];
	_ =	sdelay $0x3  }
0x37: {  	[smem:$0x3FB4] =	sst s10  }
0x38: {  	s10 =	sld [smem:$0x3FB5]  }
0x39: {  	_ = 	snop;
	(pc) =	sbr.ind lr, $3  }
0x3a: {  	_ = 	snop  }
0x3b: {  	_ = 	snop  }
0x3c: {  	p2 =	seq.s32 s10, $0x1;
	s10 =	sld [smem:$0x3FB4]  }
0x3d: {  	_ =	shalt  }
0x3e: {  	_ =	shalt  }
0x3f: {  	_ =	shalt  }
0x40: {  	_ =	shalt  }
0x41: {  	_ =	shalt  }
0x42: {  	_ =	shalt  }
0x43: {  	_ =	shalt  }
0x44: {  	_ =	shalt  }
0x45: {  	_ =	shalt  }
0x46: {  	_ =	shalt  }
0x47: {  	_ =	shalt  }
0x48: {  	_ =	shalt  }
0x49: {  	_ =	shalt  }
0x4a: {  	_ =	shalt  }
0x4b: {  	_ =	shalt  }
0x4c: {  	_ =	shalt  }
0x4d: {  	_ =	shalt  }
0x4e: {  	_ =	shalt  }
0x4f: {  	_ =	shalt  }
0x50: {  	_ =	shalt  }
0x51: {  	_ =	shalt  }
0x52: {  	_ =	shalt  }
0x53: {  	_ =	shalt  }
0x54: {  	_ =	shalt  }
0x55: {  	_ =	shalt  }
0x56: {  	_ =	shalt  }
0x57: {  	_ =	shalt  }
0x58: {  	_ =	shalt  }
0x59: {  	_ =	shalt  }
0x5a: {  	_ =	shalt  }
0x5b: {  	_ =	shalt  }
0x5c: {  	_ =	shalt  }
0x5d: {  	_ =	shalt  }
0x5e: {  	_ =	shalt  }
0x5f: {  	_ =	shalt  }
0x60: {  	_ =	shalt  }
0x61: {  	_ =	shalt  }
0x62: {  	_ =	shalt  }
0x63: {  	_ =	shalt  }
0x64: {  	_ =	shalt  }
0x65: {  	_ =	shalt  }
0x66: {  	_ =	shalt  }
0x67: {  	_ =	shalt  }
0x68: {  	_ =	shalt  }
0x69: {  	_ =	shalt  }
0x6a: {  	_ =	shalt  }
0x6b: {  	_ =	shalt  }
0x6c: {  	_ =	shalt  }
0x6d: {  	_ =	shalt  }
0x6e: {  	_ =	shalt  }
0x6f: {  	_ =	shalt  }
0x70: {  	_ =	shalt  }
0x71: {  	_ =	shalt  }
0x72: {  	_ =	shalt  }
0x73: {  	_ =	shalt  }
0x74: {  	_ =	shalt  }
0x75: {  	_ =	shalt  }
0x76: {  	_ =	shalt  }
0x77: {  	_ =	shalt  }
0x78: {  	_ =	shalt  }
0x79: {  	_ =	shalt  }
0x7a: {  	_ =	shalt  }
0x7b: {  	_ =	shalt  }
0x7c: {  	_ =	shalt  }
0x7d: {  	_ =	shalt  }
0x7e: {  	_ =	shalt  }
0x7f: {  	_ =	shalt  }
0x80: {  	_ =	shalt  }
0x81: {  	_ =	shalt  }
0x82: {  	_ =	shalt  }
0x83: {  	_ =	shalt  }
0x84: {  	_ =	shalt  }
0x85: {  	_ =	shalt  }
0x86: {  	_ =	shalt  }
0x87: {  	_ =	shalt  }
.Lfunc_end0:
.L_simem_size_0:
called_computation.2_lowered:
.L_overlay_start_0:
0x88: {  	s2 =	sld [smem:$0x3FD9]  }
0x89: {  	s3 =	sld [smem:$0x3FFE];
	_ =	sdelay $0x1  }
0x8a: {  	s1 =	srdreg.scid  }
0x8b: {  	s0 =	sand.u32 $0x1, s1  }
0x8c: {  	s17 =	sshll.u32 s0, $0xA;
	s2 =	sadd.s32 s3, s2  }
0x8d: {  	s2 =	sadd.s32 s2, s17  }
0x8e: {  	[smem:$0x3FC0] =	sst s2  }
0x8f: {  	_ = 	snop  }
0x90: {  	s2 =	sld [smem:$0x3FD0];
	(tm) =	ssettm $0x1  }
0x91: {  	s18 =	sld [smem:$0x3FFB];
	_ =	sdelay $0x3  }
0x92: {  	_ =	strace s18  }
0x93: {  	s3 =	sld [smem:$0x3FFC];
	_ =	sdelay $0x3  }
0x94: {  	_ =	strace s3  }
0x95: {  	s3 =	sld [smem:$0x3FFD];
	_ =	sdelay $0x3  }
0x96: {  	_ =	strace s3  }
0x97: {  	_ =	strace $0x8FFFFFFF  }
0x98: {  	s19 =	sld [smem:$0x3FDB];
	_ =	sdelay $0x1  }
0x99: {  	s4 =	simm.s32 $_scs_section_size  }
0x9a: {  	s5 =	simm.s32 $_size__tile_overlayer_lowered;
	s6 =	simm.s32 $_tile_overlayer_lowered  }
0x9b: {  	s22 =	simm.s32 $0x1BFF;
	s21 =	sshll.u32 s6, $0x1;
	s3 =	sadd.s32 s4, s19  }
0x9c: {  	s7 =	simm.s32 $0x0;
	s20 =	sshll.u32 s5, $0x1;
	s5 =	sadd.s32 s21, s3  }
0x9d: {  	[timem:s7], [sflag:s22] =	dma.local [hbm:s5], s20  }
0x9e: {  	_ =	swait.ge [sflag:s22], s20  }
0x9f: {  	s4 =	ssub.s32 $0x0, s20;
	[sflag:s22] =	ssyncset.done $0x0  }
0xa0: {  	[sflag:s22] =	ssyncadd.s32 s4;
	_ =	sdelay $0x1  }
0xa1: {  	s23 =	simm.s32 $0x1B8B  }
0xa2: {  	_ =	swait.ge [sflag:s23], $0x1  }
0xa3: {  	[sflag:s23] =	ssyncset.done $0x0  }
0xa4: {  	s25 =	simm.s32 $0x1B8E;
	s24 =	sld [smem:$0x3FFE];
	[sflag:s23] =	ssyncadd.s32 $0xFFFFFFFF  }
0xa5: {  	s26 =	simm.s32 $execute0_lowered;
	[smem:$0x3FD2] =	sst s25  }
0xa6: {  	s5 =	sshll.u32 s26, $0x1;
	_ =	strace $0x8000004C;
	[dreg:$0x1] =	wrdreg $0xFFFFFFFF  }
0xa7: {  	s28 =	simm.s32 $_size_execute0_lowered;
	s3 =	sadd.s32 s3, s5;
	[dreg:$0x0] =	wrdreg $0x0  }
0xa8: {  	s5 =	sshll.u32 s28, $0x1;
	[dreg:$0x2] =	wrdreg s3  }
0xa9: {  	[dreg:$0x3] =	wrdreg s5  }
0xaa: {  	[dreg:$0x4] =	wrdreg $0xC0  }
0xab: {  	_ =	task [dreg:s7], $0x5FFFF  }
0xac: {  	[dreg:$0x1] =	wrdreg $0xFFFFFFFF  }
0xad: {  	[dreg:$0x0] =	wrdreg $0x60  }
0xae: {  	[dreg:$0x2] =	wrdreg s24  }
0xaf: {  	[dreg:$0x3] =	wrdreg s2  }
0xb0: {  	[dreg:$0x4] =	wrdreg $0x41000  }
0xb1: {  	[dreg:$0x5] =	wrdreg $0x9  }
0xb2: {  	_ =	task.clear_ibuf [dreg:s7], $0x6FFFF;
	_ =	strace $0x9000004C  }
0xb3: {  	s29 =	simm.s32 $0x9;
	_ =	strace $0x8000004E  }
0xb4: {  	_ =	swait.ge [sflag:s29], $0x1  }
0xb5: {  	[sflag:s29] =	ssyncadd.s32 $0xFFFFFFFF  }
0xb6: {  	_ =	strace $0x9000004E  }
0xb7: {  	_ =	sfence  }
0xb8: {  	s30 =	sld [smem:$0x0];
	_ =	sdelay $0x2  }
0xb9: {  	s31 =	sshll.u32 s1, $0xD;
	s1 =	sshrl.u32 s1, $0x2  }
0xba: {  	s3 =	sand.u32 $0x4000, s31;
	s1 =	sadd.s32 s1, s30  }
0xbb: {  	s0 =	sor.u32 s3, s0;
	s1 =	sshll.u32 s1, $0x11  }
0xbc: {  	s0 =	sor.u32 s1, s0  }
0xbd: {  	s0 =	sadd.s32 $0x8F2B, s0  }
0xbe: {  	[sflag:s0] =	ssyncadd.remote.s32 $0x1  }
0xbf: {  	_ =	sfence.sel $0xFFFF  }
0xc0: {  	[dreg:$0x0] =	wrdreg $0xFFFFFFFF;
	(pc) =	sbr.abs _section_cstart, $3  }
0xc1: {  	[dreg:$0x1] =	wrdreg $0xFFFFFFFF  }
0xc2: {  	_ =	task.clear_ibuf [dreg:s7], $0x2FFFF;
	_ =	strace $0x9FFFFFFF  }
0xc3: {  	(tm) =	ssettm $0x7FFFFFFF  }
tec
execute0_lowered:
.L_overlay_start_1:
0x0: {  	(tag) =	ssettag $0x1  }
0x1: {  	s5 =	rddreg [dreg:$0x0]  }
0x2: {  	s13 =	rddreg [dreg:$0x1]  }
0x3: {  	s2 =	rddreg [dreg:$0x2]  }
0x4: {  	s0 =	rddreg [dreg:$0x3]  }
0x5: {  	s1 =	stileid.u32;
	s4 =	srdreg.scid  }
0x6: {  	s3 =	simm.s32 $0x0;
	s16 =	simm.s32 $0x80;
	s14 =	smul.u32 $0xA00, s1  }
0x7: {  	s17 =	simm.s32 $0x1;
	s20 =	simm.s32 $0x0;
	s7 =	smul.u32 $0x2780, s1  }
0x8: {  	s6 =	sand.u32 $0x1, s4;
	[smem:$0x7FF] =	sst s3;
	s9 =	smul.u32 $0x4F000, s1  }
0x9: {  	s4 =	sadd.s32 $0x16600, s5;
	s18 =	sshll.u32 s1, $0x6;
	s8 =	smul.u32 $0x27800, s6  }
0xa: {  	_ =	strace $0x8000004D;
	s30 =	ssub.s32 $0x2, s6;
	s15 =	smul.u32 $0x500, s6  }
0xb: {  	s18 =	sor.u32 $0x1C02, s18;
	s11 =	sadd.s32 s14, s5;
	s31 =	sshrl.u32 s30, $0x1  }
0xc: {  	s9 =	sshrl.u32 s9, $0x2;
	s13 =	sadd.s32 s14, s13;
	s14 =	simm.s32 $0x100  }
0xd: {  	s7 =	sadd.s32 s7, s8;
	s8 =	ssub.s32 s30, s31;
	s12 =	sadd.s32 s15, s11  }
0xe: {  	s13 =	sadd.s32 s15, s13;
	s15 =	simm.s32 $0x2;
	s7 =	sadd.s32 s7, s5  }
0xf: {  	s5 =	sadd.s32 s9, s2;
	s8 =	smax.u32 s8, $0x1;
	s12 =	sadd.s32 $0xC600, s12  }
0x10: {  	s6 =	sadd.s32 $0x10000, s5;
	s7 =	sadd.s32 $0x3DE00, s7;
	s9 =	sadd.s32 $0x4000, s5  }
0x11: {  	v0 =	vimm.f32 $0.0e+00;
	s10 =	sadd.s32 $0x8000, s5;
	s11 =	sadd.s32 $0xC000, s5;
	s19 =	sshrl.u32 s5, $0x3  }
.LBB2_1:
0x12: {  	s21 =	simm.s32 $0x0;
	s22 =	simm.s32 $0x200  }
.LBB2_2:
0x13: {  	p0 =	sne.s32 s22, $0xFE00;
	[tilespmem:s21+$0x170] =	vst v0  }
0x14: {  	[tilespmem:s21+$0x100] =	vst v0  }
0x15: {  	[tilespmem:s21+$0x110] =	vst v0  }
.Ltmp0:
0x16: {  	[tilespmem:s21+$0x120] =	vst v0;
	(pc) =	sbr.rel @p0 .LBB2_2-.Ltmp0, $4  }
0x17: {  	[tilespmem:s21+$0x130] =	vst v0  }
0x18: {  	[tilespmem:s21+$0x140] =	vst v0  }
0x19: {  	[tilespmem:s21+$0x150] =	vst v0  }
0x1a: {  	[tilespmem:s21+$0x160] =	vst v0;
	s21 =	sshra.s32 s22, $0x2;
	s22 =	sadd.s32 $0x200, s22  }
0x1b: {  	[tilespmem:s21+$0x170] =	vst v0  }
0x1c: {  	[tilespmem:s21+$0x100] =	vst v0  }
0x1d: {  	[tilespmem:s21+$0x110] =	vst v0  }
0x1e: {  	[tilespmem:s21+$0x120] =	vst v0  }
0x1f: {  	[tilespmem:s21+$0x130] =	vst v0  }
0x20: {  	[tilespmem:s21+$0x140] =	vst v0  }
0x21: {  	[tilespmem:s21+$0x150] =	vst v0  }
0x22: {  	[tilespmem:s21+$0x160] =	vst v0  }
0x23: {  	[spmem:s5] =	stream.linear.scatter [tilespmem:s14], [sflag:$0x2], $0x4000, $0x38;
	[tilespmem:$0x17D00] =	vst v63  }
0x24: {  	_ =	swait.ge [sflag:s15], $0x4000  }
0x25: {  	[sflag:s15] =	ssyncset.done $0x0  }
0x26: {  	[sflag:s15] =	ssyncadd.s32 $0xFFFFC000  }
0x27: {  	[spmem:s9] =	stream.linear.scatter [tilespmem:s14], [sflag:$0x2], $0x4000, $0x38;
	[tilespmem:$0x17D00] =	vst v63  }
0x28: {  	_ =	swait.ge [sflag:s15], $0x4000  }
0x29: {  	[sflag:s15] =	ssyncset.done $0x0  }
0x2a: {  	[sflag:s15] =	ssyncadd.s32 $0xFFFFC000  }
0x2b: {  	[spmem:s10] =	stream.linear.scatter [tilespmem:s14], [sflag:$0x2], $0x4000, $0x38;
	[tilespmem:$0x17D00] =	vst v63  }
0x2c: {  	_ =	swait.ge [sflag:s15], $0x4000  }
0x2d: {  	[sflag:s15] =	ssyncset.done $0x0  }
0x2e: {  	[sflag:s15] =	ssyncadd.s32 $0xFFFFC000  }
0x2f: {  	[spmem:s11] =	stream.linear.scatter [tilespmem:s14], [sflag:$0x2], $0x4000, $0x38;
	[tilespmem:$0x17D00] =	vst v63  }
0x30: {  	_ =	swait.ge [sflag:s15], $0x4000  }
0x31: {  	[sflag:s15] =	ssyncset.done $0x0  }
0x32: {  	[sflag:s15] =	ssyncadd.s32 $0xFFFFC000  }
0x33: {  	[spmem:s6] =	stream.linear.scatter [tilespmem:s14], [sflag:$0x2], $0x3C00, $0x38;
	[tilespmem:$0x17D00] =	vst v63  }
0x34: {  	_ =	swait.ge [sflag:s15], $0x3C00  }
0x35: {  	[sflag:s15] =	ssyncset.done $0x0  }
0x36: {  	[sflag:s15] =	ssyncadd.s32 $0xFFFFC400  }
0x37: {  	s30 =	sadd.s32 $0x0, s13;
	[bflag:$0x0] =	sbarrier.arrive $0xFFFF  }
0x38: {  	[tilespmem:s3], [sflag:$0x2] =	stream.linear.gather [hbm4b:s30+s3], $0x80, $0x38;
	[tilespmem:$0x17D00] =	vst v63  }
0x39: {  	_ =	swait.ge [sflag:s15], $0x80  }
0x3a: {  	[sflag:s15] =	ssyncset.done $0x0  }
0x3b: {  	s31 =	sadd.s32 $0x0, s12;
	[sflag:s15] =	ssyncadd.s32 $0xFFFFFF80  }
0x3c: {  	[tilespmem:s16], [sflag:$0x2] =	stream.linear.gather [hbm4b:s31+s3], $0x80, $0x38;
	[tilespmem:$0x17D00] =	vst v63  }
0x3d: {  	_ =	swait.ge [sflag:s15], $0x80  }
0x3e: {  	[sflag:s15] =	ssyncset.done $0x0  }
0x3f: {  	[sflag:s15] =	ssyncadd.s32 $0xFFFFFF80  }
0x40: {  	[tilespmem:s14], [sflag:$0x1] =	stream.indirect.gather [hbm4b:s4+s16], $0x80, s3, s16, $0xb8;
	[tilespmem:$0x17D00] =	vst v63  }
0x41: {  	_ =	swait.ge [sflag:s17], $0x4000  }
0x42: {  	[sflag:s17] =	ssyncset.done $0x0  }
0x43: {  	[sflag:s17] =	ssyncadd.s32 $0xFFFFC000  }
0x44: {  	[spmem:s2] =	stream.indirect.scatter.add.f32 [tilespmem:s14], [sflag:$0x2], $0x80, s16, s16, $0xb8;
	[tilespmem:$0x17D00] =	vst v63  }
0x45: {  	_ =	swait.ge [sflag:s15], $0x4000  }
0x46: {  	s21 =	simm.s32 $0x10;
	s22 =	simm.s32 $0x20;
	[sflag:s15] =	ssyncset.done $0x0  }
.LBB2_4:
0x47: {  	s23 =	sadd.s32 s21, s13  }
0x48: {  	[sflag:s15] =	ssyncadd.s32 $0xFFFFC000;
	s24 =	smov.u32 s22;
	s25 =	sadd.s32 $0x10, s22  }
0x49: {  	[tilespmem:s3], [sflag:$0x2] =	stream.linear.gather [hbm4b:s23+s3], $0x80, $0x38;
	[tilespmem:$0x17D00] =	vst v63  }
0x4a: {  	p0 =	sne.s32 s22, $0x4F0;
	_ =	swait.ge [sflag:s15], $0x80  }
0x4b: {  	[sflag:s15] =	ssyncset.done $0x0  }
0x4c: {  	s22 =	sadd.s32 s21, s12;
	s21 =	smov.u32 s24;
	[sflag:s15] =	ssyncadd.s32 $0xFFFFFF80  }
0x4d: {  	[tilespmem:s16], [sflag:$0x2] =	stream.linear.gather [hbm4b:s22+s3], $0x80, $0x38;
	[tilespmem:$0x17D00] =	vst v63  }
0x4e: {  	_ =	swait.ge [sflag:s15], $0x80  }
0x4f: {  	[sflag:s15] =	ssyncset.done $0x0  }
0x50: {  	[sflag:s15] =	ssyncadd.s32 $0xFFFFFF80  }
0x51: {  	[tilespmem:s14], [sflag:$0x1] =	stream.indirect.gather [hbm4b:s4+s16], $0x80, s3, s16, $0xb8;
	[tilespmem:$0x17D00] =	vst v63  }
0x52: {  	_ =	swait.ge [sflag:s17], $0x4000  }
.Ltmp1:
0x53: {  	[sflag:s17] =	ssyncset.done $0x0;
	(pc) =	sbr.rel @p0 .LBB2_4-.Ltmp1, $4  }
0x54: {  	[sflag:s17] =	ssyncadd.s32 $0xFFFFC000  }
0x55: {  	[spmem:s2] =	stream.indirect.scatter.add.f32 [tilespmem:s14], [sflag:$0x2], $0x80, s16, s16, $0xb8;
	[tilespmem:$0x17D00] =	vst v63  }
0x56: {  	_ =	swait.ge [sflag:s15], $0x4000  }
0x57: {  	s22 =	smov.u32 s25;
	[sflag:s15] =	ssyncset.done $0x0  }
0x58: {  	s22 =	sadd.s32 s21, s13;
	[sflag:s15] =	ssyncadd.s32 $0xFFFFC000  }
0x59: {  	[tilespmem:s3], [sflag:$0x2] =	stream.linear.gather [hbm4b:s22+s3], $0x80, $0x38;
	[tilespmem:$0x17D00] =	vst v63  }
0x5a: {  	_ =	swait.ge [sflag:s15], $0x80  }
0x5b: {  	[sflag:s15] =	ssyncset.done $0x0  }
0x5c: {  	s31 =	sadd.s32 s21, s12;
	[sflag:s15] =	ssyncadd.s32 $0xFFFFFF80  }
0x5d: {  	[tilespmem:s16], [sflag:$0x2] =	stream.linear.gather [hbm4b:s31+s3], $0x80, $0x38;
	[tilespmem:$0x17D00] =	vst v63  }
0x5e: {  	_ =	swait.ge [sflag:s15], $0x80  }
0x5f: {  	[sflag:s15] =	ssyncset.done $0x0  }
0x60: {  	[sflag:s15] =	ssyncadd.s32 $0xFFFFFF80  }
0x61: {  	[tilespmem:s14], [sflag:$0x1] =	stream.indirect.gather [hbm4b:s4+s16], $0x80, s3, s16, $0xb8;
	[tilespmem:$0x17D00] =	vst v63  }
0x62: {  	_ =	swait.ge [sflag:s17], $0x4000  }
0x63: {  	[sflag:s17] =	ssyncset.done $0x0  }
0x64: {  	[sflag:s17] =	ssyncadd.s32 $0xFFFFC000  }
0x65: {  	[spmem:s2] =	stream.indirect.scatter.add.f32 [tilespmem:s14], [sflag:$0x2], $0x80, s16, s16, $0xb8;
	[tilespmem:$0x17D00] =	vst v63  }
0x66: {  	_ =	swait.ge [sflag:s15], $0x4000  }
0x67: {  	s20 =	sadd.s32 $0x1, s20;
	[sflag:s15] =	ssyncset.done $0x0  }
0x68: {  	p0 =	sne.s32 s20, s8;
	[sflag:s15] =	ssyncadd.s32 $0xFFFFC000  }
.Ltmp2:
0x69: {  	[bflag:$0x0] =	sbarrier.arrive $0xFFFF;
	(pc) =	sbr.rel @p0 .LBB2_1-.Ltmp2, $4  }
0x6a: {  	[hbm:s7], [sflag:s18] =	dma.local [spmem:s19], $0x2780  }
0x6b: {  	_ =	swait.ge [sflag:s15], $0x2780  }
0x6c: {  	[sflag:s15] =	ssyncset.done $0x0  }
0x6d: {  	[sflag:s15] =	ssyncadd.s32 $0xFFFFD880  }
0x6e: {  	_ =	sfence.sel $0x180000  }
0x6f: {  	[bflag:$0x0] =	sbarrier.arrive $0xFFFF  }
0x70: {  	p0 =	sne.s32 s1, $0x0;
	_ =	strace $0x9000004D  }
0x71: {  	s0 =	sadd.s32 @!p0 $0x100000, s0;
	[bflag:$0x2] =	sbarrier.arrive $0xFFFF  }
0x72: {  	[sflag:s0] =	ssyncadd.tile.s32 @!p0 $0x1;
	_ =	shalt  }
.Lfunc_end2:
_tile_overlayer_lowered:
.L_overlay_start_2:
0x73: {  	(tag) =	ssettag $0x2  }
0x74: {  	s0 =	rddreg [dreg:$0x0];
	s2 =	stileid.u32  }
0x75: {  	s1 =	rddreg [dreg:$0x1];
	p0 =	sne.s32 s2, $0x0  }
0x76: {  	s3 =	rddreg [dreg:$0x2];
	[bflag:$0x3] =	sbarrier.arrive $0xFFFF;
	s2 =	simm.s32 @!p0 $0x1C02  }
0x77: {  	[timem:s3], [sflag:s2] =	dma.local @!p0 [hbm:s0], s1  }
0x78: {  	s0 =	simm.s32 @!p0 $0x2  }
0x79: {  	_ =	swait.ge @!p0 [sflag:s0], s1  }
0x7a: {  	s1 =	ssub.s32 @!p0 $0x0, s1;
	[sflag:s0] =	ssyncset.done @!p0 $0x0  }
0x7b: {  	[sflag:s0] =	ssyncadd.s32 @!p0 s1  }
0x7c: {  	[bflag:$0x3] =	sbarrier.arrive $0xFFFF  }
0x7d: {  	_ =	shalt  }

// kernel: kernel.19.cloned.1.call-start
scs
__scs_entry_jumppad:
0x0: {  	(pc) =	sbr.rel $0x88, $3  }
0x1: {  	(tag) =	ssettag $0x0;
	lr =	simm.s32 $0x1  }
0x2: {  	[smem:$0x3F99] =	sst lr;
	_ =	strace $0xD0000000  }
0x3: {  	_ = 	snop  }
0x4: {  	_ = 	snop  }
0x5: {  	_ = 	snop  }
0x6: {  	_ = 	snop  }
0x7: {  	_ = 	snop  }
__scs_overlays_trampoline_lowered:
0x8: {  	[smem:$0x3FA8] =	sst s0  }
0x9: {  	[smem:$0x3FA9] =	sst s1  }
0xa: {  	[smem:$0x3FAA] =	sst s2  }
0xb: {  	[smem:$0x3FAB] =	sst s3  }
0xc: {  	[smem:$0x3FAC] =	sst s4  }
0xd: {  	[smem:$0x3FAD] =	sst s5  }
0xe: {  	[smem:$0x3FAE] =	sst s6  }
0xf: {  	[smem:$0x3FAF] =	sst s7  }
0x10: {  	[smem:$0x3FB0] =	sst s8  }
0x11: {  	[smem:$0x3FB1] =	sst s9;
	s0 =	simm.s32 @!p0 $0x0  }
0x12: {  	s1 =	sld [smem:$0x3F97];
	s0 =	simm.s32 @p0 $0x1  }
0x13: {  	[smem:$0x3FB2] =	sst s0;
	s0 =	simm.s32 @!p1 $0x0  }
0x14: {  	s2 =	sld [smem:$0x3F96];
	s0 =	simm.s32 @p1 $0x1  }
0x15: {  	[smem:$0x3FB3] =	sst s0;
	s0 =	simm.s32 @!p2 $0x0  }
0x16: {  	s3 =	sld [smem:$0x3FDB];
	s0 =	simm.s32 @p2 $0x1  }
0x17: {  	s4 =	simm.s32 $0x1BF5;
	[smem:$0x3FB5] =	sst s0  }
0x18: {  	s0 =	sld [smem:$0x3F98];
	_ =	swait.ge [sflag:s4], $0x0  }
0x19: {  	s7 =	sld [smem:$0x3F99]  }
0x1a: {  	s8 =	sadd.s32 $0xFFFFE003, lr  }
0x1b: {  	s9 =	sadd.s32 $0xFFFFFEF7, lr;
	s5 =	simm.s32 $0xFFFFFFFF;
	p2 =	slt.u32 s8, $0xFFFFF086  }
0x1c: {  	p1 =	slt.u32 s9, $0xF7A;
	s5 =	simm.s32 @!p2 $0x0  }
0x1d: {  	s5 =	simm.s32 @p1 $0x1;
	p0 =	seq.s32 s7, s2  }
0x1e: {  	s7 =	smul.u32 @!p0 $0xF7A, s2;
	p2 =	seq.s32 @!p0 s5, $0x0  }
0x1f: {  	s9 =	smul.u32 $0xF7A, s1;
	s8 =	simm.s32 @!p0 $0x1BF5;
	p2 =	por !p2, p0  }
0x20: {  	[sflag:s8] =	ssyncset.s32 @!p0 $0xFFFFF086;
	s6 =	sadd.s32 @!p0 s3, s7;
	s7 =	simm.s32 @!p0 $0x108  }
0x21: {  	s3 =	sadd.s32 s3, s9;
	s6 =	sadd.s32 @!p0 $0x88, s6;
	s7 =	simm.s32 @p2 $0x1082  }
0x22: {  	[simem:s7], [sflag:s8] =	dma.local @!p0 [hbm:s6], $0xF7A  }
0x23: {  	s9 =	sor.u32 $0xD0000000, s2;
	s6 =	simm.s32 $0x108;
	_ =	swait.ge @!p0 [sflag:s8], $0x0  }
0x24: {  	s3 =	sadd.s32 $0x88, s3;
	s6 =	simm.s32 @!p1 $0x1082;
	[sflag:s4] =	ssyncset.s32 $0xFFFFF086  }
0x25: {  	[simem:s6], [sflag:s4] =	dma.local [hbm:s3], $0xF7A  }
0x26: {  	[smem:$0x3F99] =	sst s1;
	(tag) =	ssettag s2;
	_ =	strace s9  }
0x27: {  	s1 =	sld [smem:$0x3FA9]  }
0x28: {  	s2 =	sld [smem:$0x3FAA]  }
0x29: {  	s4 =	sld [smem:$0x3FAC]  }
0x2a: {  	p0 =	seq.s32 s5, $0x0;
	s5 =	sld [smem:$0x3FAD]  }
0x2b: {  	s6 =	sld [smem:$0x3FAE]  }
0x2c: {  	s7 =	sld [smem:$0x3FAF]  }
0x2d: {  	s3 =	simm.s32 $0x108;
	s8 =	sld [smem:$0x3FB0]  }
0x2e: {  	s3 =	simm.s32 @!p0 $0x1082;
	s9 =	sld [smem:$0x3FB1]  }
0x2f: {  	lr =	sadd.s32 s0, s3;
	s0 =	sld [smem:$0x3FA8]  }
0x30: {  	s3 =	sld [smem:$0x3FAB]  }
0x31: {  	[smem:$0x3FB4] =	sst s10  }
0x32: {  	s10 =	sld [smem:$0x3FB2];
	_ =	sdelay $0x3  }
0x33: {  	p0 =	seq.s32 s10, $0x1;
	s10 =	sld [smem:$0x3FB4];
	_ =	sdelay $0x3  }
0x34: {  	[smem:$0x3FB4] =	sst s10  }
0x35: {  	s10 =	sld [smem:$0x3FB3];
	_ =	sdelay $0x3  }
0x36: {  	p1 =	seq.s32 s10, $0x1;
	s10 =	sld [smem:$0x3FB4];
	_ =	sdelay $0x3  }
0x37: {  	[smem:$0x3FB4] =	sst s10  }
0x38: {  	s10 =	sld [smem:$0x3FB5]  }
0x39: {  	_ = 	snop;
	(pc) =	sbr.ind lr, $3  }
0x3a: {  	_ = 	snop  }
0x3b: {  	_ = 	snop  }
0x3c: {  	p2 =	seq.s32 s10, $0x1;
	s10 =	sld [smem:$0x3FB4]  }
0x3d: {  	_ =	shalt  }
0x3e: {  	_ =	shalt  }
0x3f: {  	_ =	shalt  }
0x40: {  	_ =	shalt  }
0x41: {  	_ =	shalt  }
0x42: {  	_ =	shalt  }
0x43: {  	_ =	shalt  }
0x44: {  	_ =	shalt  }
0x45: {  	_ =	shalt  }
0x46: {  	_ =	shalt  }
0x47: {  	_ =	shalt  }
0x48: {  	_ =	shalt  }
0x49: {  	_ =	shalt  }
0x4a: {  	_ =	shalt  }
0x4b: {  	_ =	shalt  }
0x4c: {  	_ =	shalt  }
0x4d: {  	_ =	shalt  }
0x4e: {  	_ =	shalt  }
0x4f: {  	_ =	shalt  }
0x50: {  	_ =	shalt  }
0x51: {  	_ =	shalt  }
0x52: {  	_ =	shalt  }
0x53: {  	_ =	shalt  }
0x54: {  	_ =	shalt  }
0x55: {  	_ =	shalt  }
0x56: {  	_ =	shalt  }
0x57: {  	_ =	shalt  }
0x58: {  	_ =	shalt  }
0x59: {  	_ =	shalt  }
0x5a: {  	_ =	shalt  }
0x5b: {  	_ =	shalt  }
0x5c: {  	_ =	shalt  }
0x5d: {  	_ =	shalt  }
0x5e: {  	_ =	shalt  }
0x5f: {  	_ =	shalt  }
0x60: {  	_ =	shalt  }
0x61: {  	_ =	shalt  }
0x62: {  	_ =	shalt  }
0x63: {  	_ =	shalt  }
0x64: {  	_ =	shalt  }
0x65: {  	_ =	shalt  }
0x66: {  	_ =	shalt  }
0x67: {  	_ =	shalt  }
0x68: {  	_ =	shalt  }
0x69: {  	_ =	shalt  }
0x6a: {  	_ =	shalt  }
0x6b: {  	_ =	shalt  }
0x6c: {  	_ =	shalt  }
0x6d: {  	_ =	shalt  }
0x6e: {  	_ =	shalt  }
0x6f: {  	_ =	shalt  }
0x70: {  	_ =	shalt  }
0x71: {  	_ =	shalt  }
0x72: {  	_ =	shalt  }
0x73: {  	_ =	shalt  }
0x74: {  	_ =	shalt  }
0x75: {  	_ =	shalt  }
0x76: {  	_ =	shalt  }
0x77: {  	_ =	shalt  }
0x78: {  	_ =	shalt  }
0x79: {  	_ =	shalt  }
0x7a: {  	_ =	shalt  }
0x7b: {  	_ =	shalt  }
0x7c: {  	_ =	shalt  }
0x7d: {  	_ =	shalt  }
0x7e: {  	_ =	shalt  }
0x7f: {  	_ =	shalt  }
0x80: {  	_ =	shalt  }
0x81: {  	_ =	shalt  }
0x82: {  	_ =	shalt  }
0x83: {  	_ =	shalt  }
0x84: {  	_ =	shalt  }
0x85: {  	_ =	shalt  }
0x86: {  	_ =	shalt  }
0x87: {  	_ =	shalt  }
.Lfunc_end0:
.L_simem_size_0:
called_computation.3_lowered:
.L_overlay_start_0:
0x88: {  	s2 =	sld [smem:$0x3FD9]  }
0x89: {  	s3 =	sld [smem:$0x3FFE];
	_ =	sdelay $0x1  }
0x8a: {  	s1 =	srdreg.scid  }
0x8b: {  	s0 =	sand.u32 $0x1, s1  }
0x8c: {  	s17 =	sshll.u32 s0, $0xA;
	s2 =	sadd.s32 s3, s2  }
0x8d: {  	s2 =	sadd.s32 s2, s17  }
0x8e: {  	[smem:$0x3FC0] =	sst s2  }
0x8f: {  	_ = 	snop  }
0x90: {  	s2 =	sld [smem:$0x3FD0];
	(tm) =	ssettm $0x1  }
0x91: {  	s18 =	sld [smem:$0x3FFB];
	_ =	sdelay $0x3  }
0x92: {  	_ =	strace s18  }
0x93: {  	s3 =	sld [smem:$0x3FFC];
	_ =	sdelay $0x3  }
0x94: {  	_ =	strace s3  }
0x95: {  	s3 =	sld [smem:$0x3FFD];
	_ =	sdelay $0x3  }
0x96: {  	_ =	strace s3  }
0x97: {  	_ =	strace $0x8FFFFFFF  }
0x98: {  	s19 =	sld [smem:$0x3FDB];
	_ =	sdelay $0x1  }
0x99: {  	s4 =	simm.s32 $_scs_section_size  }
0x9a: {  	s5 =	simm.s32 $_size__tile_overlayer_lowered;
	s6 =	simm.s32 $_tile_overlayer_lowered  }
0x9b: {  	s22 =	simm.s32 $0x1BFF;
	s21 =	sshll.u32 s6, $0x1;
	s3 =	sadd.s32 s4, s19  }
0x9c: {  	s7 =	simm.s32 $0x0;
	s20 =	sshll.u32 s5, $0x1;
	s5 =	sadd.s32 s21, s3  }
0x9d: {  	[timem:s7], [sflag:s22] =	dma.local [hbm:s5], s20  }
0x9e: {  	_ =	swait.ge [sflag:s22], s20  }
0x9f: {  	s4 =	ssub.s32 $0x0, s20;
	[sflag:s22] =	ssyncset.done $0x0  }
0xa0: {  	[sflag:s22] =	ssyncadd.s32 s4;
	_ =	sdelay $0x1  }
0xa1: {  	s23 =	simm.s32 $0x1B8B  }
0xa2: {  	_ =	swait.ge [sflag:s23], $0x1  }
0xa3: {  	[sflag:s23] =	ssyncset.done $0x0  }
0xa4: {  	s25 =	simm.s32 $0x1B8E;
	s24 =	sld [smem:$0x3FFE];
	[sflag:s23] =	ssyncadd.s32 $0xFFFFFFFF  }
0xa5: {  	s26 =	simm.s32 $execute0_lowered;
	[smem:$0x3FD2] =	sst s25  }
0xa6: {  	s5 =	sshll.u32 s26, $0x1;
	_ =	strace $0x8000004F;
	[dreg:$0x1] =	wrdreg $0xFFFFFFFF  }
0xa7: {  	s28 =	simm.s32 $_size_execute0_lowered;
	s3 =	sadd.s32 s3, s5;
	[dreg:$0x0] =	wrdreg $0x0  }
0xa8: {  	s5 =	sshll.u32 s28, $0x1;
	[dreg:$0x2] =	wrdreg s3  }
0xa9: {  	[dreg:$0x3] =	wrdreg s5  }
0xaa: {  	[dreg:$0x4] =	wrdreg $0xC0  }
0xab: {  	_ =	task [dreg:s7], $0x5FFFF  }
0xac: {  	[dreg:$0x1] =	wrdreg $0xFFFFFFFF  }
0xad: {  	[dreg:$0x0] =	wrdreg $0x60  }
0xae: {  	[dreg:$0x2] =	wrdreg s24  }
0xaf: {  	[dreg:$0x3] =	wrdreg s2  }
0xb0: {  	[dreg:$0x4] =	wrdreg $0x41000  }
0xb1: {  	[dreg:$0x5] =	wrdreg $0x9  }
0xb2: {  	_ =	task.clear_ibuf [dreg:s7], $0x6FFFF;
	_ =	strace $0x9000004F  }
0xb3: {  	s29 =	simm.s32 $0x9;
	_ =	strace $0x80000051  }
0xb4: {  	_ =	swait.ge [sflag:s29], $0x1  }
0xb5: {  	[sflag:s29] =	ssyncadd.s32 $0xFFFFFFFF  }
0xb6: {  	_ =	strace $0x90000051  }
0xb7: {  	_ =	sfence  }
0xb8: {  	s30 =	sld [smem:$0x0];
	_ =	sdelay $0x2  }
0xb9: {  	s31 =	sshll.u32 s1, $0xD;
	s1 =	sshrl.u32 s1, $0x2  }
0xba: {  	s3 =	sand.u32 $0x4000, s31;
	s1 =	sadd.s32 s1, s30  }
0xbb: {  	s0 =	sor.u32 s3, s0;
	s1 =	sshll.u32 s1, $0x11  }
0xbc: {  	s0 =	sor.u32 s1, s0  }
0xbd: {  	s0 =	sadd.s32 $0x8F2B, s0  }
0xbe: {  	[sflag:s0] =	ssyncadd.remote.s32 $0x1  }
0xbf: {  	_ =	sfence.sel $0xFFFF  }
0xc0: {  	[dreg:$0x0] =	wrdreg $0xFFFFFFFF;
	(pc) =	sbr.abs _section_cstart, $3  }
0xc1: {  	[dreg:$0x1] =	wrdreg $0xFFFFFFFF  }
0xc2: {  	_ =	task.clear_ibuf [dreg:s7], $0x2FFFF;
	_ =	strace $0x9FFFFFFF  }
0xc3: {  	(tm) =	ssettm $0x7FFFFFFF  }
tec
execute0_lowered:
.L_overlay_start_1:
0x0: {  	(tag) =	ssettag $0x1  }
0x1: {  	s5 =	rddreg [dreg:$0x0]  }
0x2: {  	s13 =	rddreg [dreg:$0x1]  }
0x3: {  	s2 =	rddreg [dreg:$0x2]  }
0x4: {  	s0 =	rddreg [dreg:$0x3]  }
0x5: {  	s1 =	stileid.u32;
	s4 =	srdreg.scid  }
0x6: {  	s3 =	simm.s32 $0x0;
	s16 =	simm.s32 $0x80;
	s14 =	smul.u32 $0xA00, s1  }
0x7: {  	s17 =	simm.s32 $0x1;
	s20 =	simm.s32 $0x0;
	s7 =	smul.u32 $0x2780, s1  }
0x8: {  	s6 =	sand.u32 $0x1, s4;
	[smem:$0x7FF] =	sst s3;
	s9 =	smul.u32 $0x4F000, s1  }
0x9: {  	s4 =	sadd.s32 $0x16600, s5;
	s18 =	sshll.u32 s1, $0x6;
	s8 =	smul.u32 $0x27800, s6  }
0xa: {  	_ =	strace $0x80000050;
	s30 =	ssub.s32 $0x2, s6;
	s15 =	smul.u32 $0x500, s6  }
0xb: {  	s18 =	sor.u32 $0x1C02, s18;
	s11 =	sadd.s32 s14, s5;
	s31 =	sshrl.u32 s30, $0x1  }
0xc: {  	s9 =	sshrl.u32 s9, $0x2;
	s13 =	sadd.s32 s14, s13;
	s14 =	simm.s32 $0x100  }
0xd: {  	s7 =	sadd.s32 s7, s8;
	s8 =	ssub.s32 s30, s31;
	s12 =	sadd.s32 s15, s11  }
0xe: {  	s13 =	sadd.s32 s15, s13;
	s15 =	simm.s32 $0x2;
	s7 =	sadd.s32 s7, s5  }
0xf: {  	s5 =	sadd.s32 s9, s2;
	s8 =	smax.u32 s8, $0x1;
	s12 =	sadd.s32 $0xC600, s12  }
0x10: {  	s6 =	sadd.s32 $0x10000, s5;
	s7 =	sadd.s32 $0x3DE00, s7;
	s9 =	sadd.s32 $0x4000, s5  }
0x11: {  	v0 =	vimm.f32 $0.0e+00;
	s10 =	sadd.s32 $0x8000, s5;
	s11 =	sadd.s32 $0xC000, s5;
	s19 =	sshrl.u32 s5, $0x3  }
.LBB2_1:
0x12: {  	s21 =	simm.s32 $0x0;
	s22 =	simm.s32 $0x200  }
.LBB2_2:
0x13: {  	p0 =	sne.s32 s22, $0xFE00;
	[tilespmem:s21+$0x170] =	vst v0  }
0x14: {  	[tilespmem:s21+$0x100] =	vst v0  }
0x15: {  	[tilespmem:s21+$0x110] =	vst v0  }
.Ltmp0:
0x16: {  	[tilespmem:s21+$0x120] =	vst v0;
	(pc) =	sbr.rel @p0 .LBB2_2-.Ltmp0, $4  }
0x17: {  	[tilespmem:s21+$0x130] =	vst v0  }
0x18: {  	[tilespmem:s21+$0x140] =	vst v0  }
0x19: {  	[tilespmem:s21+$0x150] =	vst v0  }
0x1a: {  	[tilespmem:s21+$0x160] =	vst v0;
	s21 =	sshra.s32 s22, $0x2;
	s22 =	sadd.s32 $0x200, s22  }
0x1b: {  	[tilespmem:s21+$0x170] =	vst v0  }
0x1c: {  	[tilespmem:s21+$0x100] =	vst v0  }
0x1d: {  	[tilespmem:s21+$0x110] =	vst v0  }
0x1e: {  	[tilespmem:s21+$0x120] =	vst v0  }
0x1f: {  	[tilespmem:s21+$0x130] =	vst v0  }
0x20: {  	[tilespmem:s21+$0x140] =	vst v0  }
0x21: {  	[tilespmem:s21+$0x150] =	vst v0  }
0x22: {  	[tilespmem:s21+$0x160] =	vst v0  }
0x23: {  	[spmem:s5] =	stream.linear.scatter [tilespmem:s14], [sflag:$0x2], $0x4000, $0x38;
	[tilespmem:$0x17D00] =	vst v63  }
0x24: {  	_ =	swait.ge [sflag:s15], $0x4000  }
0x25: {  	[sflag:s15] =	ssyncset.done $0x0  }
0x26: {  	[sflag:s15] =	ssyncadd.s32 $0xFFFFC000  }
0x27: {  	[spmem:s9] =	stream.linear.scatter [tilespmem:s14], [sflag:$0x2], $0x4000, $0x38;
	[tilespmem:$0x17D00] =	vst v63  }
0x28: {  	_ =	swait.ge [sflag:s15], $0x4000  }
0x29: {  	[sflag:s15] =	ssyncset.done $0x0  }
0x2a: {  	[sflag:s15] =	ssyncadd.s32 $0xFFFFC000  }
0x2b: {  	[spmem:s10] =	stream.linear.scatter [tilespmem:s14], [sflag:$0x2], $0x4000, $0x38;
	[tilespmem:$0x17D00] =	vst v63  }
0x2c: {  	_ =	swait.ge [sflag:s15], $0x4000  }
0x2d: {  	[sflag:s15] =	ssyncset.done $0x0  }
0x2e: {  	[sflag:s15] =	ssyncadd.s32 $0xFFFFC000  }
0x2f: {  	[spmem:s11] =	stream.linear.scatter [tilespmem:s14], [sflag:$0x2], $0x4000, $0x38;
	[tilespmem:$0x17D00] =	vst v63  }
0x30: {  	_ =	swait.ge [sflag:s15], $0x4000  }
0x31: {  	[sflag:s15] =	ssyncset.done $0x0  }
0x32: {  	[sflag:s15] =	ssyncadd.s32 $0xFFFFC000  }
0x33: {  	[spmem:s6] =	stream.linear.scatter [tilespmem:s14], [sflag:$0x2], $0x3C00, $0x38;
	[tilespmem:$0x17D00] =	vst v63  }
0x34: {  	_ =	swait.ge [sflag:s15], $0x3C00  }
0x35: {  	[sflag:s15] =	ssyncset.done $0x0  }
0x36: {  	[sflag:s15] =	ssyncadd.s32 $0xFFFFC400  }
0x37: {  	s30 =	sadd.s32 $0x0, s13;
	[bflag:$0x0] =	sbarrier.arrive $0xFFFF  }
0x38: {  	[tilespmem:s3], [sflag:$0x2] =	stream.linear.gather [hbm4b:s30+s3], $0x80, $0x38;
	[tilespmem:$0x17D00] =	vst v63  }
0x39: {  	_ =	swait.ge [sflag:s15], $0x80  }
0x3a: {  	[sflag:s15] =	ssyncset.done $0x0  }
0x3b: {  	s31 =	sadd.s32 $0x0, s12;
	[sflag:s15] =	ssyncadd.s32 $0xFFFFFF80  }
0x3c: {  	[tilespmem:s16], [sflag:$0x2] =	stream.linear.gather [hbm4b:s31+s3], $0x80, $0x38;
	[tilespmem:$0x17D00] =	vst v63  }
0x3d: {  	_ =	swait.ge [sflag:s15], $0x80  }
0x3e: {  	[sflag:s15] =	ssyncset.done $0x0  }
0x3f: {  	[sflag:s15] =	ssyncadd.s32 $0xFFFFFF80  }
0x40: {  	[tilespmem:s14], [sflag:$0x1] =	stream.indirect.gather [hbm4b:s4+s16], $0x80, s3, s16, $0xb8;
	[tilespmem:$0x17D00] =	vst v63  }
0x41: {  	_ =	swait.ge [sflag:s17], $0x4000  }
0x42: {  	[sflag:s17] =	ssyncset.done $0x0  }
0x43: {  	[sflag:s17] =	ssyncadd.s32 $0xFFFFC000  }
0x44: {  	[spmem:s2] =	stream.indirect.scatter.add.f32 [tilespmem:s14], [sflag:$0x2], $0x80, s16, s16, $0xb8;
	[tilespmem:$0x17D00] =	vst v63  }
0x45: {  	_ =	swait.ge [sflag:s15], $0x4000  }
0x46: {  	s21 =	simm.s32 $0x10;
	s22 =	simm.s32 $0x20;
	[sflag:s15] =	ssyncset.done $0x0  }
.LBB2_4:
0x47: {  	s23 =	sadd.s32 s21, s13  }
0x48: {  	[sflag:s15] =	ssyncadd.s32 $0xFFFFC000;
	s24 =	smov.u32 s22;
	s25 =	sadd.s32 $0x10, s22  }
0x49: {  	[tilespmem:s3], [sflag:$0x2] =	stream.linear.gather [hbm4b:s23+s3], $0x80, $0x38;
	[tilespmem:$0x17D00] =	vst v63  }
0x4a: {  	p0 =	sne.s32 s22, $0x4F0;
	_ =	swait.ge [sflag:s15], $0x80  }
0x4b: {  	[sflag:s15] =	ssyncset.done $0x0  }
0x4c: {  	s22 =	sadd.s32 s21, s12;
	s21 =	smov.u32 s24;
	[sflag:s15] =	ssyncadd.s32 $0xFFFFFF80  }
0x4d: {  	[tilespmem:s16], [sflag:$0x2] =	stream.linear.gather [hbm4b:s22+s3], $0x80, $0x38;
	[tilespmem:$0x17D00] =	vst v63  }
0x4e: {  	_ =	swait.ge [sflag:s15], $0x80  }
0x4f: {  	[sflag:s15] =	ssyncset.done $0x0  }
0x50: {  	[sflag:s15] =	ssyncadd.s32 $0xFFFFFF80  }
0x51: {  	[tilespmem:s14], [sflag:$0x1] =	stream.indirect.gather [hbm4b:s4+s16], $0x80, s3, s16, $0xb8;
	[tilespmem:$0x17D00] =	vst v63  }
0x52: {  	_ =	swait.ge [sflag:s17], $0x4000  }
.Ltmp1:
0x53: {  	[sflag:s17] =	ssyncset.done $0x0;
	(pc) =	sbr.rel @p0 .LBB2_4-.Ltmp1, $4  }
0x54: {  	[sflag:s17] =	ssyncadd.s32 $0xFFFFC000  }
0x55: {  	[spmem:s2] =	stream.indirect.scatter.add.f32 [tilespmem:s14], [sflag:$0x2], $0x80, s16, s16, $0xb8;
	[tilespmem:$0x17D00] =	vst v63  }
0x56: {  	_ =	swait.ge [sflag:s15], $0x4000  }
0x57: {  	s22 =	smov.u32 s25;
	[sflag:s15] =	ssyncset.done $0x0  }
0x58: {  	s22 =	sadd.s32 s21, s13;
	[sflag:s15] =	ssyncadd.s32 $0xFFFFC000  }
0x59: {  	[tilespmem:s3], [sflag:$0x2] =	stream.linear.gather [hbm4b:s22+s3], $0x80, $0x38;
	[tilespmem:$0x17D00] =	vst v63  }
0x5a: {  	_ =	swait.ge [sflag:s15], $0x80  }
0x5b: {  	[sflag:s15] =	ssyncset.done $0x0  }
0x5c: {  	s31 =	sadd.s32 s21, s12;
	[sflag:s15] =	ssyncadd.s32 $0xFFFFFF80  }
0x5d: {  	[tilespmem:s16], [sflag:$0x2] =	stream.linear.gather [hbm4b:s31+s3], $0x80, $0x38;
	[tilespmem:$0x17D00] =	vst v63  }
0x5e: {  	_ =	swait.ge [sflag:s15], $0x80  }
0x5f: {  	[sflag:s15] =	ssyncset.done $0x0  }
0x60: {  	[sflag:s15] =	ssyncadd.s32 $0xFFFFFF80  }
0x61: {  	[tilespmem:s14], [sflag:$0x1] =	stream.indirect.gather [hbm4b:s4+s16], $0x80, s3, s16, $0xb8;
	[tilespmem:$0x17D00] =	vst v63  }
0x62: {  	_ =	swait.ge [sflag:s17], $0x4000  }
0x63: {  	[sflag:s17] =	ssyncset.done $0x0  }
0x64: {  	[sflag:s17] =	ssyncadd.s32 $0xFFFFC000  }
0x65: {  	[spmem:s2] =	stream.indirect.scatter.add.f32 [tilespmem:s14], [sflag:$0x2], $0x80, s16, s16, $0xb8;
	[tilespmem:$0x17D00] =	vst v63  }
0x66: {  	_ =	swait.ge [sflag:s15], $0x4000  }
0x67: {  	s20 =	sadd.s32 $0x1, s20;
	[sflag:s15] =	ssyncset.done $0x0  }
0x68: {  	p0 =	sne.s32 s20, s8;
	[sflag:s15] =	ssyncadd.s32 $0xFFFFC000  }
.Ltmp2:
0x69: {  	[bflag:$0x0] =	sbarrier.arrive $0xFFFF;
	(pc) =	sbr.rel @p0 .LBB2_1-.Ltmp2, $4  }
0x6a: {  	[hbm:s7], [sflag:s18] =	dma.local [spmem:s19], $0x2780  }
0x6b: {  	_ =	swait.ge [sflag:s15], $0x2780  }
0x6c: {  	[sflag:s15] =	ssyncset.done $0x0  }
0x6d: {  	[sflag:s15] =	ssyncadd.s32 $0xFFFFD880  }
0x6e: {  	_ =	sfence.sel $0x180000  }
0x6f: {  	[bflag:$0x0] =	sbarrier.arrive $0xFFFF  }
0x70: {  	p0 =	sne.s32 s1, $0x0;
	_ =	strace $0x90000050  }
0x71: {  	s0 =	sadd.s32 @!p0 $0x100000, s0;
	[bflag:$0x2] =	sbarrier.arrive $0xFFFF  }
0x72: {  	[sflag:s0] =	ssyncadd.tile.s32 @!p0 $0x1;
	_ =	shalt  }
.Lfunc_end2:
_tile_overlayer_lowered:
.L_overlay_start_2:
0x73: {  	(tag) =	ssettag $0x2  }
0x74: {  	s0 =	rddreg [dreg:$0x0];
	s2 =	stileid.u32  }
0x75: {  	s1 =	rddreg [dreg:$0x1];
	p0 =	sne.s32 s2, $0x0  }
0x76: {  	s3 =	rddreg [dreg:$0x2];
	[bflag:$0x3] =	sbarrier.arrive $0xFFFF;
	s2 =	simm.s32 @!p0 $0x1C02  }
0x77: {  	[timem:s3], [sflag:s2] =	dma.local @!p0 [hbm:s0], s1  }
0x78: {  	s0 =	simm.s32 @!p0 $0x2  }
0x79: {  	_ =	swait.ge @!p0 [sflag:s0], s1  }
0x7a: {  	s1 =	ssub.s32 @!p0 $0x0, s1;
	[sflag:s0] =	ssyncset.done @!p0 $0x0  }
0x7b: {  	[sflag:s0] =	ssyncadd.s32 @!p0 s1  }
0x7c: {  	[bflag:$0x3] =	sbarrier.arrive $0xFFFF  }
0x7d: {  	_ =	shalt  }

</sc_bundles>
